<compile_context>
chip_gen: v7x
topology: tpu7x:2x2x1
jax: 0.10.2.dev20260603
libtpu: 0.0.44.dev20260713+nightly
codegen_flags: <defaults>
</compile_context>

<pallas_src>
import functools
import math

import jax
import jax.numpy as jnp
from jax import lax
from jax.experimental import pallas as pl
from jax.experimental.pallas import tpu as pltpu
from jax.experimental.pallas import tpu_sc as plsc

_UNITS = 1000000
_NEG = 8192
_BATCH = 4096
_DIM = 64
_BB = 512

_LOG_U1 = math.log(float(_UNITS) + 1.0)
_LOG_CONST = math.log(float(_NEG)) - math.log(_LOG_U1)

_IDXW = 128
_NW = 32
_SCH = _NEG // _NW // _IDXW
_TCH = _BATCH // _NW // _IDXW


_CH64 = 64


def _gather_rows(table_hbm, idx, chunk, base64, rows_out, out_base,
                 slabs, sem, lanes):
    def issue(j, _):
        g = j // 16
        l = j % 16
        vec = idx[chunk, pl.ds(base64 + g * 16, 16)]
        sid = jnp.max(jnp.where(lanes == l, vec, 0))
        base = pl.multiple_of(sid - (sid % 8), 8)
        cp = pltpu.make_async_copy(
            table_hbm.at[pl.ds(base, 8), :],
            slabs.at[pl.ds(pl.multiple_of(j * 8, 8), 8), :], sem)
        cp.start()
        return 0

    lax.fori_loop(0, _CH64, issue, 0)

    def drain(j, _):
        pltpu.make_async_copy(table_hbm.at[pl.ds(0, 8), :],
                              slabs.at[pl.ds(0, 8), :], sem).wait()
        return 0

    lax.fori_loop(0, _CH64, drain, 0)

    def extract(j, _):
        g = j // 16
        l = j % 16
        vec = idx[chunk, pl.ds(base64 + g * 16, 16)]
        sid = jnp.max(jnp.where(lanes == l, vec, 0))
        row = j * 8 + (sid % 8)
        for k in range(_DIM // 16):
            rows_out[out_base + j, pl.ds(k * 16, 16)] = (
                slabs[row, pl.ds(k * 16, 16)])
        return 0

    lax.fori_loop(0, _CH64, extract, 0)


def _sc_w_body(table_hbm, sampled2_hbm, targets2_hbm, sw_out, tw_out,
               sidx, tidx, srows, trows, slabs, sem):
    wid = lax.axis_index("s") * 2 + lax.axis_index("c")
    s_per_w = _SCH * _IDXW
    t_per_w = _TCH * _IDXW
    lanes = lax.broadcasted_iota(jnp.int32, (16,), 0)

    pltpu.sync_copy(sampled2_hbm.at[pl.ds(wid * _SCH, _SCH)], sidx)
    pltpu.sync_copy(targets2_hbm.at[pl.ds(wid * _TCH, _TCH)], tidx)

    for sub in range(s_per_w // _CH64):
        _gather_rows(table_hbm, sidx, sub // 2, (sub % 2) * _CH64,
                     srows, sub * _CH64, slabs, sem, lanes)
    for sub in range(t_per_w // _CH64):
        _gather_rows(table_hbm, tidx, sub // 2, (sub % 2) * _CH64,
                     trows, sub * _CH64, slabs, sem, lanes)

    pltpu.sync_copy(srows, sw_out.at[pl.ds(wid * s_per_w, s_per_w)])
    pltpu.sync_copy(trows, tw_out.at[pl.ds(wid * t_per_w, t_per_w)])


def _sc_gather_w(table, sampled2, targets2):
    mesh = plsc.VectorSubcoreMesh(core_axis_name="c", subcore_axis_name="s")
    fn = functools.partial(
        pl.kernel, mesh=mesh,
        compiler_params=pltpu.CompilerParams(needs_layout_passes=False),
        out_type=[
            jax.ShapeDtypeStruct((_NEG, _DIM), jnp.float32),
            jax.ShapeDtypeStruct((_BATCH, _DIM), jnp.float32),
        ],
        scratch_types=[
            pltpu.VMEM((_SCH, _IDXW), jnp.int32),
            pltpu.VMEM((_TCH, _IDXW), jnp.int32),
            pltpu.VMEM((_SCH * _IDXW, _DIM), jnp.float32),
            pltpu.VMEM((_TCH * _IDXW, _DIM), jnp.float32),
            pltpu.VMEM((_CH64 * 8, _DIM), jnp.float32),
            pltpu.SemaphoreType.DMA,
        ],
    )(_sc_w_body)
    return fn(table, sampled2, targets2)


def _sc_b_body(bias_hbm, sampled2_hbm, targets2_hbm, sb_out, tb_out,
               sidx, tidx, sbias, tbias, sem):
    wid = lax.axis_index("s") * 2 + lax.axis_index("c")
    s_per_w = _SCH * _IDXW
    t_per_w = _TCH * _IDXW

    pltpu.sync_copy(sampled2_hbm.at[pl.ds(wid * _SCH, _SCH)], sidx)
    pltpu.sync_copy(targets2_hbm.at[pl.ds(wid * _TCH, _TCH)], tidx)

    cps = []
    for c in range(_SCH):
        cps.append(pltpu.async_copy(
            bias_hbm.at[sidx.at[c]], sbias.at[pl.ds(c * _IDXW, _IDXW)], sem))
    for c in range(_TCH):
        cps.append(pltpu.async_copy(
            bias_hbm.at[tidx.at[c]], tbias.at[pl.ds(c * _IDXW, _IDXW)], sem))
    for cp in cps:
        cp.wait()

    pltpu.sync_copy(sbias, sb_out.at[pl.ds(wid * s_per_w, s_per_w)])
    pltpu.sync_copy(tbias, tb_out.at[pl.ds(wid * t_per_w, t_per_w)])


def _sc_gather_b(bias, sampled2, targets2):
    mesh = plsc.VectorSubcoreMesh(core_axis_name="c", subcore_axis_name="s")
    fn = functools.partial(
        pl.kernel, mesh=mesh,
        compiler_params=pltpu.CompilerParams(use_tc_tiling_on_sc=False),
        out_type=[
            jax.ShapeDtypeStruct((_NEG,), jnp.float32),
            jax.ShapeDtypeStruct((_BATCH,), jnp.float32),
        ],
        scratch_types=[
            pltpu.VMEM((_SCH, _IDXW), jnp.int32),
            pltpu.VMEM((_TCH, _IDXW), jnp.int32),
            pltpu.VMEM((_SCH * _IDXW,), jnp.float32),
            pltpu.VMEM((_TCH * _IDXW,), jnp.float32),
            pltpu.SemaphoreType.DMA,
        ],
    )(_sc_b_body)
    return fn(bias, sampled2, targets2)


def _loss_body(x_ref, tw_ref, tb_ref, tid_ref, sw_ref, sb_ref, sid_ref,
               out_ref):
    i = pl.program_id(0)
    x = x_ref[...]
    tw = tw_ref[...]
    tb = tb_ref[...]
    tid = tid_ref[...]
    sw = sw_ref[...]
    sb = sb_ref[...]
    sid = sid_ref[...]

    tidf = tid.astype(jnp.float32)
    log_np_t = jnp.log(jnp.log(tidf + 2.0) - jnp.log(tidf + 1.0)) + _LOG_CONST
    true_logits = (jnp.sum(x * tw, axis=1, keepdims=True) + tb - log_np_t)

    sidf = sid.astype(jnp.float32)
    log_np_s = jnp.log(jnp.log(sidf + 2.0) - jnp.log(sidf + 1.0)) + _LOG_CONST
    sl = lax.dot_general(x, sw, (((1,), (1,)), ((), ())),
                         preferred_element_type=jnp.float32)
    sl = sl + (sb - log_np_s)
    sl = jnp.where(tid == sid, sl - 1e9, sl)

    m = jnp.maximum(jnp.max(sl, axis=1, keepdims=True), true_logits)
    se = jnp.sum(jnp.exp(sl - m), axis=1, keepdims=True) + jnp.exp(true_logits - m)
    per_ex = jnp.log(se) + m - true_logits
    part = jnp.sum(per_ex) * (1.0 / _BATCH)

    @pl.when(i == 0)
    def _():
        out_ref[0, 0] = 0.0

    out_ref[0, 0] += part


def _loss(logits, tw, tb2, tid2, sw, sb2, sid2):
    return pl.pallas_call(
        _loss_body,
        grid=(_BATCH // _BB,),
        in_specs=[
            pl.BlockSpec((_BB, _DIM), lambda i: (i, 0)),
            pl.BlockSpec((_BB, _DIM), lambda i: (i, 0)),
            pl.BlockSpec((_BB, 1), lambda i: (i, 0)),
            pl.BlockSpec((_BB, 1), lambda i: (i, 0)),
            pl.BlockSpec((_NEG, _DIM), lambda i: (0, 0)),
            pl.BlockSpec((1, _NEG), lambda i: (0, 0)),
            pl.BlockSpec((1, _NEG), lambda i: (0, 0)),
        ],
        out_specs=pl.BlockSpec(memory_space=pltpu.SMEM),
        out_shape=jax.ShapeDtypeStruct((1, 1), jnp.float32),
    )(logits, tw, tb2, tid2, sw, sb2, sid2)


def kernel(logits, targets, kernel, bias, sampled):
    sampled2 = sampled.reshape(_NEG // _IDXW, _IDXW)
    targets2 = targets.reshape(_BATCH // _IDXW, _IDXW)
    sw, tw = _sc_gather_w(kernel, sampled2, targets2)
    sb, tb = _sc_gather_b(bias, sampled2, targets2)
    out = _loss(logits, tw, tb.reshape(_BATCH, 1), targets.reshape(_BATCH, 1),
                sw, sb.reshape(1, _NEG), sampled.reshape(1, _NEG))
    return out[0, 0]

# --- scband reference (transcript-rebuilt; emitter-appended) ---
"""Pipeline reference for scband-sampled-sofmax-33414845563312 (READ-ONLY COPY).

The authoritative reference and input builder live on the scoring server;
editing this copy changes nothing except your own understanding.
"""

import jax, jax.numpy as jnp
import numpy as np

UNITS = 1000000
NEGATIVES = 8192
BATCH = 4096
DIM = 64


def _log_uniform_prob(ids, units):
    idsf = ids.astype(jnp.float32)
    return (jnp.log(idsf + 2.0) - jnp.log(idsf + 1.0)) / jnp.log(float(units) + 1.0)


def setup_inputs(seed: int = 0):
    key = jax.random.key(seed)
    k1, k2, k3, k4 = jax.random.split(key, 4)
    logits = jax.random.normal(k1, (BATCH, DIM), dtype=jnp.float32)
    targets = jax.random.randint(k2, (BATCH,), 0, UNITS, dtype=jnp.int32)
    kernel = jax.random.normal(k3, (UNITS, DIM), dtype=jnp.float32) * 0.02
    bias = jnp.zeros((UNITS,), dtype=jnp.float32)
    # log-uniform (Zipfian) candidate sampler, matching tf.random.log_uniform_candidate_sampler
    u = jax.random.uniform(k4, (NEGATIVES,), dtype=jnp.float32)
    sampled = jnp.clip((jnp.floor(jnp.exp(u * jnp.log(float(UNITS) + 1.0))) - 1.0).astype(jnp.int32), 0, UNITS - 1)
    return {"logits": logits, "targets": targets, "kernel": kernel, "bias": bias, "sampled": sampled}


def reference(logits, targets, kernel, bias, sampled):
    # Faithful translation of SampledSofmax.call with return_probs=False:
    # computes tf.nn.sampled_softmax_loss and reduces with sum_over_batch_size (mean).
    inputs_flat = logits.reshape(-1, DIM)
    targets_flat = targets.reshape(-1)
    # true class logits
    true_w = jnp.take(kernel, targets_flat, axis=0)          # [B, D] gather
    true_b = jnp.take(bias, targets_flat, axis=0)            # [B] gather
    p_true = _log_uniform_prob(targets_flat, UNITS)
    true_logits = jnp.sum(inputs_flat * true_w, axis=-1) + true_b - jnp.log(NEGATIVES * p_true)
    # sampled class logits
    sampled_w = jnp.take(kernel, sampled, axis=0)            # [S, D] gather
    sampled_b = jnp.take(bias, sampled, axis=0)              # [S] gather
    p_samp = _log_uniform_prob(sampled, UNITS)
    sampled_logits = inputs_flat @ sampled_w.T + sampled_b[None, :] - jnp.log(NEGATIVES * p_samp)[None, :]
    # remove accidental hits (default in tf.nn.sampled_softmax_loss)
    acc = (targets_flat[:, None] == sampled[None, :]).astype(jnp.float32)
    sampled_logits = sampled_logits - acc * 1e9
    # softmax cross entropy with true class in column 0
    out_logits = jnp.concatenate([true_logits[:, None], sampled_logits], axis=1)
    per_example = jax.nn.logsumexp(out_logits, axis=-1) - out_logits[:, 0]
    loss = jnp.mean(per_example)
    return loss

if __name__ == "__main__":
    import jax
    _d = setup_inputs()
    print(jax.jit(kernel)(*tuple(_d.values())))

</pallas_src>

<mosaic_0001>
#map = affine_map<(d0, d1) -> (0)>
#map1 = affine_map<(d0, d1) -> (0, 0)>
module attributes {stable_mosaic.version = 14 : i64} {
  func.func @_sc_b_body(%arg0: i32, %arg1: i32, %arg2: memref<1000000xf32, #tpu.memory_space<hbm>>, %arg3: memref<64x128xi32, #tpu.memory_space<hbm>>, %arg4: memref<32x128xi32, #tpu.memory_space<hbm>>, %arg5: memref<8192xf32, #tpu.memory_space<hbm>>, %arg6: memref<4096xf32, #tpu.memory_space<hbm>>, %arg7: memref<2x128xi32, #tpu.memory_space<vmem>>, %arg8: memref<1x128xi32, #tpu.memory_space<vmem>>, %arg9: memref<256xf32, #tpu.memory_space<vmem>>, %arg10: memref<128xf32, #tpu.memory_space<vmem>>, %arg11: memref<!tpu.dma_semaphore, #tpu.memory_space<semaphore_mem>>) attributes {dimension_semantics = [#tpu.dimension_semantics<core_parallel>, #tpu.dimension_semantics<subcore_parallel>], iteration_bounds = array<i64: 2, 16>, scalar_prefetch = 0 : i64, scratch_operands = 5 : i64, tpu.core_type = #tpu.core_type<sc_vector_subcore>, window_params = [{transform_indices = #map}, {transform_indices = #map1}, {transform_indices = #map1}, {transform_indices = #map}, {transform_indices = #map}]} {
    %mul3A = arith.constant 2 : i32
    %mul3A_0 = arith.muli %arg1, %mul3A : i32
    %add3A = arith.addi %mul3A_0, %arg0 : i32
    %mul3A_1 = arith.constant 2 : i32
    %mul3A_2 = arith.muli %add3A, %mul3A_1 : i32
    "tpu.region"() ({
      %run_scoped3A = tpu.sem_alloc : memref<!tpu.dma_semaphore, #tpu.memory_space<semaphore_mem>>
      %dma_start3A_55 = arith.constant 0 : i32
      %dma_start3A_56 = tpu.memref_slice %arg3[%mul3A_2, %dma_start3A_55] : memref<64x128xi32, #tpu.memory_space<hbm>> -> memref<2x128xi32, #tpu.memory_space<hbm>>
      %dma_start3A_57 = arith.constant 0 : i32
      %dma_start3A_58 = tpu.memref_slice %arg3[%mul3A_2, %dma_start3A_57] : memref<64x128xi32, #tpu.memory_space<hbm>> -> memref<2x128xi32, #tpu.memory_space<hbm>>
      tpu.enqueue_dma source(%dma_start3A_58 : memref<2x128xi32, #tpu.memory_space<hbm>>) target(%arg7 : memref<2x128xi32, #tpu.memory_space<vmem>>) target_semaphore(%run_scoped3A : memref<!tpu.dma_semaphore, #tpu.memory_space<semaphore_mem>>)
      %dma_wait3A_59 = arith.constant 0 : i32
      %dma_wait3A_60 = tpu.memref_slice %arg3[%mul3A_2, %dma_wait3A_59] : memref<64x128xi32, #tpu.memory_space<hbm>> -> memref<2x128xi32, #tpu.memory_space<hbm>>
      %dma_wait3A_61 = arith.constant 0 : i32
      %dma_wait3A_62 = tpu.memref_slice %arg3[%mul3A_2, %dma_wait3A_61] : memref<64x128xi32, #tpu.memory_space<hbm>> -> memref<2x128xi32, #tpu.memory_space<hbm>>
      tpu.wait_dma2 semaphore(%run_scoped3A : memref<!tpu.dma_semaphore, #tpu.memory_space<semaphore_mem>>) src(%dma_wait3A_62 : memref<2x128xi32, #tpu.memory_space<hbm>>) dst(%arg7 : memref<2x128xi32, #tpu.memory_space<vmem>>)
      tpu.yield
    }) : () -> ()
    %mul3A_3 = arith.constant 1 : i32
    %mul3A_4 = arith.muli %add3A, %mul3A_3 : i32
    "tpu.region"() ({
      %run_scoped3A = tpu.sem_alloc : memref<!tpu.dma_semaphore, #tpu.memory_space<semaphore_mem>>
      %dma_start3A_55 = arith.constant 0 : i32
      %dma_start3A_56 = tpu.memref_slice %arg4[%mul3A_4, %dma_start3A_55] : memref<32x128xi32, #tpu.memory_space<hbm>> -> memref<1x128xi32, #tpu.memory_space<hbm>>
      %dma_start3A_57 = arith.constant 0 : i32
      %dma_start3A_58 = tpu.memref_slice %arg4[%mul3A_4, %dma_start3A_57] : memref<32x128xi32, #tpu.memory_space<hbm>> -> memref<1x128xi32, #tpu.memory_space<hbm>>
      tpu.enqueue_dma source(%dma_start3A_58 : memref<1x128xi32, #tpu.memory_space<hbm>>) target(%arg8 : memref<1x128xi32, #tpu.memory_space<vmem>>) target_semaphore(%run_scoped3A : memref<!tpu.dma_semaphore, #tpu.memory_space<semaphore_mem>>)
      %dma_wait3A_59 = arith.constant 0 : i32
      %dma_wait3A_60 = tpu.memref_slice %arg4[%mul3A_4, %dma_wait3A_59] : memref<32x128xi32, #tpu.memory_space<hbm>> -> memref<1x128xi32, #tpu.memory_space<hbm>>
      %dma_wait3A_61 = arith.constant 0 : i32
      %dma_wait3A_62 = tpu.memref_slice %arg4[%mul3A_4, %dma_wait3A_61] : memref<32x128xi32, #tpu.memory_space<hbm>> -> memref<1x128xi32, #tpu.memory_space<hbm>>
      tpu.wait_dma2 semaphore(%run_scoped3A : memref<!tpu.dma_semaphore, #tpu.memory_space<semaphore_mem>>) src(%dma_wait3A_62 : memref<1x128xi32, #tpu.memory_space<hbm>>) dst(%arg8 : memref<1x128xi32, #tpu.memory_space<vmem>>)
      tpu.yield
    }) : () -> ()
    %dma_start3A = arith.constant 0 : i32
    %dma_start3A_5 = arith.constant 0 : i32
    %dma_start3A_6 = tpu.memref_slice %arg9[%dma_start3A_5] : memref<256xf32, #tpu.memory_space<vmem>> -> memref<128xf32, #tpu.memory_space<vmem>>
    %dma_start3A_7 = arith.constant 0 : i32
    %dma_start3A_8 = tpu.memref_slice %arg7[%dma_start3A, %dma_start3A_7] : memref<2x128xi32, #tpu.memory_space<vmem>> -> memref<1x128xi32, #tpu.memory_space<vmem>>
    %dma_start3A_9 = tpu.memref_squeeze %dma_start3A_8 : memref<1x128xi32, #tpu.memory_space<vmem>> -> memref<128xi32, #tpu.memory_space<vmem>>
    %dma_start3A_10 = arith.constant 0 : i32
    %dma_start3A_11 = tpu.memref_slice %arg2[%dma_start3A_10] : memref<1000000xf32, #tpu.memory_space<hbm>> -> memref<1000000xf32, #tpu.memory_space<hbm>>
    tpu.enqueue_indirect_dma source(%dma_start3A_11 : memref<1000000xf32, #tpu.memory_space<hbm>>) target(%dma_start3A_6 : memref<128xf32, #tpu.memory_space<vmem>>) offsets(%dma_start3A_9 : memref<128xi32, #tpu.memory_space<vmem>>) semaphore(%arg11 : memref<!tpu.dma_semaphore, #tpu.memory_space<semaphore_mem>>)
    %dma_start3A_12 = arith.constant 1 : i32
    %dma_start3A_13 = arith.constant 128 : i32
    %dma_start3A_14 = tpu.memref_slice %arg9[%dma_start3A_13] : memref<256xf32, #tpu.memory_space<vmem>> -> memref<128xf32, #tpu.memory_space<vmem>>
    %dma_start3A_15 = arith.constant 0 : i32
    %dma_start3A_16 = tpu.memref_slice %arg7[%dma_start3A_12, %dma_start3A_15] : memref<2x128xi32, #tpu.memory_space<vmem>> -> memref<1x128xi32, #tpu.memory_space<vmem>>
    %dma_start3A_17 = tpu.memref_squeeze %dma_start3A_16 : memref<1x128xi32, #tpu.memory_space<vmem>> -> memref<128xi32, #tpu.memory_space<vmem>>
    %dma_start3A_18 = arith.constant 0 : i32
    %dma_start3A_19 = tpu.memref_slice %arg2[%dma_start3A_18] : memref<1000000xf32, #tpu.memory_space<hbm>> -> memref<1000000xf32, #tpu.memory_space<hbm>>
    tpu.enqueue_indirect_dma source(%dma_start3A_19 : memref<1000000xf32, #tpu.memory_space<hbm>>) target(%dma_start3A_14 : memref<128xf32, #tpu.memory_space<vmem>>) offsets(%dma_start3A_17 : memref<128xi32, #tpu.memory_space<vmem>>) semaphore(%arg11 : memref<!tpu.dma_semaphore, #tpu.memory_space<semaphore_mem>>)
    %dma_start3A_20 = arith.constant 0 : i32
    %dma_start3A_21 = arith.constant 0 : i32
    %dma_start3A_22 = tpu.memref_slice %arg10[%dma_start3A_21] : memref<128xf32, #tpu.memory_space<vmem>> -> memref<128xf32, #tpu.memory_space<vmem>>
    %dma_start3A_23 = arith.constant 0 : i32
    %dma_start3A_24 = tpu.memref_slice %arg8[%dma_start3A_20, %dma_start3A_23] : memref<1x128xi32, #tpu.memory_space<vmem>> -> memref<1x128xi32, #tpu.memory_space<vmem>>
    %dma_start3A_25 = tpu.memref_squeeze %dma_start3A_24 : memref<1x128xi32, #tpu.memory_space<vmem>> -> memref<128xi32, #tpu.memory_space<vmem>>
    %dma_start3A_26 = arith.constant 0 : i32
    %dma_start3A_27 = tpu.memref_slice %arg2[%dma_start3A_26] : memref<1000000xf32, #tpu.memory_space<hbm>> -> memref<1000000xf32, #tpu.memory_space<hbm>>
    tpu.enqueue_indirect_dma source(%dma_start3A_27 : memref<1000000xf32, #tpu.memory_space<hbm>>) target(%dma_start3A_22 : memref<128xf32, #tpu.memory_space<vmem>>) offsets(%dma_start3A_25 : memref<128xi32, #tpu.memory_space<vmem>>) semaphore(%arg11 : memref<!tpu.dma_semaphore, #tpu.memory_space<semaphore_mem>>)
    %dma_wait3A = arith.constant 0 : i32
    %dma_wait3A_28 = arith.constant 0 : i32
    %dma_wait3A_29 = tpu.memref_slice %arg9[%dma_wait3A_28] : memref<256xf32, #tpu.memory_space<vmem>> -> memref<128xf32, #tpu.memory_space<vmem>>
    %dma_wait3A_30 = arith.constant 0 : i32
    %dma_wait3A_31 = tpu.memref_slice %arg7[%dma_wait3A, %dma_wait3A_30] : memref<2x128xi32, #tpu.memory_space<vmem>> -> memref<1x128xi32, #tpu.memory_space<vmem>>
    %dma_wait3A_32 = tpu.memref_squeeze %dma_wait3A_31 : memref<1x128xi32, #tpu.memory_space<vmem>> -> memref<128xi32, #tpu.memory_space<vmem>>
    %dma_wait3A_33 = arith.constant 0 : i32
    %dma_wait3A_34 = tpu.memref_slice %arg2[%dma_wait3A_33] : memref<1000000xf32, #tpu.memory_space<hbm>> -> memref<1000000xf32, #tpu.memory_space<hbm>>
    tpu.wait_indirect_dma semaphore(%arg11 : memref<!tpu.dma_semaphore, #tpu.memory_space<semaphore_mem>>) src(%dma_wait3A_34 : memref<1000000xf32, #tpu.memory_space<hbm>>) dst(%dma_wait3A_29 : memref<128xf32, #tpu.memory_space<vmem>>)
    %dma_wait3A_35 = arith.constant 1 : i32
    %dma_wait3A_36 = arith.constant 128 : i32
    %dma_wait3A_37 = tpu.memref_slice %arg9[%dma_wait3A_36] : memref<256xf32, #tpu.memory_space<vmem>> -> memref<128xf32, #tpu.memory_space<vmem>>
    %dma_wait3A_38 = arith.constant 0 : i32
    %dma_wait3A_39 = tpu.memref_slice %arg7[%dma_wait3A_35, %dma_wait3A_38] : memref<2x128xi32, #tpu.memory_space<vmem>> -> memref<1x128xi32, #tpu.memory_space<vmem>>
    %dma_wait3A_40 = tpu.memref_squeeze %dma_wait3A_39 : memref<1x128xi32, #tpu.memory_space<vmem>> -> memref<128xi32, #tpu.memory_space<vmem>>
    %dma_wait3A_41 = arith.constant 0 : i32
    %dma_wait3A_42 = tpu.memref_slice %arg2[%dma_wait3A_41] : memref<1000000xf32, #tpu.memory_space<hbm>> -> memref<1000000xf32, #tpu.memory_space<hbm>>
    tpu.wait_indirect_dma semaphore(%arg11 : memref<!tpu.dma_semaphore, #tpu.memory_space<semaphore_mem>>) src(%dma_wait3A_42 : memref<1000000xf32, #tpu.memory_space<hbm>>) dst(%dma_wait3A_37 : memref<128xf32, #tpu.memory_space<vmem>>)
    %dma_wait3A_43 = arith.constant 0 : i32
    %dma_wait3A_44 = arith.constant 0 : i32
    %dma_wait3A_45 = tpu.memref_slice %arg10[%dma_wait3A_44] : memref<128xf32, #tpu.memory_space<vmem>> -> memref<128xf32, #tpu.memory_space<vmem>>
    %dma_wait3A_46 = arith.constant 0 : i32
    %dma_wait3A_47 = tpu.memref_slice %arg8[%dma_wait3A_43, %dma_wait3A_46] : memref<1x128xi32, #tpu.memory_space<vmem>> -> memref<1x128xi32, #tpu.memory_space<vmem>>
    %dma_wait3A_48 = tpu.memref_squeeze %dma_wait3A_47 : memref<1x128xi32, #tpu.memory_space<vmem>> -> memref<128xi32, #tpu.memory_space<vmem>>
    %dma_wait3A_49 = arith.constant 0 : i32
    %dma_wait3A_50 = tpu.memref_slice %arg2[%dma_wait3A_49] : memref<1000000xf32, #tpu.memory_space<hbm>> -> memref<1000000xf32, #tpu.memory_space<hbm>>
    tpu.wait_indirect_dma semaphore(%arg11 : memref<!tpu.dma_semaphore, #tpu.memory_space<semaphore_mem>>) src(%dma_wait3A_50 : memref<1000000xf32, #tpu.memory_space<hbm>>) dst(%dma_wait3A_45 : memref<128xf32, #tpu.memory_space<vmem>>)
    %mul3A_51 = arith.constant 256 : i32
    %mul3A_52 = arith.muli %add3A, %mul3A_51 : i32
    "tpu.region"() ({
      %run_scoped3A = tpu.sem_alloc : memref<!tpu.dma_semaphore, #tpu.memory_space<semaphore_mem>>
      %dma_start3A_55 = tpu.memref_slice %arg5[%mul3A_52] : memref<8192xf32, #tpu.memory_space<hbm>> -> memref<256xf32, #tpu.memory_space<hbm>>
      %dma_start3A_56 = tpu.memref_slice %arg5[%mul3A_52] : memref<8192xf32, #tpu.memory_space<hbm>> -> memref<256xf32, #tpu.memory_space<hbm>>
      tpu.enqueue_dma source(%arg9 : memref<256xf32, #tpu.memory_space<vmem>>) target(%dma_start3A_56 : memref<256xf32, #tpu.memory_space<hbm>>) target_semaphore(%run_scoped3A : memref<!tpu.dma_semaphore, #tpu.memory_space<semaphore_mem>>)
      %dma_wait3A_57 = tpu.memref_slice %arg5[%mul3A_52] : memref<8192xf32, #tpu.memory_space<hbm>> -> memref<256xf32, #tpu.memory_space<hbm>>
      %dma_wait3A_58 = tpu.memref_slice %arg5[%mul3A_52] : memref<8192xf32, #tpu.memory_space<hbm>> -> memref<256xf32, #tpu.memory_space<hbm>>
      tpu.wait_dma2 semaphore(%run_scoped3A : memref<!tpu.dma_semaphore, #tpu.memory_space<semaphore_mem>>) src(%arg9 : memref<256xf32, #tpu.memory_space<vmem>>) dst(%dma_wait3A_58 : memref<256xf32, #tpu.memory_space<hbm>>)
      tpu.yield
    }) : () -> ()
    %mul3A_53 = arith.constant 128 : i32
    %mul3A_54 = arith.muli %add3A, %mul3A_53 : i32
    "tpu.region"() ({
      %run_scoped3A = tpu.sem_alloc : memref<!tpu.dma_semaphore, #tpu.memory_space<semaphore_mem>>
      %dma_start3A_55 = tpu.memref_slice %arg6[%mul3A_54] : memref<4096xf32, #tpu.memory_space<hbm>> -> memref<128xf32, #tpu.memory_space<hbm>>
      %dma_start3A_56 = tpu.memref_slice %arg6[%mul3A_54] : memref<4096xf32, #tpu.memory_space<hbm>> -> memref<128xf32, #tpu.memory_space<hbm>>
      tpu.enqueue_dma source(%arg10 : memref<128xf32, #tpu.memory_space<vmem>>) target(%dma_start3A_56 : memref<128xf32, #tpu.memory_space<hbm>>) target_semaphore(%run_scoped3A : memref<!tpu.dma_semaphore, #tpu.memory_space<semaphore_mem>>)
      %dma_wait3A_57 = tpu.memref_slice %arg6[%mul3A_54] : memref<4096xf32, #tpu.memory_space<hbm>> -> memref<128xf32, #tpu.memory_space<hbm>>
      %dma_wait3A_58 = tpu.memref_slice %arg6[%mul3A_54] : memref<4096xf32, #tpu.memory_space<hbm>> -> memref<128xf32, #tpu.memory_space<hbm>>
      tpu.wait_dma2 semaphore(%run_scoped3A : memref<!tpu.dma_semaphore, #tpu.memory_space<semaphore_mem>>) src(%arg10 : memref<128xf32, #tpu.memory_space<vmem>>) dst(%dma_wait3A_58 : memref<128xf32, #tpu.memory_space<hbm>>)
      tpu.yield
    }) : () -> ()
    return
  }
}

#map = affine_map<(d0, d1) -> (0, 0)>
module attributes {stable_mosaic.version = 14 : i64} {
  func.func @_sc_w_body(%arg0: i32, %arg1: i32, %arg2: memref<1000000x64xf32, #tpu.memory_space<hbm>>, %arg3: memref<64x128xi32, #tpu.memory_space<hbm>>, %arg4: memref<32x128xi32, #tpu.memory_space<hbm>>, %arg5: memref<8192x64xf32, #tpu.memory_space<hbm>>, %arg6: memref<4096x64xf32, #tpu.memory_space<hbm>>, %arg7: memref<2x128xi32, #tpu.memory_space<vmem>>, %arg8: memref<1x128xi32, #tpu.memory_space<vmem>>, %arg9: memref<256x64xf32, #tpu.memory_space<vmem>>, %arg10: memref<128x64xf32, #tpu.memory_space<vmem>>, %arg11: memref<512x64xf32, #tpu.memory_space<vmem>>, %arg12: memref<!tpu.dma_semaphore, #tpu.memory_space<semaphore_mem>>) attributes {dimension_semantics = [#tpu.dimension_semantics<core_parallel>, #tpu.dimension_semantics<subcore_parallel>], iteration_bounds = array<i64: 2, 16>, scalar_prefetch = 0 : i64, scratch_operands = 6 : i64, tpu.core_type = #tpu.core_type<sc_vector_subcore>, window_params = [{transform_indices = #map}, {transform_indices = #map}, {transform_indices = #map}, {transform_indices = #map}, {transform_indices = #map}]} {
    %mul3A = arith.constant 2 : i32
    %mul3A_0 = arith.muli %arg1, %mul3A : i32
    %add3A = arith.addi %mul3A_0, %arg0 : i32
    %iota3A = tpu.iota {dimensions = array<i32: 0>} : vector<16xi32>
    %mul3A_1 = arith.constant 2 : i32
    %mul3A_2 = arith.muli %add3A, %mul3A_1 : i32
    "tpu.region"() ({
      %run_scoped3A = tpu.sem_alloc : memref<!tpu.dma_semaphore, #tpu.memory_space<semaphore_mem>>
      %dma_start3A = arith.constant 0 : i32
      %dma_start3A_134 = tpu.memref_slice %arg3[%mul3A_2, %dma_start3A] : memref<64x128xi32, #tpu.memory_space<hbm>> -> memref<2x128xi32, #tpu.memory_space<hbm>>
      %dma_start3A_135 = arith.constant 0 : i32
      %dma_start3A_136 = tpu.memref_slice %arg3[%mul3A_2, %dma_start3A_135] : memref<64x128xi32, #tpu.memory_space<hbm>> -> memref<2x128xi32, #tpu.memory_space<hbm>>
      tpu.enqueue_dma source(%dma_start3A_136 : memref<2x128xi32, #tpu.memory_space<hbm>>) target(%arg7 : memref<2x128xi32, #tpu.memory_space<vmem>>) target_semaphore(%run_scoped3A : memref<!tpu.dma_semaphore, #tpu.memory_space<semaphore_mem>>)
      %dma_wait3A = arith.constant 0 : i32
      %dma_wait3A_137 = tpu.memref_slice %arg3[%mul3A_2, %dma_wait3A] : memref<64x128xi32, #tpu.memory_space<hbm>> -> memref<2x128xi32, #tpu.memory_space<hbm>>
      %dma_wait3A_138 = arith.constant 0 : i32
      %dma_wait3A_139 = tpu.memref_slice %arg3[%mul3A_2, %dma_wait3A_138] : memref<64x128xi32, #tpu.memory_space<hbm>> -> memref<2x128xi32, #tpu.memory_space<hbm>>
      tpu.wait_dma2 semaphore(%run_scoped3A : memref<!tpu.dma_semaphore, #tpu.memory_space<semaphore_mem>>) src(%dma_wait3A_139 : memref<2x128xi32, #tpu.memory_space<hbm>>) dst(%arg7 : memref<2x128xi32, #tpu.memory_space<vmem>>)
      tpu.yield
    }) : () -> ()
    %mul3A_3 = arith.constant 1 : i32
    %mul3A_4 = arith.muli %add3A, %mul3A_3 : i32
    "tpu.region"() ({
      %run_scoped3A = tpu.sem_alloc : memref<!tpu.dma_semaphore, #tpu.memory_space<semaphore_mem>>
      %dma_start3A = arith.constant 0 : i32
      %dma_start3A_134 = tpu.memref_slice %arg4[%mul3A_4, %dma_start3A] : memref<32x128xi32, #tpu.memory_space<hbm>> -> memref<1x128xi32, #tpu.memory_space<hbm>>
      %dma_start3A_135 = arith.constant 0 : i32
      %dma_start3A_136 = tpu.memref_slice %arg4[%mul3A_4, %dma_start3A_135] : memref<32x128xi32, #tpu.memory_space<hbm>> -> memref<1x128xi32, #tpu.memory_space<hbm>>
      tpu.enqueue_dma source(%dma_start3A_136 : memref<1x128xi32, #tpu.memory_space<hbm>>) target(%arg8 : memref<1x128xi32, #tpu.memory_space<vmem>>) target_semaphore(%run_scoped3A : memref<!tpu.dma_semaphore, #tpu.memory_space<semaphore_mem>>)
      %dma_wait3A = arith.constant 0 : i32
      %dma_wait3A_137 = tpu.memref_slice %arg4[%mul3A_4, %dma_wait3A] : memref<32x128xi32, #tpu.memory_space<hbm>> -> memref<1x128xi32, #tpu.memory_space<hbm>>
      %dma_wait3A_138 = arith.constant 0 : i32
      %dma_wait3A_139 = tpu.memref_slice %arg4[%mul3A_4, %dma_wait3A_138] : memref<32x128xi32, #tpu.memory_space<hbm>> -> memref<1x128xi32, #tpu.memory_space<hbm>>
      tpu.wait_dma2 semaphore(%run_scoped3A : memref<!tpu.dma_semaphore, #tpu.memory_space<semaphore_mem>>) src(%dma_wait3A_139 : memref<1x128xi32, #tpu.memory_space<hbm>>) dst(%arg8 : memref<1x128xi32, #tpu.memory_space<vmem>>)
      tpu.yield
    }) : () -> ()
    %scan3A = arith.constant 0 : i32
    %scan3A_5 = arith.constant 0 : i32
    %scan3A_6 = arith.constant 64 : i32
    %scan3A_7 = arith.addi %scan3A_5, %scan3A_6 : i32
    %scan3A_8 = arith.constant 1 : i32
    %scan3A_9 = scf.for %scan3A_134 = %scan3A_5 to %scan3A_7 step %scan3A_8 iter_args(%scan3A_135 = %scan3A) -> (i32)  : i32 {
      %jit3A = arith.constant 16 : i32
      %div3A = arith.divsi %scan3A_134, %jit3A : i32
      %sign3A = arith.constant 0 : i32
      %sign3A_136 = arith.cmpi sgt, %scan3A_134, %sign3A : i32
      %sign3A_137 = arith.extui %sign3A_136 : i1 to i32
      %sign3A_138 = arith.constant 0 : i32
      %sign3A_139 = arith.cmpi slt, %scan3A_134, %sign3A_138 : i32
      %sign3A_140 = arith.extui %sign3A_139 : i1 to i32
      %sign3A_141 = arith.subi %sign3A_137, %sign3A_140 : i32
      %sign3A_142 = arith.constant 0 : i32
      %sign3A_143 = arith.cmpi sgt, %jit3A, %sign3A_142 : i32
      %sign3A_144 = arith.extui %sign3A_143 : i1 to i32
      %sign3A_145 = arith.constant 0 : i32
      %sign3A_146 = arith.cmpi slt, %jit3A, %sign3A_145 : i32
      %sign3A_147 = arith.extui %sign3A_146 : i1 to i32
      %sign3A_148 = arith.subi %sign3A_144, %sign3A_147 : i32
      %ne3A = arith.cmpi ne, %sign3A_141, %sign3A_148 : i32
      %rem3A = arith.remsi %scan3A_134, %jit3A : i32
      %ne3A_149 = arith.constant 0 : i32
      %ne3A_150 = arith.cmpi ne, %rem3A, %ne3A_149 : i32
      %and3A = arith.andi %ne3A, %ne3A_150 : i1
      %sub3A = arith.constant 1 : i32
      %sub3A_151 = arith.subi %div3A, %sub3A : i32
      %select_n3A = arith.select %and3A, %sub3A_151, %div3A : i32
      %jit3A_152 = arith.constant 16 : i32
      %eq3A = arith.constant 0 : i32
      %eq3A_153 = arith.cmpi eq, %jit3A_152, %eq3A : i32
      %jit3A_154 = arith.constant 1 : i32
      %select_n3A_155 = arith.select %eq3A_153, %jit3A_154, %jit3A_152 : i32
      %rem3A_156 = arith.remsi %scan3A_134, %select_n3A_155 : i32
      %ne3A_157 = arith.constant 0 : i32
      %ne3A_158 = arith.cmpi ne, %rem3A_156, %ne3A_157 : i32
      %lt3A = arith.constant 0 : i32
      %lt3A_159 = arith.cmpi slt, %rem3A_156, %lt3A : i32
      %lt3A_160 = arith.constant 0 : i32
      %lt3A_161 = arith.cmpi slt, %select_n3A_155, %lt3A_160 : i32
      %ne3A_162 = arith.xori %lt3A_159, %lt3A_161 : i1
      %and3A_163 = arith.andi %ne3A_162, %ne3A_158 : i1
      %add3A_164 = arith.addi %rem3A_156, %select_n3A_155 : i32
      %select_n3A_165 = arith.select %and3A_163, %add3A_164, %rem3A_156 : i32
      %mul3A_166 = arith.constant 16 : i32
      %mul3A_167 = arith.muli %select_n3A, %mul3A_166 : i32
      %add3A_168 = arith.constant 0 : i32
      %add3A_169 = arith.addi %add3A_168, %mul3A_167 : i32
      %get3A = arith.constant 0 : i32
      %get3A_170 = arith.index_cast %get3A : i32 to index
      %get3A_171 = arith.index_cast %add3A_169 : i32 to index
      %get3A_172 = tpu.vector_load %arg7[%get3A_170, %get3A_171] {strides = array<i32>} : memref<2x128xi32, #tpu.memory_space<vmem>>, vector<16xi32>,
      %eq3A_173 = vector.broadcast %select_n3A_165 : i32 to vector<16xi32>
      %eq3A_174 = arith.cmpi eq, %iota3A, %eq3A_173 : vector<16xi32>
      %jit3A_175 = arith.constant 0 : i32
      %broadcast_in_dim3A = vector.broadcast %jit3A_175 : i32 to vector<16xi32>
      %select_n3A_176 = arith.select %eq3A_174, %get3A_172, %broadcast_in_dim3A : vector<16xi1>, vector<16xi32>
      %reduce_max3A = arith.constant true
      %reduce_max3A_177 = vector.broadcast %reduce_max3A : i1 to vector<16xi1>
      %reduce_max3A_178 = arith.constant -2147483648 : i32
      %reduce_max3A_179 = vector.broadcast %reduce_max3A_178 : i32 to vector<16xi32>
      %reduce_max3A_180 = arith.xori %select_n3A_176, %reduce_max3A_179 : vector<16xi32>
      %reduce_max3A_181 = tpu.scan <max>, %reduce_max3A_180 masked %reduce_max3A_177 : vector<16xi32>, vector<16xi1> -> vector<16xi32>
      %reduce_max3A_182 = arith.xori %reduce_max3A_181, %reduce_max3A_179 : vector<16xi32>
      %reduce_max3A_183 = vector.extract %reduce_max3A_182[15] : i32 from vector<16xi32>
      %jit3A_184 = arith.constant 8 : i32
      %eq3A_185 = arith.constant 0 : i32
      %eq3A_186 = arith.cmpi eq, %jit3A_184, %eq3A_185 : i32
      %jit3A_187 = arith.constant 1 : i32
      %select_n3A_188 = arith.select %eq3A_186, %jit3A_187, %jit3A_184 : i32
      %rem3A_189 = arith.remsi %reduce_max3A_183, %select_n3A_188 : i32
      %ne3A_190 = arith.constant 0 : i32
      %ne3A_191 = arith.cmpi ne, %rem3A_189, %ne3A_190 : i32
      %lt3A_192 = arith.constant 0 : i32
      %lt3A_193 = arith.cmpi slt, %rem3A_189, %lt3A_192 : i32
      %lt3A_194 = arith.constant 0 : i32
      %lt3A_195 = arith.cmpi slt, %select_n3A_188, %lt3A_194 : i32
      %ne3A_196 = arith.xori %lt3A_193, %lt3A_195 : i1
      %and3A_197 = arith.andi %ne3A_196, %ne3A_191 : i1
      %add3A_198 = arith.addi %rem3A_189, %select_n3A_188 : i32
      %select_n3A_199 = arith.select %and3A_197, %add3A_198, %rem3A_189 : i32
      %sub3A_200 = arith.subi %reduce_max3A_183, %select_n3A_199 : i32
      %multiple_of3A = tpu.assume_multiple %sub3A_200, 8 : i32
      %mul3A_201 = arith.constant 8 : i32
      %mul3A_202 = arith.muli %scan3A_134, %mul3A_201 : i32
      %multiple_of3A_203 = tpu.assume_multiple %mul3A_202, 8 : i32
      %dma_start3A = arith.constant 0 : i32
      %dma_start3A_204 = tpu.memref_slice %arg11[%multiple_of3A_203, %dma_start3A] : memref<512x64xf32, #tpu.memory_space<vmem>> -> memref<8x64xf32, #tpu.memory_space<vmem>>
      %dma_start3A_205 = arith.constant 0 : i32
      %dma_start3A_206 = tpu.memref_slice %arg2[%multiple_of3A, %dma_start3A_205] : memref<1000000x64xf32, #tpu.memory_space<hbm>> -> memref<8x64xf32, #tpu.memory_space<hbm>>
      %dma_start3A_207 = arith.constant 0 : i32
      %dma_start3A_208 = tpu.memref_slice %arg11[%multiple_of3A_203, %dma_start3A_207] : memref<512x64xf32, #tpu.memory_space<vmem>> -> memref<8x64xf32, #tpu.memory_space<vmem>>
      %dma_start3A_209 = arith.constant 0 : i32
      %dma_start3A_210 = tpu.memref_slice %arg2[%multiple_of3A, %dma_start3A_209] : memref<1000000x64xf32, #tpu.memory_space<hbm>> -> memref<8x64xf32, #tpu.memory_space<hbm>>
      tpu.enqueue_dma source(%dma_start3A_210 : memref<8x64xf32, #tpu.memory_space<hbm>>) target(%dma_start3A_208 : memref<8x64xf32, #tpu.memory_space<vmem>>) target_semaphore(%arg12 : memref<!tpu.dma_semaphore, #tpu.memory_space<semaphore_mem>>)
      %scan3A_211 = arith.constant 0 : i32
      scf.yield %scan3A_211 : i32
    }
    %scan3A_10 = arith.constant 64 : i32
    %scan3A_11 = arith.constant 0 : i32
    %scan3A_12 = arith.constant 0 : i32
    %scan3A_13 = arith.constant 64 : i32
    %scan3A_14 = arith.addi %scan3A_12, %scan3A_13 : i32
    %scan3A_15 = arith.constant 1 : i32
    %scan3A_16 = scf.for %scan3A_134 = %scan3A_12 to %scan3A_14 step %scan3A_15 iter_args(%scan3A_135 = %scan3A_11) -> (i32)  : i32 {
      %dma_wait3A = arith.constant 0 : i32
      %dma_wait3A_136 = arith.constant 0 : i32
      %dma_wait3A_137 = tpu.memref_slice %arg11[%dma_wait3A, %dma_wait3A_136] : memref<512x64xf32, #tpu.memory_space<vmem>> -> memref<8x64xf32, #tpu.memory_space<vmem>>
      %dma_wait3A_138 = arith.constant 0 : i32
      %dma_wait3A_139 = arith.constant 0 : i32
      %dma_wait3A_140 = tpu.memref_slice %arg2[%dma_wait3A_138, %dma_wait3A_139] : memref<1000000x64xf32, #tpu.memory_space<hbm>> -> memref<8x64xf32, #tpu.memory_space<hbm>>
      %dma_wait3A_141 = arith.constant 0 : i32
      %dma_wait3A_142 = arith.constant 0 : i32
      %dma_wait3A_143 = tpu.memref_slice %arg11[%dma_wait3A_141, %dma_wait3A_142] : memref<512x64xf32, #tpu.memory_space<vmem>> -> memref<8x64xf32, #tpu.memory_space<vmem>>
      %dma_wait3A_144 = arith.constant 0 : i32
      %dma_wait3A_145 = arith.constant 0 : i32
      %dma_wait3A_146 = tpu.memref_slice %arg2[%dma_wait3A_144, %dma_wait3A_145] : memref<1000000x64xf32, #tpu.memory_space<hbm>> -> memref<8x64xf32, #tpu.memory_space<hbm>>
      tpu.wait_dma2 semaphore(%arg12 : memref<!tpu.dma_semaphore, #tpu.memory_space<semaphore_mem>>) src(%dma_wait3A_146 : memref<8x64xf32, #tpu.memory_space<hbm>>) dst(%dma_wait3A_143 : memref<8x64xf32, #tpu.memory_space<vmem>>)
      %scan3A_147 = arith.constant 0 : i32
      scf.yield %scan3A_147 : i32
    }
    %scan3A_17 = arith.constant 64 : i32
    %scan3A_18 = arith.constant 0 : i32
    %scan3A_19 = arith.constant 0 : i32
    %scan3A_20 = arith.constant 64 : i32
    %scan3A_21 = arith.addi %scan3A_19, %scan3A_20 : i32
    %scan3A_22 = arith.constant 1 : i32
    %scan3A_23 = scf.for %scan3A_134 = %scan3A_19 to %scan3A_21 step %scan3A_22 iter_args(%scan3A_135 = %scan3A_18) -> (i32)  : i32 {
      %jit3A = arith.constant 16 : i32
      %div3A = arith.divsi %scan3A_134, %jit3A : i32
      %sign3A = arith.constant 0 : i32
      %sign3A_136 = arith.cmpi sgt, %scan3A_134, %sign3A : i32
      %sign3A_137 = arith.extui %sign3A_136 : i1 to i32
      %sign3A_138 = arith.constant 0 : i32
      %sign3A_139 = arith.cmpi slt, %scan3A_134, %sign3A_138 : i32
      %sign3A_140 = arith.extui %sign3A_139 : i1 to i32
      %sign3A_141 = arith.subi %sign3A_137, %sign3A_140 : i32
      %sign3A_142 = arith.constant 0 : i32
      %sign3A_143 = arith.cmpi sgt, %jit3A, %sign3A_142 : i32
      %sign3A_144 = arith.extui %sign3A_143 : i1 to i32
      %sign3A_145 = arith.constant 0 : i32
      %sign3A_146 = arith.cmpi slt, %jit3A, %sign3A_145 : i32
      %sign3A_147 = arith.extui %sign3A_146 : i1 to i32
      %sign3A_148 = arith.subi %sign3A_144, %sign3A_147 : i32
      %ne3A = arith.cmpi ne, %sign3A_141, %sign3A_148 : i32
      %rem3A = arith.remsi %scan3A_134, %jit3A : i32
      %ne3A_149 = arith.constant 0 : i32
      %ne3A_150 = arith.cmpi ne, %rem3A, %ne3A_149 : i32
      %and3A = arith.andi %ne3A, %ne3A_150 : i1
      %sub3A = arith.constant 1 : i32
      %sub3A_151 = arith.subi %div3A, %sub3A : i32
      %select_n3A = arith.select %and3A, %sub3A_151, %div3A : i32
      %jit3A_152 = arith.constant 16 : i32
      %eq3A = arith.constant 0 : i32
      %eq3A_153 = arith.cmpi eq, %jit3A_152, %eq3A : i32
      %jit3A_154 = arith.constant 1 : i32
      %select_n3A_155 = arith.select %eq3A_153, %jit3A_154, %jit3A_152 : i32
      %rem3A_156 = arith.remsi %scan3A_134, %select_n3A_155 : i32
      %ne3A_157 = arith.constant 0 : i32
      %ne3A_158 = arith.cmpi ne, %rem3A_156, %ne3A_157 : i32
      %lt3A = arith.constant 0 : i32
      %lt3A_159 = arith.cmpi slt, %rem3A_156, %lt3A : i32
      %lt3A_160 = arith.constant 0 : i32
      %lt3A_161 = arith.cmpi slt, %select_n3A_155, %lt3A_160 : i32
      %ne3A_162 = arith.xori %lt3A_159, %lt3A_161 : i1
      %and3A_163 = arith.andi %ne3A_162, %ne3A_158 : i1
      %add3A_164 = arith.addi %rem3A_156, %select_n3A_155 : i32
      %select_n3A_165 = arith.select %and3A_163, %add3A_164, %rem3A_156 : i32
      %mul3A_166 = arith.constant 16 : i32
      %mul3A_167 = arith.muli %select_n3A, %mul3A_166 : i32
      %add3A_168 = arith.constant 0 : i32
      %add3A_169 = arith.addi %add3A_168, %mul3A_167 : i32
      %get3A = arith.constant 0 : i32
      %get3A_170 = arith.index_cast %get3A : i32 to index
      %get3A_171 = arith.index_cast %add3A_169 : i32 to index
      %get3A_172 = tpu.vector_load %arg7[%get3A_170, %get3A_171] {strides = array<i32>} : memref<2x128xi32, #tpu.memory_space<vmem>>, vector<16xi32>,
      %eq3A_173 = vector.broadcast %select_n3A_165 : i32 to vector<16xi32>
      %eq3A_174 = arith.cmpi eq, %iota3A, %eq3A_173 : vector<16xi32>
      %jit3A_175 = arith.constant 0 : i32
      %broadcast_in_dim3A = vector.broadcast %jit3A_175 : i32 to vector<16xi32>
      %select_n3A_176 = arith.select %eq3A_174, %get3A_172, %broadcast_in_dim3A : vector<16xi1>, vector<16xi32>
      %reduce_max3A = arith.constant true
      %reduce_max3A_177 = vector.broadcast %reduce_max3A : i1 to vector<16xi1>
      %reduce_max3A_178 = arith.constant -2147483648 : i32
      %reduce_max3A_179 = vector.broadcast %reduce_max3A_178 : i32 to vector<16xi32>
      %reduce_max3A_180 = arith.xori %select_n3A_176, %reduce_max3A_179 : vector<16xi32>
      %reduce_max3A_181 = tpu.scan <max>, %reduce_max3A_180 masked %reduce_max3A_177 : vector<16xi32>, vector<16xi1> -> vector<16xi32>
      %reduce_max3A_182 = arith.xori %reduce_max3A_181, %reduce_max3A_179 : vector<16xi32>
      %reduce_max3A_183 = vector.extract %reduce_max3A_182[15] : i32 from vector<16xi32>
      %mul3A_184 = arith.constant 8 : i32
      %mul3A_185 = arith.muli %scan3A_134, %mul3A_184 : i32
      %jit3A_186 = arith.constant 8 : i32
      %eq3A_187 = arith.constant 0 : i32
      %eq3A_188 = arith.cmpi eq, %jit3A_186, %eq3A_187 : i32
      %jit3A_189 = arith.constant 1 : i32
      %select_n3A_190 = arith.select %eq3A_188, %jit3A_189, %jit3A_186 : i32
      %rem3A_191 = arith.remsi %reduce_max3A_183, %select_n3A_190 : i32
      %ne3A_192 = arith.constant 0 : i32
      %ne3A_193 = arith.cmpi ne, %rem3A_191, %ne3A_192 : i32
      %lt3A_194 = arith.constant 0 : i32
      %lt3A_195 = arith.cmpi slt, %rem3A_191, %lt3A_194 : i32
      %lt3A_196 = arith.constant 0 : i32
      %lt3A_197 = arith.cmpi slt, %select_n3A_190, %lt3A_196 : i32
      %ne3A_198 = arith.xori %lt3A_195, %lt3A_197 : i1
      %and3A_199 = arith.andi %ne3A_198, %ne3A_193 : i1
      %add3A_200 = arith.addi %rem3A_191, %select_n3A_190 : i32
      %select_n3A_201 = arith.select %and3A_199, %add3A_200, %rem3A_191 : i32
      %add3A_202 = arith.addi %mul3A_185, %select_n3A_201 : i32
      %get3A_203 = arith.index_cast %add3A_202 : i32 to index
      %get3A_204 = arith.constant 0 : index
      %get3A_205 = tpu.vector_load %arg11[%get3A_203, %get3A_204] {strides = array<i32>} : memref<512x64xf32, #tpu.memory_space<vmem>>, vector<16xf32>,
      %add3A_206 = arith.constant 0 : i32
      %add3A_207 = arith.addi %add3A_206, %scan3A_134 : i32
      %swap3A = arith.index_cast %add3A_207 : i32 to index
      %swap3A_208 = arith.constant 0 : index
      %swap3A_209 = tpu.vector_load %arg9[%swap3A, %swap3A_208] {strides = array<i32>} : memref<256x64xf32, #tpu.memory_space<vmem>>, vector<16xf32>,
      tpu.vector_store %arg9[%swap3A, %swap3A_208], %get3A_205 {strides = array<i32>} : memref<256x64xf32, #tpu.memory_space<vmem>>, vector<16xf32>,
      %get3A_210 = arith.index_cast %add3A_202 : i32 to index
      %get3A_211 = arith.constant 16 : index
      %get3A_212 = tpu.vector_load %arg11[%get3A_210, %get3A_211] {strides = array<i32>} : memref<512x64xf32, #tpu.memory_space<vmem>>, vector<16xf32>,
      %add3A_213 = arith.constant 0 : i32
      %add3A_214 = arith.addi %add3A_213, %scan3A_134 : i32
      %swap3A_215 = arith.index_cast %add3A_214 : i32 to index
      %swap3A_216 = arith.constant 16 : index
      %swap3A_217 = tpu.vector_load %arg9[%swap3A_215, %swap3A_216] {strides = array<i32>} : memref<256x64xf32, #tpu.memory_space<vmem>>, vector<16xf32>,
      tpu.vector_store %arg9[%swap3A_215, %swap3A_216], %get3A_212 {strides = array<i32>} : memref<256x64xf32, #tpu.memory_space<vmem>>, vector<16xf32>,
      %get3A_218 = arith.index_cast %add3A_202 : i32 to index
      %get3A_219 = arith.constant 32 : index
      %get3A_220 = tpu.vector_load %arg11[%get3A_218, %get3A_219] {strides = array<i32>} : memref<512x64xf32, #tpu.memory_space<vmem>>, vector<16xf32>,
      %add3A_221 = arith.constant 0 : i32
      %add3A_222 = arith.addi %add3A_221, %scan3A_134 : i32
      %swap3A_223 = arith.index_cast %add3A_222 : i32 to index
      %swap3A_224 = arith.constant 32 : index
      %swap3A_225 = tpu.vector_load %arg9[%swap3A_223, %swap3A_224] {strides = array<i32>} : memref<256x64xf32, #tpu.memory_space<vmem>>, vector<16xf32>,
      tpu.vector_store %arg9[%swap3A_223, %swap3A_224], %get3A_220 {strides = array<i32>} : memref<256x64xf32, #tpu.memory_space<vmem>>, vector<16xf32>,
      %get3A_226 = arith.index_cast %add3A_202 : i32 to index
      %get3A_227 = arith.constant 48 : index
      %get3A_228 = tpu.vector_load %arg11[%get3A_226, %get3A_227] {strides = array<i32>} : memref<512x64xf32, #tpu.memory_space<vmem>>, vector<16xf32>,
      %add3A_229 = arith.constant 0 : i32
      %add3A_230 = arith.addi %add3A_229, %scan3A_134 : i32
      %swap3A_231 = arith.index_cast %add3A_230 : i32 to index
      %swap3A_232 = arith.constant 48 : index
      %swap3A_233 = tpu.vector_load %arg9[%swap3A_231, %swap3A_232] {strides = array<i32>} : memref<256x64xf32, #tpu.memory_space<vmem>>, vector<16xf32>,
      tpu.vector_store %arg9[%swap3A_231, %swap3A_232], %get3A_228 {strides = array<i32>} : memref<256x64xf32, #tpu.memory_space<vmem>>, vector<16xf32>,
      %scan3A_234 = arith.constant 0 : i32
      scf.yield %scan3A_234 : i32
    }
    %scan3A_24 = arith.constant 64 : i32
    %scan3A_25 = arith.constant 0 : i32
    %scan3A_26 = arith.constant 0 : i32
    %scan3A_27 = arith.constant 64 : i32
    %scan3A_28 = arith.addi %scan3A_26, %scan3A_27 : i32
    %scan3A_29 = arith.constant 1 : i32
    %scan3A_30 = scf.for %scan3A_134 = %scan3A_26 to %scan3A_28 step %scan3A_29 iter_args(%scan3A_135 = %scan3A_25) -> (i32)  : i32 {
      %jit3A = arith.constant 16 : i32
      %div3A = arith.divsi %scan3A_134, %jit3A : i32
      %sign3A = arith.constant 0 : i32
      %sign3A_136 = arith.cmpi sgt, %scan3A_134, %sign3A : i32
      %sign3A_137 = arith.extui %sign3A_136 : i1 to i32
      %sign3A_138 = arith.constant 0 : i32
      %sign3A_139 = arith.cmpi slt, %scan3A_134, %sign3A_138 : i32
      %sign3A_140 = arith.extui %sign3A_139 : i1 to i32
      %sign3A_141 = arith.subi %sign3A_137, %sign3A_140 : i32
      %sign3A_142 = arith.constant 0 : i32
      %sign3A_143 = arith.cmpi sgt, %jit3A, %sign3A_142 : i32
      %sign3A_144 = arith.extui %sign3A_143 : i1 to i32
      %sign3A_145 = arith.constant 0 : i32
      %sign3A_146 = arith.cmpi slt, %jit3A, %sign3A_145 : i32
      %sign3A_147 = arith.extui %sign3A_146 : i1 to i32
      %sign3A_148 = arith.subi %sign3A_144, %sign3A_147 : i32
      %ne3A = arith.cmpi ne, %sign3A_141, %sign3A_148 : i32
      %rem3A = arith.remsi %scan3A_134, %jit3A : i32
      %ne3A_149 = arith.constant 0 : i32
      %ne3A_150 = arith.cmpi ne, %rem3A, %ne3A_149 : i32
      %and3A = arith.andi %ne3A, %ne3A_150 : i1
      %sub3A = arith.constant 1 : i32
      %sub3A_151 = arith.subi %div3A, %sub3A : i32
      %select_n3A = arith.select %and3A, %sub3A_151, %div3A : i32
      %jit3A_152 = arith.constant 16 : i32
      %eq3A = arith.constant 0 : i32
      %eq3A_153 = arith.cmpi eq, %jit3A_152, %eq3A : i32
      %jit3A_154 = arith.constant 1 : i32
      %select_n3A_155 = arith.select %eq3A_153, %jit3A_154, %jit3A_152 : i32
      %rem3A_156 = arith.remsi %scan3A_134, %select_n3A_155 : i32
      %ne3A_157 = arith.constant 0 : i32
      %ne3A_158 = arith.cmpi ne, %rem3A_156, %ne3A_157 : i32
      %lt3A = arith.constant 0 : i32
      %lt3A_159 = arith.cmpi slt, %rem3A_156, %lt3A : i32
      %lt3A_160 = arith.constant 0 : i32
      %lt3A_161 = arith.cmpi slt, %select_n3A_155, %lt3A_160 : i32
      %ne3A_162 = arith.xori %lt3A_159, %lt3A_161 : i1
      %and3A_163 = arith.andi %ne3A_162, %ne3A_158 : i1
      %add3A_164 = arith.addi %rem3A_156, %select_n3A_155 : i32
      %select_n3A_165 = arith.select %and3A_163, %add3A_164, %rem3A_156 : i32
      %mul3A_166 = arith.constant 16 : i32
      %mul3A_167 = arith.muli %select_n3A, %mul3A_166 : i32
      %add3A_168 = arith.constant 64 : i32
      %add3A_169 = arith.addi %add3A_168, %mul3A_167 : i32
      %get3A = arith.constant 0 : i32
      %get3A_170 = arith.index_cast %get3A : i32 to index
      %get3A_171 = arith.index_cast %add3A_169 : i32 to index
      %get3A_172 = tpu.vector_load %arg7[%get3A_170, %get3A_171] {strides = array<i32>} : memref<2x128xi32, #tpu.memory_space<vmem>>, vector<16xi32>,
      %eq3A_173 = vector.broadcast %select_n3A_165 : i32 to vector<16xi32>
      %eq3A_174 = arith.cmpi eq, %iota3A, %eq3A_173 : vector<16xi32>
      %jit3A_175 = arith.constant 0 : i32
      %broadcast_in_dim3A = vector.broadcast %jit3A_175 : i32 to vector<16xi32>
      %select_n3A_176 = arith.select %eq3A_174, %get3A_172, %broadcast_in_dim3A : vector<16xi1>, vector<16xi32>
      %reduce_max3A = arith.constant true
      %reduce_max3A_177 = vector.broadcast %reduce_max3A : i1 to vector<16xi1>
      %reduce_max3A_178 = arith.constant -2147483648 : i32
      %reduce_max3A_179 = vector.broadcast %reduce_max3A_178 : i32 to vector<16xi32>
      %reduce_max3A_180 = arith.xori %select_n3A_176, %reduce_max3A_179 : vector<16xi32>
      %reduce_max3A_181 = tpu.scan <max>, %reduce_max3A_180 masked %reduce_max3A_177 : vector<16xi32>, vector<16xi1> -> vector<16xi32>
      %reduce_max3A_182 = arith.xori %reduce_max3A_181, %reduce_max3A_179 : vector<16xi32>
      %reduce_max3A_183 = vector.extract %reduce_max3A_182[15] : i32 from vector<16xi32>
      %jit3A_184 = arith.constant 8 : i32
      %eq3A_185 = arith.constant 0 : i32
      %eq3A_186 = arith.cmpi eq, %jit3A_184, %eq3A_185 : i32
      %jit3A_187 = arith.constant 1 : i32
      %select_n3A_188 = arith.select %eq3A_186, %jit3A_187, %jit3A_184 : i32
      %rem3A_189 = arith.remsi %reduce_max3A_183, %select_n3A_188 : i32
      %ne3A_190 = arith.constant 0 : i32
      %ne3A_191 = arith.cmpi ne, %rem3A_189, %ne3A_190 : i32
      %lt3A_192 = arith.constant 0 : i32
      %lt3A_193 = arith.cmpi slt, %rem3A_189, %lt3A_192 : i32
      %lt3A_194 = arith.constant 0 : i32
      %lt3A_195 = arith.cmpi slt, %select_n3A_188, %lt3A_194 : i32
      %ne3A_196 = arith.xori %lt3A_193, %lt3A_195 : i1
      %and3A_197 = arith.andi %ne3A_196, %ne3A_191 : i1
      %add3A_198 = arith.addi %rem3A_189, %select_n3A_188 : i32
      %select_n3A_199 = arith.select %and3A_197, %add3A_198, %rem3A_189 : i32
      %sub3A_200 = arith.subi %reduce_max3A_183, %select_n3A_199 : i32
      %multiple_of3A = tpu.assume_multiple %sub3A_200, 8 : i32
      %mul3A_201 = arith.constant 8 : i32
      %mul3A_202 = arith.muli %scan3A_134, %mul3A_201 : i32
      %multiple_of3A_203 = tpu.assume_multiple %mul3A_202, 8 : i32
      %dma_start3A = arith.constant 0 : i32
      %dma_start3A_204 = tpu.memref_slice %arg11[%multiple_of3A_203, %dma_start3A] : memref<512x64xf32, #tpu.memory_space<vmem>> -> memref<8x64xf32, #tpu.memory_space<vmem>>
      %dma_start3A_205 = arith.constant 0 : i32
      %dma_start3A_206 = tpu.memref_slice %arg2[%multiple_of3A, %dma_start3A_205] : memref<1000000x64xf32, #tpu.memory_space<hbm>> -> memref<8x64xf32, #tpu.memory_space<hbm>>
      %dma_start3A_207 = arith.constant 0 : i32
      %dma_start3A_208 = tpu.memref_slice %arg11[%multiple_of3A_203, %dma_start3A_207] : memref<512x64xf32, #tpu.memory_space<vmem>> -> memref<8x64xf32, #tpu.memory_space<vmem>>
      %dma_start3A_209 = arith.constant 0 : i32
      %dma_start3A_210 = tpu.memref_slice %arg2[%multiple_of3A, %dma_start3A_209] : memref<1000000x64xf32, #tpu.memory_space<hbm>> -> memref<8x64xf32, #tpu.memory_space<hbm>>
      tpu.enqueue_dma source(%dma_start3A_210 : memref<8x64xf32, #tpu.memory_space<hbm>>) target(%dma_start3A_208 : memref<8x64xf32, #tpu.memory_space<vmem>>) target_semaphore(%arg12 : memref<!tpu.dma_semaphore, #tpu.memory_space<semaphore_mem>>)
      %scan3A_211 = arith.constant 0 : i32
      scf.yield %scan3A_211 : i32
    }
    %scan3A_31 = arith.constant 64 : i32
    %scan3A_32 = arith.constant 0 : i32
    %scan3A_33 = arith.constant 0 : i32
    %scan3A_34 = arith.constant 64 : i32
    %scan3A_35 = arith.addi %scan3A_33, %scan3A_34 : i32
    %scan3A_36 = arith.constant 1 : i32
    %scan3A_37 = scf.for %scan3A_134 = %scan3A_33 to %scan3A_35 step %scan3A_36 iter_args(%scan3A_135 = %scan3A_32) -> (i32)  : i32 {
      %dma_wait3A = arith.constant 0 : i32
      %dma_wait3A_136 = arith.constant 0 : i32
      %dma_wait3A_137 = tpu.memref_slice %arg11[%dma_wait3A, %dma_wait3A_136] : memref<512x64xf32, #tpu.memory_space<vmem>> -> memref<8x64xf32, #tpu.memory_space<vmem>>
      %dma_wait3A_138 = arith.constant 0 : i32
      %dma_wait3A_139 = arith.constant 0 : i32
      %dma_wait3A_140 = tpu.memref_slice %arg2[%dma_wait3A_138, %dma_wait3A_139] : memref<1000000x64xf32, #tpu.memory_space<hbm>> -> memref<8x64xf32, #tpu.memory_space<hbm>>
      %dma_wait3A_141 = arith.constant 0 : i32
      %dma_wait3A_142 = arith.constant 0 : i32
      %dma_wait3A_143 = tpu.memref_slice %arg11[%dma_wait3A_141, %dma_wait3A_142] : memref<512x64xf32, #tpu.memory_space<vmem>> -> memref<8x64xf32, #tpu.memory_space<vmem>>
      %dma_wait3A_144 = arith.constant 0 : i32
      %dma_wait3A_145 = arith.constant 0 : i32
      %dma_wait3A_146 = tpu.memref_slice %arg2[%dma_wait3A_144, %dma_wait3A_145] : memref<1000000x64xf32, #tpu.memory_space<hbm>> -> memref<8x64xf32, #tpu.memory_space<hbm>>
      tpu.wait_dma2 semaphore(%arg12 : memref<!tpu.dma_semaphore, #tpu.memory_space<semaphore_mem>>) src(%dma_wait3A_146 : memref<8x64xf32, #tpu.memory_space<hbm>>) dst(%dma_wait3A_143 : memref<8x64xf32, #tpu.memory_space<vmem>>)
      %scan3A_147 = arith.constant 0 : i32
      scf.yield %scan3A_147 : i32
    }
    %scan3A_38 = arith.constant 64 : i32
    %scan3A_39 = arith.constant 0 : i32
    %scan3A_40 = arith.constant 0 : i32
    %scan3A_41 = arith.constant 64 : i32
    %scan3A_42 = arith.addi %scan3A_40, %scan3A_41 : i32
    %scan3A_43 = arith.constant 1 : i32
    %scan3A_44 = scf.for %scan3A_134 = %scan3A_40 to %scan3A_42 step %scan3A_43 iter_args(%scan3A_135 = %scan3A_39) -> (i32)  : i32 {
      %jit3A = arith.constant 16 : i32
      %div3A = arith.divsi %scan3A_134, %jit3A : i32
      %sign3A = arith.constant 0 : i32
      %sign3A_136 = arith.cmpi sgt, %scan3A_134, %sign3A : i32
      %sign3A_137 = arith.extui %sign3A_136 : i1 to i32
      %sign3A_138 = arith.constant 0 : i32
      %sign3A_139 = arith.cmpi slt, %scan3A_134, %sign3A_138 : i32
      %sign3A_140 = arith.extui %sign3A_139 : i1 to i32
      %sign3A_141 = arith.subi %sign3A_137, %sign3A_140 : i32
      %sign3A_142 = arith.constant 0 : i32
      %sign3A_143 = arith.cmpi sgt, %jit3A, %sign3A_142 : i32
      %sign3A_144 = arith.extui %sign3A_143 : i1 to i32
      %sign3A_145 = arith.constant 0 : i32
      %sign3A_146 = arith.cmpi slt, %jit3A, %sign3A_145 : i32
      %sign3A_147 = arith.extui %sign3A_146 : i1 to i32
      %sign3A_148 = arith.subi %sign3A_144, %sign3A_147 : i32
      %ne3A = arith.cmpi ne, %sign3A_141, %sign3A_148 : i32
      %rem3A = arith.remsi %scan3A_134, %jit3A : i32
      %ne3A_149 = arith.constant 0 : i32
      %ne3A_150 = arith.cmpi ne, %rem3A, %ne3A_149 : i32
      %and3A = arith.andi %ne3A, %ne3A_150 : i1
      %sub3A = arith.constant 1 : i32
      %sub3A_151 = arith.subi %div3A, %sub3A : i32
      %select_n3A = arith.select %and3A, %sub3A_151, %div3A : i32
      %jit3A_152 = arith.constant 16 : i32
      %eq3A = arith.constant 0 : i32
      %eq3A_153 = arith.cmpi eq, %jit3A_152, %eq3A : i32
      %jit3A_154 = arith.constant 1 : i32
      %select_n3A_155 = arith.select %eq3A_153, %jit3A_154, %jit3A_152 : i32
      %rem3A_156 = arith.remsi %scan3A_134, %select_n3A_155 : i32
      %ne3A_157 = arith.constant 0 : i32
      %ne3A_158 = arith.cmpi ne, %rem3A_156, %ne3A_157 : i32
      %lt3A = arith.constant 0 : i32
      %lt3A_159 = arith.cmpi slt, %rem3A_156, %lt3A : i32
      %lt3A_160 = arith.constant 0 : i32
      %lt3A_161 = arith.cmpi slt, %select_n3A_155, %lt3A_160 : i32
      %ne3A_162 = arith.xori %lt3A_159, %lt3A_161 : i1
      %and3A_163 = arith.andi %ne3A_162, %ne3A_158 : i1
      %add3A_164 = arith.addi %rem3A_156, %select_n3A_155 : i32
      %select_n3A_165 = arith.select %and3A_163, %add3A_164, %rem3A_156 : i32
      %mul3A_166 = arith.constant 16 : i32
      %mul3A_167 = arith.muli %select_n3A, %mul3A_166 : i32
      %add3A_168 = arith.constant 64 : i32
      %add3A_169 = arith.addi %add3A_168, %mul3A_167 : i32
      %get3A = arith.constant 0 : i32
      %get3A_170 = arith.index_cast %get3A : i32 to index
      %get3A_171 = arith.index_cast %add3A_169 : i32 to index
      %get3A_172 = tpu.vector_load %arg7[%get3A_170, %get3A_171] {strides = array<i32>} : memref<2x128xi32, #tpu.memory_space<vmem>>, vector<16xi32>,
      %eq3A_173 = vector.broadcast %select_n3A_165 : i32 to vector<16xi32>
      %eq3A_174 = arith.cmpi eq, %iota3A, %eq3A_173 : vector<16xi32>
      %jit3A_175 = arith.constant 0 : i32
      %broadcast_in_dim3A = vector.broadcast %jit3A_175 : i32 to vector<16xi32>
      %select_n3A_176 = arith.select %eq3A_174, %get3A_172, %broadcast_in_dim3A : vector<16xi1>, vector<16xi32>
      %reduce_max3A = arith.constant true
      %reduce_max3A_177 = vector.broadcast %reduce_max3A : i1 to vector<16xi1>
      %reduce_max3A_178 = arith.constant -2147483648 : i32
      %reduce_max3A_179 = vector.broadcast %reduce_max3A_178 : i32 to vector<16xi32>
      %reduce_max3A_180 = arith.xori %select_n3A_176, %reduce_max3A_179 : vector<16xi32>
      %reduce_max3A_181 = tpu.scan <max>, %reduce_max3A_180 masked %reduce_max3A_177 : vector<16xi32>, vector<16xi1> -> vector<16xi32>
      %reduce_max3A_182 = arith.xori %reduce_max3A_181, %reduce_max3A_179 : vector<16xi32>
      %reduce_max3A_183 = vector.extract %reduce_max3A_182[15] : i32 from vector<16xi32>
      %mul3A_184 = arith.constant 8 : i32
      %mul3A_185 = arith.muli %scan3A_134, %mul3A_184 : i32
      %jit3A_186 = arith.constant 8 : i32
      %eq3A_187 = arith.constant 0 : i32
      %eq3A_188 = arith.cmpi eq, %jit3A_186, %eq3A_187 : i32
      %jit3A_189 = arith.constant 1 : i32
      %select_n3A_190 = arith.select %eq3A_188, %jit3A_189, %jit3A_186 : i32
      %rem3A_191 = arith.remsi %reduce_max3A_183, %select_n3A_190 : i32
      %ne3A_192 = arith.constant 0 : i32
      %ne3A_193 = arith.cmpi ne, %rem3A_191, %ne3A_192 : i32
      %lt3A_194 = arith.constant 0 : i32
      %lt3A_195 = arith.cmpi slt, %rem3A_191, %lt3A_194 : i32
      %lt3A_196 = arith.constant 0 : i32
      %lt3A_197 = arith.cmpi slt, %select_n3A_190, %lt3A_196 : i32
      %ne3A_198 = arith.xori %lt3A_195, %lt3A_197 : i1
      %and3A_199 = arith.andi %ne3A_198, %ne3A_193 : i1
      %add3A_200 = arith.addi %rem3A_191, %select_n3A_190 : i32
      %select_n3A_201 = arith.select %and3A_199, %add3A_200, %rem3A_191 : i32
      %add3A_202 = arith.addi %mul3A_185, %select_n3A_201 : i32
      %get3A_203 = arith.index_cast %add3A_202 : i32 to index
      %get3A_204 = arith.constant 0 : index
      %get3A_205 = tpu.vector_load %arg11[%get3A_203, %get3A_204] {strides = array<i32>} : memref<512x64xf32, #tpu.memory_space<vmem>>, vector<16xf32>,
      %add3A_206 = arith.constant 64 : i32
      %add3A_207 = arith.addi %add3A_206, %scan3A_134 : i32
      %swap3A = arith.index_cast %add3A_207 : i32 to index
      %swap3A_208 = arith.constant 0 : index
      %swap3A_209 = tpu.vector_load %arg9[%swap3A, %swap3A_208] {strides = array<i32>} : memref<256x64xf32, #tpu.memory_space<vmem>>, vector<16xf32>,
      tpu.vector_store %arg9[%swap3A, %swap3A_208], %get3A_205 {strides = array<i32>} : memref<256x64xf32, #tpu.memory_space<vmem>>, vector<16xf32>,
      %get3A_210 = arith.index_cast %add3A_202 : i32 to index
      %get3A_211 = arith.constant 16 : index
      %get3A_212 = tpu.vector_load %arg11[%get3A_210, %get3A_211] {strides = array<i32>} : memref<512x64xf32, #tpu.memory_space<vmem>>, vector<16xf32>,
      %add3A_213 = arith.constant 64 : i32
      %add3A_214 = arith.addi %add3A_213, %scan3A_134 : i32
      %swap3A_215 = arith.index_cast %add3A_214 : i32 to index
      %swap3A_216 = arith.constant 16 : index
      %swap3A_217 = tpu.vector_load %arg9[%swap3A_215, %swap3A_216] {strides = array<i32>} : memref<256x64xf32, #tpu.memory_space<vmem>>, vector<16xf32>,
      tpu.vector_store %arg9[%swap3A_215, %swap3A_216], %get3A_212 {strides = array<i32>} : memref<256x64xf32, #tpu.memory_space<vmem>>, vector<16xf32>,
      %get3A_218 = arith.index_cast %add3A_202 : i32 to index
      %get3A_219 = arith.constant 32 : index
      %get3A_220 = tpu.vector_load %arg11[%get3A_218, %get3A_219] {strides = array<i32>} : memref<512x64xf32, #tpu.memory_space<vmem>>, vector<16xf32>,
      %add3A_221 = arith.constant 64 : i32
      %add3A_222 = arith.addi %add3A_221, %scan3A_134 : i32
      %swap3A_223 = arith.index_cast %add3A_222 : i32 to index
      %swap3A_224 = arith.constant 32 : index
      %swap3A_225 = tpu.vector_load %arg9[%swap3A_223, %swap3A_224] {strides = array<i32>} : memref<256x64xf32, #tpu.memory_space<vmem>>, vector<16xf32>,
      tpu.vector_store %arg9[%swap3A_223, %swap3A_224], %get3A_220 {strides = array<i32>} : memref<256x64xf32, #tpu.memory_space<vmem>>, vector<16xf32>,
      %get3A_226 = arith.index_cast %add3A_202 : i32 to index
      %get3A_227 = arith.constant 48 : index
      %get3A_228 = tpu.vector_load %arg11[%get3A_226, %get3A_227] {strides = array<i32>} : memref<512x64xf32, #tpu.memory_space<vmem>>, vector<16xf32>,
      %add3A_229 = arith.constant 64 : i32
      %add3A_230 = arith.addi %add3A_229, %scan3A_134 : i32
      %swap3A_231 = arith.index_cast %add3A_230 : i32 to index
      %swap3A_232 = arith.constant 48 : index
      %swap3A_233 = tpu.vector_load %arg9[%swap3A_231, %swap3A_232] {strides = array<i32>} : memref<256x64xf32, #tpu.memory_space<vmem>>, vector<16xf32>,
      tpu.vector_store %arg9[%swap3A_231, %swap3A_232], %get3A_228 {strides = array<i32>} : memref<256x64xf32, #tpu.memory_space<vmem>>, vector<16xf32>,
      %scan3A_234 = arith.constant 0 : i32
      scf.yield %scan3A_234 : i32
    }
    %scan3A_45 = arith.constant 64 : i32
    %scan3A_46 = arith.constant 0 : i32
    %scan3A_47 = arith.constant 0 : i32
    %scan3A_48 = arith.constant 64 : i32
    %scan3A_49 = arith.addi %scan3A_47, %scan3A_48 : i32
    %scan3A_50 = arith.constant 1 : i32
    %scan3A_51 = scf.for %scan3A_134 = %scan3A_47 to %scan3A_49 step %scan3A_50 iter_args(%scan3A_135 = %scan3A_46) -> (i32)  : i32 {
      %jit3A = arith.constant 16 : i32
      %div3A = arith.divsi %scan3A_134, %jit3A : i32
      %sign3A = arith.constant 0 : i32
      %sign3A_136 = arith.cmpi sgt, %scan3A_134, %sign3A : i32
      %sign3A_137 = arith.extui %sign3A_136 : i1 to i32
      %sign3A_138 = arith.constant 0 : i32
      %sign3A_139 = arith.cmpi slt, %scan3A_134, %sign3A_138 : i32
      %sign3A_140 = arith.extui %sign3A_139 : i1 to i32
      %sign3A_141 = arith.subi %sign3A_137, %sign3A_140 : i32
      %sign3A_142 = arith.constant 0 : i32
      %sign3A_143 = arith.cmpi sgt, %jit3A, %sign3A_142 : i32
      %sign3A_144 = arith.extui %sign3A_143 : i1 to i32
      %sign3A_145 = arith.constant 0 : i32
      %sign3A_146 = arith.cmpi slt, %jit3A, %sign3A_145 : i32
      %sign3A_147 = arith.extui %sign3A_146 : i1 to i32
      %sign3A_148 = arith.subi %sign3A_144, %sign3A_147 : i32
      %ne3A = arith.cmpi ne, %sign3A_141, %sign3A_148 : i32
      %rem3A = arith.remsi %scan3A_134, %jit3A : i32
      %ne3A_149 = arith.constant 0 : i32
      %ne3A_150 = arith.cmpi ne, %rem3A, %ne3A_149 : i32
      %and3A = arith.andi %ne3A, %ne3A_150 : i1
      %sub3A = arith.constant 1 : i32
      %sub3A_151 = arith.subi %div3A, %sub3A : i32
      %select_n3A = arith.select %and3A, %sub3A_151, %div3A : i32
      %jit3A_152 = arith.constant 16 : i32
      %eq3A = arith.constant 0 : i32
      %eq3A_153 = arith.cmpi eq, %jit3A_152, %eq3A : i32
      %jit3A_154 = arith.constant 1 : i32
      %select_n3A_155 = arith.select %eq3A_153, %jit3A_154, %jit3A_152 : i32
      %rem3A_156 = arith.remsi %scan3A_134, %select_n3A_155 : i32
      %ne3A_157 = arith.constant 0 : i32
      %ne3A_158 = arith.cmpi ne, %rem3A_156, %ne3A_157 : i32
      %lt3A = arith.constant 0 : i32
      %lt3A_159 = arith.cmpi slt, %rem3A_156, %lt3A : i32
      %lt3A_160 = arith.constant 0 : i32
      %lt3A_161 = arith.cmpi slt, %select_n3A_155, %lt3A_160 : i32
      %ne3A_162 = arith.xori %lt3A_159, %lt3A_161 : i1
      %and3A_163 = arith.andi %ne3A_162, %ne3A_158 : i1
      %add3A_164 = arith.addi %rem3A_156, %select_n3A_155 : i32
      %select_n3A_165 = arith.select %and3A_163, %add3A_164, %rem3A_156 : i32
      %mul3A_166 = arith.constant 16 : i32
      %mul3A_167 = arith.muli %select_n3A, %mul3A_166 : i32
      %add3A_168 = arith.constant 0 : i32
      %add3A_169 = arith.addi %add3A_168, %mul3A_167 : i32
      %get3A = arith.constant 1 : i32
      %get3A_170 = arith.index_cast %get3A : i32 to index
      %get3A_171 = arith.index_cast %add3A_169 : i32 to index
      %get3A_172 = tpu.vector_load %arg7[%get3A_170, %get3A_171] {strides = array<i32>} : memref<2x128xi32, #tpu.memory_space<vmem>>, vector<16xi32>,
      %eq3A_173 = vector.broadcast %select_n3A_165 : i32 to vector<16xi32>
      %eq3A_174 = arith.cmpi eq, %iota3A, %eq3A_173 : vector<16xi32>
      %jit3A_175 = arith.constant 0 : i32
      %broadcast_in_dim3A = vector.broadcast %jit3A_175 : i32 to vector<16xi32>
      %select_n3A_176 = arith.select %eq3A_174, %get3A_172, %broadcast_in_dim3A : vector<16xi1>, vector<16xi32>
      %reduce_max3A = arith.constant true
      %reduce_max3A_177 = vector.broadcast %reduce_max3A : i1 to vector<16xi1>
      %reduce_max3A_178 = arith.constant -2147483648 : i32
      %reduce_max3A_179 = vector.broadcast %reduce_max3A_178 : i32 to vector<16xi32>
      %reduce_max3A_180 = arith.xori %select_n3A_176, %reduce_max3A_179 : vector<16xi32>
      %reduce_max3A_181 = tpu.scan <max>, %reduce_max3A_180 masked %reduce_max3A_177 : vector<16xi32>, vector<16xi1> -> vector<16xi32>
      %reduce_max3A_182 = arith.xori %reduce_max3A_181, %reduce_max3A_179 : vector<16xi32>
      %reduce_max3A_183 = vector.extract %reduce_max3A_182[15] : i32 from vector<16xi32>
      %jit3A_184 = arith.constant 8 : i32
      %eq3A_185 = arith.constant 0 : i32
      %eq3A_186 = arith.cmpi eq, %jit3A_184, %eq3A_185 : i32
      %jit3A_187 = arith.constant 1 : i32
      %select_n3A_188 = arith.select %eq3A_186, %jit3A_187, %jit3A_184 : i32
      %rem3A_189 = arith.remsi %reduce_max3A_183, %select_n3A_188 : i32
      %ne3A_190 = arith.constant 0 : i32
      %ne3A_191 = arith.cmpi ne, %rem3A_189, %ne3A_190 : i32
      %lt3A_192 = arith.constant 0 : i32
      %lt3A_193 = arith.cmpi slt, %rem3A_189, %lt3A_192 : i32
      %lt3A_194 = arith.constant 0 : i32
      %lt3A_195 = arith.cmpi slt, %select_n3A_188, %lt3A_194 : i32
      %ne3A_196 = arith.xori %lt3A_193, %lt3A_195 : i1
      %and3A_197 = arith.andi %ne3A_196, %ne3A_191 : i1
      %add3A_198 = arith.addi %rem3A_189, %select_n3A_188 : i32
      %select_n3A_199 = arith.select %and3A_197, %add3A_198, %rem3A_189 : i32
      %sub3A_200 = arith.subi %reduce_max3A_183, %select_n3A_199 : i32
      %multiple_of3A = tpu.assume_multiple %sub3A_200, 8 : i32
      %mul3A_201 = arith.constant 8 : i32
      %mul3A_202 = arith.muli %scan3A_134, %mul3A_201 : i32
      %multiple_of3A_203 = tpu.assume_multiple %mul3A_202, 8 : i32
      %dma_start3A = arith.constant 0 : i32
      %dma_start3A_204 = tpu.memref_slice %arg11[%multiple_of3A_203, %dma_start3A] : memref<512x64xf32, #tpu.memory_space<vmem>> -> memref<8x64xf32, #tpu.memory_space<vmem>>
      %dma_start3A_205 = arith.constant 0 : i32
      %dma_start3A_206 = tpu.memref_slice %arg2[%multiple_of3A, %dma_start3A_205] : memref<1000000x64xf32, #tpu.memory_space<hbm>> -> memref<8x64xf32, #tpu.memory_space<hbm>>
      %dma_start3A_207 = arith.constant 0 : i32
      %dma_start3A_208 = tpu.memref_slice %arg11[%multiple_of3A_203, %dma_start3A_207] : memref<512x64xf32, #tpu.memory_space<vmem>> -> memref<8x64xf32, #tpu.memory_space<vmem>>
      %dma_start3A_209 = arith.constant 0 : i32
      %dma_start3A_210 = tpu.memref_slice %arg2[%multiple_of3A, %dma_start3A_209] : memref<1000000x64xf32, #tpu.memory_space<hbm>> -> memref<8x64xf32, #tpu.memory_space<hbm>>
      tpu.enqueue_dma source(%dma_start3A_210 : memref<8x64xf32, #tpu.memory_space<hbm>>) target(%dma_start3A_208 : memref<8x64xf32, #tpu.memory_space<vmem>>) target_semaphore(%arg12 : memref<!tpu.dma_semaphore, #tpu.memory_space<semaphore_mem>>)
      %scan3A_211 = arith.constant 0 : i32
      scf.yield %scan3A_211 : i32
    }
    %scan3A_52 = arith.constant 64 : i32
    %scan3A_53 = arith.constant 0 : i32
    %scan3A_54 = arith.constant 0 : i32
    %scan3A_55 = arith.constant 64 : i32
    %scan3A_56 = arith.addi %scan3A_54, %scan3A_55 : i32
    %scan3A_57 = arith.constant 1 : i32
    %scan3A_58 = scf.for %scan3A_134 = %scan3A_54 to %scan3A_56 step %scan3A_57 iter_args(%scan3A_135 = %scan3A_53) -> (i32)  : i32 {
      %dma_wait3A = arith.constant 0 : i32
      %dma_wait3A_136 = arith.constant 0 : i32
      %dma_wait3A_137 = tpu.memref_slice %arg11[%dma_wait3A, %dma_wait3A_136] : memref<512x64xf32, #tpu.memory_space<vmem>> -> memref<8x64xf32, #tpu.memory_space<vmem>>
      %dma_wait3A_138 = arith.constant 0 : i32
      %dma_wait3A_139 = arith.constant 0 : i32
      %dma_wait3A_140 = tpu.memref_slice %arg2[%dma_wait3A_138, %dma_wait3A_139] : memref<1000000x64xf32, #tpu.memory_space<hbm>> -> memref<8x64xf32, #tpu.memory_space<hbm>>
      %dma_wait3A_141 = arith.constant 0 : i32
      %dma_wait3A_142 = arith.constant 0 : i32
      %dma_wait3A_143 = tpu.memref_slice %arg11[%dma_wait3A_141, %dma_wait3A_142] : memref<512x64xf32, #tpu.memory_space<vmem>> -> memref<8x64xf32, #tpu.memory_space<vmem>>
      %dma_wait3A_144 = arith.constant 0 : i32
      %dma_wait3A_145 = arith.constant 0 : i32
      %dma_wait3A_146 = tpu.memref_slice %arg2[%dma_wait3A_144, %dma_wait3A_145] : memref<1000000x64xf32, #tpu.memory_space<hbm>> -> memref<8x64xf32, #tpu.memory_space<hbm>>
      tpu.wait_dma2 semaphore(%arg12 : memref<!tpu.dma_semaphore, #tpu.memory_space<semaphore_mem>>) src(%dma_wait3A_146 : memref<8x64xf32, #tpu.memory_space<hbm>>) dst(%dma_wait3A_143 : memref<8x64xf32, #tpu.memory_space<vmem>>)
      %scan3A_147 = arith.constant 0 : i32
      scf.yield %scan3A_147 : i32
    }
    %scan3A_59 = arith.constant 64 : i32
    %scan3A_60 = arith.constant 0 : i32
    %scan3A_61 = arith.constant 0 : i32
    %scan3A_62 = arith.constant 64 : i32
    %scan3A_63 = arith.addi %scan3A_61, %scan3A_62 : i32
    %scan3A_64 = arith.constant 1 : i32
    %scan3A_65 = scf.for %scan3A_134 = %scan3A_61 to %scan3A_63 step %scan3A_64 iter_args(%scan3A_135 = %scan3A_60) -> (i32)  : i32 {
      %jit3A = arith.constant 16 : i32
      %div3A = arith.divsi %scan3A_134, %jit3A : i32
      %sign3A = arith.constant 0 : i32
      %sign3A_136 = arith.cmpi sgt, %scan3A_134, %sign3A : i32
      %sign3A_137 = arith.extui %sign3A_136 : i1 to i32
      %sign3A_138 = arith.constant 0 : i32
      %sign3A_139 = arith.cmpi slt, %scan3A_134, %sign3A_138 : i32
      %sign3A_140 = arith.extui %sign3A_139 : i1 to i32
      %sign3A_141 = arith.subi %sign3A_137, %sign3A_140 : i32
      %sign3A_142 = arith.constant 0 : i32
      %sign3A_143 = arith.cmpi sgt, %jit3A, %sign3A_142 : i32
      %sign3A_144 = arith.extui %sign3A_143 : i1 to i32
      %sign3A_145 = arith.constant 0 : i32
      %sign3A_146 = arith.cmpi slt, %jit3A, %sign3A_145 : i32
      %sign3A_147 = arith.extui %sign3A_146 : i1 to i32
      %sign3A_148 = arith.subi %sign3A_144, %sign3A_147 : i32
      %ne3A = arith.cmpi ne, %sign3A_141, %sign3A_148 : i32
      %rem3A = arith.remsi %scan3A_134, %jit3A : i32
      %ne3A_149 = arith.constant 0 : i32
      %ne3A_150 = arith.cmpi ne, %rem3A, %ne3A_149 : i32
      %and3A = arith.andi %ne3A, %ne3A_150 : i1
      %sub3A = arith.constant 1 : i32
      %sub3A_151 = arith.subi %div3A, %sub3A : i32
      %select_n3A = arith.select %and3A, %sub3A_151, %div3A : i32
      %jit3A_152 = arith.constant 16 : i32
      %eq3A = arith.constant 0 : i32
      %eq3A_153 = arith.cmpi eq, %jit3A_152, %eq3A : i32
      %jit3A_154 = arith.constant 1 : i32
      %select_n3A_155 = arith.select %eq3A_153, %jit3A_154, %jit3A_152 : i32
      %rem3A_156 = arith.remsi %scan3A_134, %select_n3A_155 : i32
      %ne3A_157 = arith.constant 0 : i32
      %ne3A_158 = arith.cmpi ne, %rem3A_156, %ne3A_157 : i32
      %lt3A = arith.constant 0 : i32
      %lt3A_159 = arith.cmpi slt, %rem3A_156, %lt3A : i32
      %lt3A_160 = arith.constant 0 : i32
      %lt3A_161 = arith.cmpi slt, %select_n3A_155, %lt3A_160 : i32
      %ne3A_162 = arith.xori %lt3A_159, %lt3A_161 : i1
      %and3A_163 = arith.andi %ne3A_162, %ne3A_158 : i1
      %add3A_164 = arith.addi %rem3A_156, %select_n3A_155 : i32
      %select_n3A_165 = arith.select %and3A_163, %add3A_164, %rem3A_156 : i32
      %mul3A_166 = arith.constant 16 : i32
      %mul3A_167 = arith.muli %select_n3A, %mul3A_166 : i32
      %add3A_168 = arith.constant 0 : i32
      %add3A_169 = arith.addi %add3A_168, %mul3A_167 : i32
      %get3A = arith.constant 1 : i32
      %get3A_170 = arith.index_cast %get3A : i32 to index
      %get3A_171 = arith.index_cast %add3A_169 : i32 to index
      %get3A_172 = tpu.vector_load %arg7[%get3A_170, %get3A_171] {strides = array<i32>} : memref<2x128xi32, #tpu.memory_space<vmem>>, vector<16xi32>,
      %eq3A_173 = vector.broadcast %select_n3A_165 : i32 to vector<16xi32>
      %eq3A_174 = arith.cmpi eq, %iota3A, %eq3A_173 : vector<16xi32>
      %jit3A_175 = arith.constant 0 : i32
      %broadcast_in_dim3A = vector.broadcast %jit3A_175 : i32 to vector<16xi32>
      %select_n3A_176 = arith.select %eq3A_174, %get3A_172, %broadcast_in_dim3A : vector<16xi1>, vector<16xi32>
      %reduce_max3A = arith.constant true
      %reduce_max3A_177 = vector.broadcast %reduce_max3A : i1 to vector<16xi1>
      %reduce_max3A_178 = arith.constant -2147483648 : i32
      %reduce_max3A_179 = vector.broadcast %reduce_max3A_178 : i32 to vector<16xi32>
      %reduce_max3A_180 = arith.xori %select_n3A_176, %reduce_max3A_179 : vector<16xi32>
      %reduce_max3A_181 = tpu.scan <max>, %reduce_max3A_180 masked %reduce_max3A_177 : vector<16xi32>, vector<16xi1> -> vector<16xi32>
      %reduce_max3A_182 = arith.xori %reduce_max3A_181, %reduce_max3A_179 : vector<16xi32>
      %reduce_max3A_183 = vector.extract %reduce_max3A_182[15] : i32 from vector<16xi32>
      %mul3A_184 = arith.constant 8 : i32
      %mul3A_185 = arith.muli %scan3A_134, %mul3A_184 : i32
      %jit3A_186 = arith.constant 8 : i32
      %eq3A_187 = arith.constant 0 : i32
      %eq3A_188 = arith.cmpi eq, %jit3A_186, %eq3A_187 : i32
      %jit3A_189 = arith.constant 1 : i32
      %select_n3A_190 = arith.select %eq3A_188, %jit3A_189, %jit3A_186 : i32
      %rem3A_191 = arith.remsi %reduce_max3A_183, %select_n3A_190 : i32
      %ne3A_192 = arith.constant 0 : i32
      %ne3A_193 = arith.cmpi ne, %rem3A_191, %ne3A_192 : i32
      %lt3A_194 = arith.constant 0 : i32
      %lt3A_195 = arith.cmpi slt, %rem3A_191, %lt3A_194 : i32
      %lt3A_196 = arith.constant 0 : i32
      %lt3A_197 = arith.cmpi slt, %select_n3A_190, %lt3A_196 : i32
      %ne3A_198 = arith.xori %lt3A_195, %lt3A_197 : i1
      %and3A_199 = arith.andi %ne3A_198, %ne3A_193 : i1
      %add3A_200 = arith.addi %rem3A_191, %select_n3A_190 : i32
      %select_n3A_201 = arith.select %and3A_199, %add3A_200, %rem3A_191 : i32
      %add3A_202 = arith.addi %mul3A_185, %select_n3A_201 : i32
      %get3A_203 = arith.index_cast %add3A_202 : i32 to index
      %get3A_204 = arith.constant 0 : index
      %get3A_205 = tpu.vector_load %arg11[%get3A_203, %get3A_204] {strides = array<i32>} : memref<512x64xf32, #tpu.memory_space<vmem>>, vector<16xf32>,
      %add3A_206 = arith.constant 128 : i32
      %add3A_207 = arith.addi %add3A_206, %scan3A_134 : i32
      %swap3A = arith.index_cast %add3A_207 : i32 to index
      %swap3A_208 = arith.constant 0 : index
      %swap3A_209 = tpu.vector_load %arg9[%swap3A, %swap3A_208] {strides = array<i32>} : memref<256x64xf32, #tpu.memory_space<vmem>>, vector<16xf32>,
      tpu.vector_store %arg9[%swap3A, %swap3A_208], %get3A_205 {strides = array<i32>} : memref<256x64xf32, #tpu.memory_space<vmem>>, vector<16xf32>,
      %get3A_210 = arith.index_cast %add3A_202 : i32 to index
      %get3A_211 = arith.constant 16 : index
      %get3A_212 = tpu.vector_load %arg11[%get3A_210, %get3A_211] {strides = array<i32>} : memref<512x64xf32, #tpu.memory_space<vmem>>, vector<16xf32>,
      %add3A_213 = arith.constant 128 : i32
      %add3A_214 = arith.addi %add3A_213, %scan3A_134 : i32
      %swap3A_215 = arith.index_cast %add3A_214 : i32 to index
      %swap3A_216 = arith.constant 16 : index
      %swap3A_217 = tpu.vector_load %arg9[%swap3A_215, %swap3A_216] {strides = array<i32>} : memref<256x64xf32, #tpu.memory_space<vmem>>, vector<16xf32>,
      tpu.vector_store %arg9[%swap3A_215, %swap3A_216], %get3A_212 {strides = array<i32>} : memref<256x64xf32, #tpu.memory_space<vmem>>, vector<16xf32>,
      %get3A_218 = arith.index_cast %add3A_202 : i32 to index
      %get3A_219 = arith.constant 32 : index
      %get3A_220 = tpu.vector_load %arg11[%get3A_218, %get3A_219] {strides = array<i32>} : memref<512x64xf32, #tpu.memory_space<vmem>>, vector<16xf32>,
      %add3A_221 = arith.constant 128 : i32
      %add3A_222 = arith.addi %add3A_221, %scan3A_134 : i32
      %swap3A_223 = arith.index_cast %add3A_222 : i32 to index
      %swap3A_224 = arith.constant 32 : index
      %swap3A_225 = tpu.vector_load %arg9[%swap3A_223, %swap3A_224] {strides = array<i32>} : memref<256x64xf32, #tpu.memory_space<vmem>>, vector<16xf32>,
      tpu.vector_store %arg9[%swap3A_223, %swap3A_224], %get3A_220 {strides = array<i32>} : memref<256x64xf32, #tpu.memory_space<vmem>>, vector<16xf32>,
      %get3A_226 = arith.index_cast %add3A_202 : i32 to index
      %get3A_227 = arith.constant 48 : index
      %get3A_228 = tpu.vector_load %arg11[%get3A_226, %get3A_227] {strides = array<i32>} : memref<512x64xf32, #tpu.memory_space<vmem>>, vector<16xf32>,
      %add3A_229 = arith.constant 128 : i32
      %add3A_230 = arith.addi %add3A_229, %scan3A_134 : i32
      %swap3A_231 = arith.index_cast %add3A_230 : i32 to index
      %swap3A_232 = arith.constant 48 : index
      %swap3A_233 = tpu.vector_load %arg9[%swap3A_231, %swap3A_232] {strides = array<i32>} : memref<256x64xf32, #tpu.memory_space<vmem>>, vector<16xf32>,
      tpu.vector_store %arg9[%swap3A_231, %swap3A_232], %get3A_228 {strides = array<i32>} : memref<256x64xf32, #tpu.memory_space<vmem>>, vector<16xf32>,
      %scan3A_234 = arith.constant 0 : i32
      scf.yield %scan3A_234 : i32
    }
    %scan3A_66 = arith.constant 64 : i32
    %scan3A_67 = arith.constant 0 : i32
    %scan3A_68 = arith.constant 0 : i32
    %scan3A_69 = arith.constant 64 : i32
    %scan3A_70 = arith.addi %scan3A_68, %scan3A_69 : i32
    %scan3A_71 = arith.constant 1 : i32
    %scan3A_72 = scf.for %scan3A_134 = %scan3A_68 to %scan3A_70 step %scan3A_71 iter_args(%scan3A_135 = %scan3A_67) -> (i32)  : i32 {
      %jit3A = arith.constant 16 : i32
      %div3A = arith.divsi %scan3A_134, %jit3A : i32
      %sign3A = arith.constant 0 : i32
      %sign3A_136 = arith.cmpi sgt, %scan3A_134, %sign3A : i32
      %sign3A_137 = arith.extui %sign3A_136 : i1 to i32
      %sign3A_138 = arith.constant 0 : i32
      %sign3A_139 = arith.cmpi slt, %scan3A_134, %sign3A_138 : i32
      %sign3A_140 = arith.extui %sign3A_139 : i1 to i32
      %sign3A_141 = arith.subi %sign3A_137, %sign3A_140 : i32
      %sign3A_142 = arith.constant 0 : i32
      %sign3A_143 = arith.cmpi sgt, %jit3A, %sign3A_142 : i32
      %sign3A_144 = arith.extui %sign3A_143 : i1 to i32
      %sign3A_145 = arith.constant 0 : i32
      %sign3A_146 = arith.cmpi slt, %jit3A, %sign3A_145 : i32
      %sign3A_147 = arith.extui %sign3A_146 : i1 to i32
      %sign3A_148 = arith.subi %sign3A_144, %sign3A_147 : i32
      %ne3A = arith.cmpi ne, %sign3A_141, %sign3A_148 : i32
      %rem3A = arith.remsi %scan3A_134, %jit3A : i32
      %ne3A_149 = arith.constant 0 : i32
      %ne3A_150 = arith.cmpi ne, %rem3A, %ne3A_149 : i32
      %and3A = arith.andi %ne3A, %ne3A_150 : i1
      %sub3A = arith.constant 1 : i32
      %sub3A_151 = arith.subi %div3A, %sub3A : i32
      %select_n3A = arith.select %and3A, %sub3A_151, %div3A : i32
      %jit3A_152 = arith.constant 16 : i32
      %eq3A = arith.constant 0 : i32
      %eq3A_153 = arith.cmpi eq, %jit3A_152, %eq3A : i32
      %jit3A_154 = arith.constant 1 : i32
      %select_n3A_155 = arith.select %eq3A_153, %jit3A_154, %jit3A_152 : i32
      %rem3A_156 = arith.remsi %scan3A_134, %select_n3A_155 : i32
      %ne3A_157 = arith.constant 0 : i32
      %ne3A_158 = arith.cmpi ne, %rem3A_156, %ne3A_157 : i32
      %lt3A = arith.constant 0 : i32
      %lt3A_159 = arith.cmpi slt, %rem3A_156, %lt3A : i32
      %lt3A_160 = arith.constant 0 : i32
      %lt3A_161 = arith.cmpi slt, %select_n3A_155, %lt3A_160 : i32
      %ne3A_162 = arith.xori %lt3A_159, %lt3A_161 : i1
      %and3A_163 = arith.andi %ne3A_162, %ne3A_158 : i1
      %add3A_164 = arith.addi %rem3A_156, %select_n3A_155 : i32
      %select_n3A_165 = arith.select %and3A_163, %add3A_164, %rem3A_156 : i32
      %mul3A_166 = arith.constant 16 : i32
      %mul3A_167 = arith.muli %select_n3A, %mul3A_166 : i32
      %add3A_168 = arith.constant 64 : i32
      %add3A_169 = arith.addi %add3A_168, %mul3A_167 : i32
      %get3A = arith.constant 1 : i32
      %get3A_170 = arith.index_cast %get3A : i32 to index
      %get3A_171 = arith.index_cast %add3A_169 : i32 to index
      %get3A_172 = tpu.vector_load %arg7[%get3A_170, %get3A_171] {strides = array<i32>} : memref<2x128xi32, #tpu.memory_space<vmem>>, vector<16xi32>,
      %eq3A_173 = vector.broadcast %select_n3A_165 : i32 to vector<16xi32>
      %eq3A_174 = arith.cmpi eq, %iota3A, %eq3A_173 : vector<16xi32>
      %jit3A_175 = arith.constant 0 : i32
      %broadcast_in_dim3A = vector.broadcast %jit3A_175 : i32 to vector<16xi32>
      %select_n3A_176 = arith.select %eq3A_174, %get3A_172, %broadcast_in_dim3A : vector<16xi1>, vector<16xi32>
      %reduce_max3A = arith.constant true
      %reduce_max3A_177 = vector.broadcast %reduce_max3A : i1 to vector<16xi1>
      %reduce_max3A_178 = arith.constant -2147483648 : i32
      %reduce_max3A_179 = vector.broadcast %reduce_max3A_178 : i32 to vector<16xi32>
      %reduce_max3A_180 = arith.xori %select_n3A_176, %reduce_max3A_179 : vector<16xi32>
      %reduce_max3A_181 = tpu.scan <max>, %reduce_max3A_180 masked %reduce_max3A_177 : vector<16xi32>, vector<16xi1> -> vector<16xi32>
      %reduce_max3A_182 = arith.xori %reduce_max3A_181, %reduce_max3A_179 : vector<16xi32>
      %reduce_max3A_183 = vector.extract %reduce_max3A_182[15] : i32 from vector<16xi32>
      %jit3A_184 = arith.constant 8 : i32
      %eq3A_185 = arith.constant 0 : i32
      %eq3A_186 = arith.cmpi eq, %jit3A_184, %eq3A_185 : i32
      %jit3A_187 = arith.constant 1 : i32
      %select_n3A_188 = arith.select %eq3A_186, %jit3A_187, %jit3A_184 : i32
      %rem3A_189 = arith.remsi %reduce_max3A_183, %select_n3A_188 : i32
      %ne3A_190 = arith.constant 0 : i32
      %ne3A_191 = arith.cmpi ne, %rem3A_189, %ne3A_190 : i32
      %lt3A_192 = arith.constant 0 : i32
      %lt3A_193 = arith.cmpi slt, %rem3A_189, %lt3A_192 : i32
      %lt3A_194 = arith.constant 0 : i32
      %lt3A_195 = arith.cmpi slt, %select_n3A_188, %lt3A_194 : i32
      %ne3A_196 = arith.xori %lt3A_193, %lt3A_195 : i1
      %and3A_197 = arith.andi %ne3A_196, %ne3A_191 : i1
      %add3A_198 = arith.addi %rem3A_189, %select_n3A_188 : i32
      %select_n3A_199 = arith.select %and3A_197, %add3A_198, %rem3A_189 : i32
      %sub3A_200 = arith.subi %reduce_max3A_183, %select_n3A_199 : i32
      %multiple_of3A = tpu.assume_multiple %sub3A_200, 8 : i32
      %mul3A_201 = arith.constant 8 : i32
      %mul3A_202 = arith.muli %scan3A_134, %mul3A_201 : i32
      %multiple_of3A_203 = tpu.assume_multiple %mul3A_202, 8 : i32
      %dma_start3A = arith.constant 0 : i32
      %dma_start3A_204 = tpu.memref_slice %arg11[%multiple_of3A_203, %dma_start3A] : memref<512x64xf32, #tpu.memory_space<vmem>> -> memref<8x64xf32, #tpu.memory_space<vmem>>
      %dma_start3A_205 = arith.constant 0 : i32
      %dma_start3A_206 = tpu.memref_slice %arg2[%multiple_of3A, %dma_start3A_205] : memref<1000000x64xf32, #tpu.memory_space<hbm>> -> memref<8x64xf32, #tpu.memory_space<hbm>>
      %dma_start3A_207 = arith.constant 0 : i32
      %dma_start3A_208 = tpu.memref_slice %arg11[%multiple_of3A_203, %dma_start3A_207] : memref<512x64xf32, #tpu.memory_space<vmem>> -> memref<8x64xf32, #tpu.memory_space<vmem>>
      %dma_start3A_209 = arith.constant 0 : i32
      %dma_start3A_210 = tpu.memref_slice %arg2[%multiple_of3A, %dma_start3A_209] : memref<1000000x64xf32, #tpu.memory_space<hbm>> -> memref<8x64xf32, #tpu.memory_space<hbm>>
      tpu.enqueue_dma source(%dma_start3A_210 : memref<8x64xf32, #tpu.memory_space<hbm>>) target(%dma_start3A_208 : memref<8x64xf32, #tpu.memory_space<vmem>>) target_semaphore(%arg12 : memref<!tpu.dma_semaphore, #tpu.memory_space<semaphore_mem>>)
      %scan3A_211 = arith.constant 0 : i32
      scf.yield %scan3A_211 : i32
    }
    %scan3A_73 = arith.constant 64 : i32
    %scan3A_74 = arith.constant 0 : i32
    %scan3A_75 = arith.constant 0 : i32
    %scan3A_76 = arith.constant 64 : i32
    %scan3A_77 = arith.addi %scan3A_75, %scan3A_76 : i32
    %scan3A_78 = arith.constant 1 : i32
    %scan3A_79 = scf.for %scan3A_134 = %scan3A_75 to %scan3A_77 step %scan3A_78 iter_args(%scan3A_135 = %scan3A_74) -> (i32)  : i32 {
      %dma_wait3A = arith.constant 0 : i32
      %dma_wait3A_136 = arith.constant 0 : i32
      %dma_wait3A_137 = tpu.memref_slice %arg11[%dma_wait3A, %dma_wait3A_136] : memref<512x64xf32, #tpu.memory_space<vmem>> -> memref<8x64xf32, #tpu.memory_space<vmem>>
      %dma_wait3A_138 = arith.constant 0 : i32
      %dma_wait3A_139 = arith.constant 0 : i32
      %dma_wait3A_140 = tpu.memref_slice %arg2[%dma_wait3A_138, %dma_wait3A_139] : memref<1000000x64xf32, #tpu.memory_space<hbm>> -> memref<8x64xf32, #tpu.memory_space<hbm>>
      %dma_wait3A_141 = arith.constant 0 : i32
      %dma_wait3A_142 = arith.constant 0 : i32
      %dma_wait3A_143 = tpu.memref_slice %arg11[%dma_wait3A_141, %dma_wait3A_142] : memref<512x64xf32, #tpu.memory_space<vmem>> -> memref<8x64xf32, #tpu.memory_space<vmem>>
      %dma_wait3A_144 = arith.constant 0 : i32
      %dma_wait3A_145 = arith.constant 0 : i32
      %dma_wait3A_146 = tpu.memref_slice %arg2[%dma_wait3A_144, %dma_wait3A_145] : memref<1000000x64xf32, #tpu.memory_space<hbm>> -> memref<8x64xf32, #tpu.memory_space<hbm>>
      tpu.wait_dma2 semaphore(%arg12 : memref<!tpu.dma_semaphore, #tpu.memory_space<semaphore_mem>>) src(%dma_wait3A_146 : memref<8x64xf32, #tpu.memory_space<hbm>>) dst(%dma_wait3A_143 : memref<8x64xf32, #tpu.memory_space<vmem>>)
      %scan3A_147 = arith.constant 0 : i32
      scf.yield %scan3A_147 : i32
    }
    %scan3A_80 = arith.constant 64 : i32
    %scan3A_81 = arith.constant 0 : i32
    %scan3A_82 = arith.constant 0 : i32
    %scan3A_83 = arith.constant 64 : i32
    %scan3A_84 = arith.addi %scan3A_82, %scan3A_83 : i32
    %scan3A_85 = arith.constant 1 : i32
    %scan3A_86 = scf.for %scan3A_134 = %scan3A_82 to %scan3A_84 step %scan3A_85 iter_args(%scan3A_135 = %scan3A_81) -> (i32)  : i32 {
      %jit3A = arith.constant 16 : i32
      %div3A = arith.divsi %scan3A_134, %jit3A : i32
      %sign3A = arith.constant 0 : i32
      %sign3A_136 = arith.cmpi sgt, %scan3A_134, %sign3A : i32
      %sign3A_137 = arith.extui %sign3A_136 : i1 to i32
      %sign3A_138 = arith.constant 0 : i32
      %sign3A_139 = arith.cmpi slt, %scan3A_134, %sign3A_138 : i32
      %sign3A_140 = arith.extui %sign3A_139 : i1 to i32
      %sign3A_141 = arith.subi %sign3A_137, %sign3A_140 : i32
      %sign3A_142 = arith.constant 0 : i32
      %sign3A_143 = arith.cmpi sgt, %jit3A, %sign3A_142 : i32
      %sign3A_144 = arith.extui %sign3A_143 : i1 to i32
      %sign3A_145 = arith.constant 0 : i32
      %sign3A_146 = arith.cmpi slt, %jit3A, %sign3A_145 : i32
      %sign3A_147 = arith.extui %sign3A_146 : i1 to i32
      %sign3A_148 = arith.subi %sign3A_144, %sign3A_147 : i32
      %ne3A = arith.cmpi ne, %sign3A_141, %sign3A_148 : i32
      %rem3A = arith.remsi %scan3A_134, %jit3A : i32
      %ne3A_149 = arith.constant 0 : i32
      %ne3A_150 = arith.cmpi ne, %rem3A, %ne3A_149 : i32
      %and3A = arith.andi %ne3A, %ne3A_150 : i1
      %sub3A = arith.constant 1 : i32
      %sub3A_151 = arith.subi %div3A, %sub3A : i32
      %select_n3A = arith.select %and3A, %sub3A_151, %div3A : i32
      %jit3A_152 = arith.constant 16 : i32
      %eq3A = arith.constant 0 : i32
      %eq3A_153 = arith.cmpi eq, %jit3A_152, %eq3A : i32
      %jit3A_154 = arith.constant 1 : i32
      %select_n3A_155 = arith.select %eq3A_153, %jit3A_154, %jit3A_152 : i32
      %rem3A_156 = arith.remsi %scan3A_134, %select_n3A_155 : i32
      %ne3A_157 = arith.constant 0 : i32
      %ne3A_158 = arith.cmpi ne, %rem3A_156, %ne3A_157 : i32
      %lt3A = arith.constant 0 : i32
      %lt3A_159 = arith.cmpi slt, %rem3A_156, %lt3A : i32
      %lt3A_160 = arith.constant 0 : i32
      %lt3A_161 = arith.cmpi slt, %select_n3A_155, %lt3A_160 : i32
      %ne3A_162 = arith.xori %lt3A_159, %lt3A_161 : i1
      %and3A_163 = arith.andi %ne3A_162, %ne3A_158 : i1
      %add3A_164 = arith.addi %rem3A_156, %select_n3A_155 : i32
      %select_n3A_165 = arith.select %and3A_163, %add3A_164, %rem3A_156 : i32
      %mul3A_166 = arith.constant 16 : i32
      %mul3A_167 = arith.muli %select_n3A, %mul3A_166 : i32
      %add3A_168 = arith.constant 64 : i32
      %add3A_169 = arith.addi %add3A_168, %mul3A_167 : i32
      %get3A = arith.constant 1 : i32
      %get3A_170 = arith.index_cast %get3A : i32 to index
      %get3A_171 = arith.index_cast %add3A_169 : i32 to index
      %get3A_172 = tpu.vector_load %arg7[%get3A_170, %get3A_171] {strides = array<i32>} : memref<2x128xi32, #tpu.memory_space<vmem>>, vector<16xi32>,
      %eq3A_173 = vector.broadcast %select_n3A_165 : i32 to vector<16xi32>
      %eq3A_174 = arith.cmpi eq, %iota3A, %eq3A_173 : vector<16xi32>
      %jit3A_175 = arith.constant 0 : i32
      %broadcast_in_dim3A = vector.broadcast %jit3A_175 : i32 to vector<16xi32>
      %select_n3A_176 = arith.select %eq3A_174, %get3A_172, %broadcast_in_dim3A : vector<16xi1>, vector<16xi32>
      %reduce_max3A = arith.constant true
      %reduce_max3A_177 = vector.broadcast %reduce_max3A : i1 to vector<16xi1>
      %reduce_max3A_178 = arith.constant -2147483648 : i32
      %reduce_max3A_179 = vector.broadcast %reduce_max3A_178 : i32 to vector<16xi32>
      %reduce_max3A_180 = arith.xori %select_n3A_176, %reduce_max3A_179 : vector<16xi32>
      %reduce_max3A_181 = tpu.scan <max>, %reduce_max3A_180 masked %reduce_max3A_177 : vector<16xi32>, vector<16xi1> -> vector<16xi32>
      %reduce_max3A_182 = arith.xori %reduce_max3A_181, %reduce_max3A_179 : vector<16xi32>
      %reduce_max3A_183 = vector.extract %reduce_max3A_182[15] : i32 from vector<16xi32>
      %mul3A_184 = arith.constant 8 : i32
      %mul3A_185 = arith.muli %scan3A_134, %mul3A_184 : i32
      %jit3A_186 = arith.constant 8 : i32
      %eq3A_187 = arith.constant 0 : i32
      %eq3A_188 = arith.cmpi eq, %jit3A_186, %eq3A_187 : i32
      %jit3A_189 = arith.constant 1 : i32
      %select_n3A_190 = arith.select %eq3A_188, %jit3A_189, %jit3A_186 : i32
      %rem3A_191 = arith.remsi %reduce_max3A_183, %select_n3A_190 : i32
      %ne3A_192 = arith.constant 0 : i32
      %ne3A_193 = arith.cmpi ne, %rem3A_191, %ne3A_192 : i32
      %lt3A_194 = arith.constant 0 : i32
      %lt3A_195 = arith.cmpi slt, %rem3A_191, %lt3A_194 : i32
      %lt3A_196 = arith.constant 0 : i32
      %lt3A_197 = arith.cmpi slt, %select_n3A_190, %lt3A_196 : i32
      %ne3A_198 = arith.xori %lt3A_195, %lt3A_197 : i1
      %and3A_199 = arith.andi %ne3A_198, %ne3A_193 : i1
      %add3A_200 = arith.addi %rem3A_191, %select_n3A_190 : i32
      %select_n3A_201 = arith.select %and3A_199, %add3A_200, %rem3A_191 : i32
      %add3A_202 = arith.addi %mul3A_185, %select_n3A_201 : i32
      %get3A_203 = arith.index_cast %add3A_202 : i32 to index
      %get3A_204 = arith.constant 0 : index
      %get3A_205 = tpu.vector_load %arg11[%get3A_203, %get3A_204] {strides = array<i32>} : memref<512x64xf32, #tpu.memory_space<vmem>>, vector<16xf32>,
      %add3A_206 = arith.constant 192 : i32
      %add3A_207 = arith.addi %add3A_206, %scan3A_134 : i32
      %swap3A = arith.index_cast %add3A_207 : i32 to index
      %swap3A_208 = arith.constant 0 : index
      %swap3A_209 = tpu.vector_load %arg9[%swap3A, %swap3A_208] {strides = array<i32>} : memref<256x64xf32, #tpu.memory_space<vmem>>, vector<16xf32>,
      tpu.vector_store %arg9[%swap3A, %swap3A_208], %get3A_205 {strides = array<i32>} : memref<256x64xf32, #tpu.memory_space<vmem>>, vector<16xf32>,
      %get3A_210 = arith.index_cast %add3A_202 : i32 to index
      %get3A_211 = arith.constant 16 : index
      %get3A_212 = tpu.vector_load %arg11[%get3A_210, %get3A_211] {strides = array<i32>} : memref<512x64xf32, #tpu.memory_space<vmem>>, vector<16xf32>,
      %add3A_213 = arith.constant 192 : i32
      %add3A_214 = arith.addi %add3A_213, %scan3A_134 : i32
      %swap3A_215 = arith.index_cast %add3A_214 : i32 to index
      %swap3A_216 = arith.constant 16 : index
      %swap3A_217 = tpu.vector_load %arg9[%swap3A_215, %swap3A_216] {strides = array<i32>} : memref<256x64xf32, #tpu.memory_space<vmem>>, vector<16xf32>,
      tpu.vector_store %arg9[%swap3A_215, %swap3A_216], %get3A_212 {strides = array<i32>} : memref<256x64xf32, #tpu.memory_space<vmem>>, vector<16xf32>,
      %get3A_218 = arith.index_cast %add3A_202 : i32 to index
      %get3A_219 = arith.constant 32 : index
      %get3A_220 = tpu.vector_load %arg11[%get3A_218, %get3A_219] {strides = array<i32>} : memref<512x64xf32, #tpu.memory_space<vmem>>, vector<16xf32>,
      %add3A_221 = arith.constant 192 : i32
      %add3A_222 = arith.addi %add3A_221, %scan3A_134 : i32
      %swap3A_223 = arith.index_cast %add3A_222 : i32 to index
      %swap3A_224 = arith.constant 32 : index
      %swap3A_225 = tpu.vector_load %arg9[%swap3A_223, %swap3A_224] {strides = array<i32>} : memref<256x64xf32, #tpu.memory_space<vmem>>, vector<16xf32>,
      tpu.vector_store %arg9[%swap3A_223, %swap3A_224], %get3A_220 {strides = array<i32>} : memref<256x64xf32, #tpu.memory_space<vmem>>, vector<16xf32>,
      %get3A_226 = arith.index_cast %add3A_202 : i32 to index
      %get3A_227 = arith.constant 48 : index
      %get3A_228 = tpu.vector_load %arg11[%get3A_226, %get3A_227] {strides = array<i32>} : memref<512x64xf32, #tpu.memory_space<vmem>>, vector<16xf32>,
      %add3A_229 = arith.constant 192 : i32
      %add3A_230 = arith.addi %add3A_229, %scan3A_134 : i32
      %swap3A_231 = arith.index_cast %add3A_230 : i32 to index
      %swap3A_232 = arith.constant 48 : index
      %swap3A_233 = tpu.vector_load %arg9[%swap3A_231, %swap3A_232] {strides = array<i32>} : memref<256x64xf32, #tpu.memory_space<vmem>>, vector<16xf32>,
      tpu.vector_store %arg9[%swap3A_231, %swap3A_232], %get3A_228 {strides = array<i32>} : memref<256x64xf32, #tpu.memory_space<vmem>>, vector<16xf32>,
      %scan3A_234 = arith.constant 0 : i32
      scf.yield %scan3A_234 : i32
    }
    %scan3A_87 = arith.constant 64 : i32
    %scan3A_88 = arith.constant 0 : i32
    %scan3A_89 = arith.constant 0 : i32
    %scan3A_90 = arith.constant 64 : i32
    %scan3A_91 = arith.addi %scan3A_89, %scan3A_90 : i32
    %scan3A_92 = arith.constant 1 : i32
    %scan3A_93 = scf.for %scan3A_134 = %scan3A_89 to %scan3A_91 step %scan3A_92 iter_args(%scan3A_135 = %scan3A_88) -> (i32)  : i32 {
      %jit3A = arith.constant 16 : i32
      %div3A = arith.divsi %scan3A_134, %jit3A : i32
      %sign3A = arith.constant 0 : i32
      %sign3A_136 = arith.cmpi sgt, %scan3A_134, %sign3A : i32
      %sign3A_137 = arith.extui %sign3A_136 : i1 to i32
      %sign3A_138 = arith.constant 0 : i32
      %sign3A_139 = arith.cmpi slt, %scan3A_134, %sign3A_138 : i32
      %sign3A_140 = arith.extui %sign3A_139 : i1 to i32
      %sign3A_141 = arith.subi %sign3A_137, %sign3A_140 : i32
      %sign3A_142 = arith.constant 0 : i32
      %sign3A_143 = arith.cmpi sgt, %jit3A, %sign3A_142 : i32
      %sign3A_144 = arith.extui %sign3A_143 : i1 to i32
      %sign3A_145 = arith.constant 0 : i32
      %sign3A_146 = arith.cmpi slt, %jit3A, %sign3A_145 : i32
      %sign3A_147 = arith.extui %sign3A_146 : i1 to i32
      %sign3A_148 = arith.subi %sign3A_144, %sign3A_147 : i32
      %ne3A = arith.cmpi ne, %sign3A_141, %sign3A_148 : i32
      %rem3A = arith.remsi %scan3A_134, %jit3A : i32
      %ne3A_149 = arith.constant 0 : i32
      %ne3A_150 = arith.cmpi ne, %rem3A, %ne3A_149 : i32
      %and3A = arith.andi %ne3A, %ne3A_150 : i1
      %sub3A = arith.constant 1 : i32
      %sub3A_151 = arith.subi %div3A, %sub3A : i32
      %select_n3A = arith.select %and3A, %sub3A_151, %div3A : i32
      %jit3A_152 = arith.constant 16 : i32
      %eq3A = arith.constant 0 : i32
      %eq3A_153 = arith.cmpi eq, %jit3A_152, %eq3A : i32
      %jit3A_154 = arith.constant 1 : i32
      %select_n3A_155 = arith.select %eq3A_153, %jit3A_154, %jit3A_152 : i32
      %rem3A_156 = arith.remsi %scan3A_134, %select_n3A_155 : i32
      %ne3A_157 = arith.constant 0 : i32
      %ne3A_158 = arith.cmpi ne, %rem3A_156, %ne3A_157 : i32
      %lt3A = arith.constant 0 : i32
      %lt3A_159 = arith.cmpi slt, %rem3A_156, %lt3A : i32
      %lt3A_160 = arith.constant 0 : i32
      %lt3A_161 = arith.cmpi slt, %select_n3A_155, %lt3A_160 : i32
      %ne3A_162 = arith.xori %lt3A_159, %lt3A_161 : i1
      %and3A_163 = arith.andi %ne3A_162, %ne3A_158 : i1
      %add3A_164 = arith.addi %rem3A_156, %select_n3A_155 : i32
      %select_n3A_165 = arith.select %and3A_163, %add3A_164, %rem3A_156 : i32
      %mul3A_166 = arith.constant 16 : i32
      %mul3A_167 = arith.muli %select_n3A, %mul3A_166 : i32
      %add3A_168 = arith.constant 0 : i32
      %add3A_169 = arith.addi %add3A_168, %mul3A_167 : i32
      %get3A = arith.constant 0 : i32
      %get3A_170 = arith.index_cast %get3A : i32 to index
      %get3A_171 = arith.index_cast %add3A_169 : i32 to index
      %get3A_172 = tpu.vector_load %arg8[%get3A_170, %get3A_171] {strides = array<i32>} : memref<1x128xi32, #tpu.memory_space<vmem>>, vector<16xi32>,
      %eq3A_173 = vector.broadcast %select_n3A_165 : i32 to vector<16xi32>
      %eq3A_174 = arith.cmpi eq, %iota3A, %eq3A_173 : vector<16xi32>
      %jit3A_175 = arith.constant 0 : i32
      %broadcast_in_dim3A = vector.broadcast %jit3A_175 : i32 to vector<16xi32>
      %select_n3A_176 = arith.select %eq3A_174, %get3A_172, %broadcast_in_dim3A : vector<16xi1>, vector<16xi32>
      %reduce_max3A = arith.constant true
      %reduce_max3A_177 = vector.broadcast %reduce_max3A : i1 to vector<16xi1>
      %reduce_max3A_178 = arith.constant -2147483648 : i32
      %reduce_max3A_179 = vector.broadcast %reduce_max3A_178 : i32 to vector<16xi32>
      %reduce_max3A_180 = arith.xori %select_n3A_176, %reduce_max3A_179 : vector<16xi32>
      %reduce_max3A_181 = tpu.scan <max>, %reduce_max3A_180 masked %reduce_max3A_177 : vector<16xi32>, vector<16xi1> -> vector<16xi32>
      %reduce_max3A_182 = arith.xori %reduce_max3A_181, %reduce_max3A_179 : vector<16xi32>
      %reduce_max3A_183 = vector.extract %reduce_max3A_182[15] : i32 from vector<16xi32>
      %jit3A_184 = arith.constant 8 : i32
      %eq3A_185 = arith.constant 0 : i32
      %eq3A_186 = arith.cmpi eq, %jit3A_184, %eq3A_185 : i32
      %jit3A_187 = arith.constant 1 : i32
      %select_n3A_188 = arith.select %eq3A_186, %jit3A_187, %jit3A_184 : i32
      %rem3A_189 = arith.remsi %reduce_max3A_183, %select_n3A_188 : i32
      %ne3A_190 = arith.constant 0 : i32
      %ne3A_191 = arith.cmpi ne, %rem3A_189, %ne3A_190 : i32
      %lt3A_192 = arith.constant 0 : i32
      %lt3A_193 = arith.cmpi slt, %rem3A_189, %lt3A_192 : i32
      %lt3A_194 = arith.constant 0 : i32
      %lt3A_195 = arith.cmpi slt, %select_n3A_188, %lt3A_194 : i32
      %ne3A_196 = arith.xori %lt3A_193, %lt3A_195 : i1
      %and3A_197 = arith.andi %ne3A_196, %ne3A_191 : i1
      %add3A_198 = arith.addi %rem3A_189, %select_n3A_188 : i32
      %select_n3A_199 = arith.select %and3A_197, %add3A_198, %rem3A_189 : i32
      %sub3A_200 = arith.subi %reduce_max3A_183, %select_n3A_199 : i32
      %multiple_of3A = tpu.assume_multiple %sub3A_200, 8 : i32
      %mul3A_201 = arith.constant 8 : i32
      %mul3A_202 = arith.muli %scan3A_134, %mul3A_201 : i32
      %multiple_of3A_203 = tpu.assume_multiple %mul3A_202, 8 : i32
      %dma_start3A = arith.constant 0 : i32
      %dma_start3A_204 = tpu.memref_slice %arg11[%multiple_of3A_203, %dma_start3A] : memref<512x64xf32, #tpu.memory_space<vmem>> -> memref<8x64xf32, #tpu.memory_space<vmem>>
      %dma_start3A_205 = arith.constant 0 : i32
      %dma_start3A_206 = tpu.memref_slice %arg2[%multiple_of3A, %dma_start3A_205] : memref<1000000x64xf32, #tpu.memory_space<hbm>> -> memref<8x64xf32, #tpu.memory_space<hbm>>
      %dma_start3A_207 = arith.constant 0 : i32
      %dma_start3A_208 = tpu.memref_slice %arg11[%multiple_of3A_203, %dma_start3A_207] : memref<512x64xf32, #tpu.memory_space<vmem>> -> memref<8x64xf32, #tpu.memory_space<vmem>>
      %dma_start3A_209 = arith.constant 0 : i32
      %dma_start3A_210 = tpu.memref_slice %arg2[%multiple_of3A, %dma_start3A_209] : memref<1000000x64xf32, #tpu.memory_space<hbm>> -> memref<8x64xf32, #tpu.memory_space<hbm>>
      tpu.enqueue_dma source(%dma_start3A_210 : memref<8x64xf32, #tpu.memory_space<hbm>>) target(%dma_start3A_208 : memref<8x64xf32, #tpu.memory_space<vmem>>) target_semaphore(%arg12 : memref<!tpu.dma_semaphore, #tpu.memory_space<semaphore_mem>>)
      %scan3A_211 = arith.constant 0 : i32
      scf.yield %scan3A_211 : i32
    }
    %scan3A_94 = arith.constant 64 : i32
    %scan3A_95 = arith.constant 0 : i32
    %scan3A_96 = arith.constant 0 : i32
    %scan3A_97 = arith.constant 64 : i32
    %scan3A_98 = arith.addi %scan3A_96, %scan3A_97 : i32
    %scan3A_99 = arith.constant 1 : i32
    %scan3A_100 = scf.for %scan3A_134 = %scan3A_96 to %scan3A_98 step %scan3A_99 iter_args(%scan3A_135 = %scan3A_95) -> (i32)  : i32 {
      %dma_wait3A = arith.constant 0 : i32
      %dma_wait3A_136 = arith.constant 0 : i32
      %dma_wait3A_137 = tpu.memref_slice %arg11[%dma_wait3A, %dma_wait3A_136] : memref<512x64xf32, #tpu.memory_space<vmem>> -> memref<8x64xf32, #tpu.memory_space<vmem>>
      %dma_wait3A_138 = arith.constant 0 : i32
      %dma_wait3A_139 = arith.constant 0 : i32
      %dma_wait3A_140 = tpu.memref_slice %arg2[%dma_wait3A_138, %dma_wait3A_139] : memref<1000000x64xf32, #tpu.memory_space<hbm>> -> memref<8x64xf32, #tpu.memory_space<hbm>>
      %dma_wait3A_141 = arith.constant 0 : i32
      %dma_wait3A_142 = arith.constant 0 : i32
      %dma_wait3A_143 = tpu.memref_slice %arg11[%dma_wait3A_141, %dma_wait3A_142] : memref<512x64xf32, #tpu.memory_space<vmem>> -> memref<8x64xf32, #tpu.memory_space<vmem>>
      %dma_wait3A_144 = arith.constant 0 : i32
      %dma_wait3A_145 = arith.constant 0 : i32
      %dma_wait3A_146 = tpu.memref_slice %arg2[%dma_wait3A_144, %dma_wait3A_145] : memref<1000000x64xf32, #tpu.memory_space<hbm>> -> memref<8x64xf32, #tpu.memory_space<hbm>>
      tpu.wait_dma2 semaphore(%arg12 : memref<!tpu.dma_semaphore, #tpu.memory_space<semaphore_mem>>) src(%dma_wait3A_146 : memref<8x64xf32, #tpu.memory_space<hbm>>) dst(%dma_wait3A_143 : memref<8x64xf32, #tpu.memory_space<vmem>>)
      %scan3A_147 = arith.constant 0 : i32
      scf.yield %scan3A_147 : i32
    }
    %scan3A_101 = arith.constant 64 : i32
    %scan3A_102 = arith.constant 0 : i32
    %scan3A_103 = arith.constant 0 : i32
    %scan3A_104 = arith.constant 64 : i32
    %scan3A_105 = arith.addi %scan3A_103, %scan3A_104 : i32
    %scan3A_106 = arith.constant 1 : i32
    %scan3A_107 = scf.for %scan3A_134 = %scan3A_103 to %scan3A_105 step %scan3A_106 iter_args(%scan3A_135 = %scan3A_102) -> (i32)  : i32 {
      %jit3A = arith.constant 16 : i32
      %div3A = arith.divsi %scan3A_134, %jit3A : i32
      %sign3A = arith.constant 0 : i32
      %sign3A_136 = arith.cmpi sgt, %scan3A_134, %sign3A : i32
      %sign3A_137 = arith.extui %sign3A_136 : i1 to i32
      %sign3A_138 = arith.constant 0 : i32
      %sign3A_139 = arith.cmpi slt, %scan3A_134, %sign3A_138 : i32
      %sign3A_140 = arith.extui %sign3A_139 : i1 to i32
      %sign3A_141 = arith.subi %sign3A_137, %sign3A_140 : i32
      %sign3A_142 = arith.constant 0 : i32
      %sign3A_143 = arith.cmpi sgt, %jit3A, %sign3A_142 : i32
      %sign3A_144 = arith.extui %sign3A_143 : i1 to i32
      %sign3A_145 = arith.constant 0 : i32
      %sign3A_146 = arith.cmpi slt, %jit3A, %sign3A_145 : i32
      %sign3A_147 = arith.extui %sign3A_146 : i1 to i32
      %sign3A_148 = arith.subi %sign3A_144, %sign3A_147 : i32
      %ne3A = arith.cmpi ne, %sign3A_141, %sign3A_148 : i32
      %rem3A = arith.remsi %scan3A_134, %jit3A : i32
      %ne3A_149 = arith.constant 0 : i32
      %ne3A_150 = arith.cmpi ne, %rem3A, %ne3A_149 : i32
      %and3A = arith.andi %ne3A, %ne3A_150 : i1
      %sub3A = arith.constant 1 : i32
      %sub3A_151 = arith.subi %div3A, %sub3A : i32
      %select_n3A = arith.select %and3A, %sub3A_151, %div3A : i32
      %jit3A_152 = arith.constant 16 : i32
      %eq3A = arith.constant 0 : i32
      %eq3A_153 = arith.cmpi eq, %jit3A_152, %eq3A : i32
      %jit3A_154 = arith.constant 1 : i32
      %select_n3A_155 = arith.select %eq3A_153, %jit3A_154, %jit3A_152 : i32
      %rem3A_156 = arith.remsi %scan3A_134, %select_n3A_155 : i32
      %ne3A_157 = arith.constant 0 : i32
      %ne3A_158 = arith.cmpi ne, %rem3A_156, %ne3A_157 : i32
      %lt3A = arith.constant 0 : i32
      %lt3A_159 = arith.cmpi slt, %rem3A_156, %lt3A : i32
      %lt3A_160 = arith.constant 0 : i32
      %lt3A_161 = arith.cmpi slt, %select_n3A_155, %lt3A_160 : i32
      %ne3A_162 = arith.xori %lt3A_159, %lt3A_161 : i1
      %and3A_163 = arith.andi %ne3A_162, %ne3A_158 : i1
      %add3A_164 = arith.addi %rem3A_156, %select_n3A_155 : i32
      %select_n3A_165 = arith.select %and3A_163, %add3A_164, %rem3A_156 : i32
      %mul3A_166 = arith.constant 16 : i32
      %mul3A_167 = arith.muli %select_n3A, %mul3A_166 : i32
      %add3A_168 = arith.constant 0 : i32
      %add3A_169 = arith.addi %add3A_168, %mul3A_167 : i32
      %get3A = arith.constant 0 : i32
      %get3A_170 = arith.index_cast %get3A : i32 to index
      %get3A_171 = arith.index_cast %add3A_169 : i32 to index
      %get3A_172 = tpu.vector_load %arg8[%get3A_170, %get3A_171] {strides = array<i32>} : memref<1x128xi32, #tpu.memory_space<vmem>>, vector<16xi32>,
      %eq3A_173 = vector.broadcast %select_n3A_165 : i32 to vector<16xi32>
      %eq3A_174 = arith.cmpi eq, %iota3A, %eq3A_173 : vector<16xi32>
      %jit3A_175 = arith.constant 0 : i32
      %broadcast_in_dim3A = vector.broadcast %jit3A_175 : i32 to vector<16xi32>
      %select_n3A_176 = arith.select %eq3A_174, %get3A_172, %broadcast_in_dim3A : vector<16xi1>, vector<16xi32>
      %reduce_max3A = arith.constant true
      %reduce_max3A_177 = vector.broadcast %reduce_max3A : i1 to vector<16xi1>
      %reduce_max3A_178 = arith.constant -2147483648 : i32
      %reduce_max3A_179 = vector.broadcast %reduce_max3A_178 : i32 to vector<16xi32>
      %reduce_max3A_180 = arith.xori %select_n3A_176, %reduce_max3A_179 : vector<16xi32>
      %reduce_max3A_181 = tpu.scan <max>, %reduce_max3A_180 masked %reduce_max3A_177 : vector<16xi32>, vector<16xi1> -> vector<16xi32>
      %reduce_max3A_182 = arith.xori %reduce_max3A_181, %reduce_max3A_179 : vector<16xi32>
      %reduce_max3A_183 = vector.extract %reduce_max3A_182[15] : i32 from vector<16xi32>
      %mul3A_184 = arith.constant 8 : i32
      %mul3A_185 = arith.muli %scan3A_134, %mul3A_184 : i32
      %jit3A_186 = arith.constant 8 : i32
      %eq3A_187 = arith.constant 0 : i32
      %eq3A_188 = arith.cmpi eq, %jit3A_186, %eq3A_187 : i32
      %jit3A_189 = arith.constant 1 : i32
      %select_n3A_190 = arith.select %eq3A_188, %jit3A_189, %jit3A_186 : i32
      %rem3A_191 = arith.remsi %reduce_max3A_183, %select_n3A_190 : i32
      %ne3A_192 = arith.constant 0 : i32
      %ne3A_193 = arith.cmpi ne, %rem3A_191, %ne3A_192 : i32
      %lt3A_194 = arith.constant 0 : i32
      %lt3A_195 = arith.cmpi slt, %rem3A_191, %lt3A_194 : i32
      %lt3A_196 = arith.constant 0 : i32
      %lt3A_197 = arith.cmpi slt, %select_n3A_190, %lt3A_196 : i32
      %ne3A_198 = arith.xori %lt3A_195, %lt3A_197 : i1
      %and3A_199 = arith.andi %ne3A_198, %ne3A_193 : i1
      %add3A_200 = arith.addi %rem3A_191, %select_n3A_190 : i32
      %select_n3A_201 = arith.select %and3A_199, %add3A_200, %rem3A_191 : i32
      %add3A_202 = arith.addi %mul3A_185, %select_n3A_201 : i32
      %get3A_203 = arith.index_cast %add3A_202 : i32 to index
      %get3A_204 = arith.constant 0 : index
      %get3A_205 = tpu.vector_load %arg11[%get3A_203, %get3A_204] {strides = array<i32>} : memref<512x64xf32, #tpu.memory_space<vmem>>, vector<16xf32>,
      %add3A_206 = arith.constant 0 : i32
      %add3A_207 = arith.addi %add3A_206, %scan3A_134 : i32
      %swap3A = arith.index_cast %add3A_207 : i32 to index
      %swap3A_208 = arith.constant 0 : index
      %swap3A_209 = tpu.vector_load %arg10[%swap3A, %swap3A_208] {strides = array<i32>} : memref<128x64xf32, #tpu.memory_space<vmem>>, vector<16xf32>,
      tpu.vector_store %arg10[%swap3A, %swap3A_208], %get3A_205 {strides = array<i32>} : memref<128x64xf32, #tpu.memory_space<vmem>>, vector<16xf32>,
      %get3A_210 = arith.index_cast %add3A_202 : i32 to index
      %get3A_211 = arith.constant 16 : index
      %get3A_212 = tpu.vector_load %arg11[%get3A_210, %get3A_211] {strides = array<i32>} : memref<512x64xf32, #tpu.memory_space<vmem>>, vector<16xf32>,
      %add3A_213 = arith.constant 0 : i32
      %add3A_214 = arith.addi %add3A_213, %scan3A_134 : i32
      %swap3A_215 = arith.index_cast %add3A_214 : i32 to index
      %swap3A_216 = arith.constant 16 : index
      %swap3A_217 = tpu.vector_load %arg10[%swap3A_215, %swap3A_216] {strides = array<i32>} : memref<128x64xf32, #tpu.memory_space<vmem>>, vector<16xf32>,
      tpu.vector_store %arg10[%swap3A_215, %swap3A_216], %get3A_212 {strides = array<i32>} : memref<128x64xf32, #tpu.memory_space<vmem>>, vector<16xf32>,
      %get3A_218 = arith.index_cast %add3A_202 : i32 to index
      %get3A_219 = arith.constant 32 : index
      %get3A_220 = tpu.vector_load %arg11[%get3A_218, %get3A_219] {strides = array<i32>} : memref<512x64xf32, #tpu.memory_space<vmem>>, vector<16xf32>,
      %add3A_221 = arith.constant 0 : i32
      %add3A_222 = arith.addi %add3A_221, %scan3A_134 : i32
      %swap3A_223 = arith.index_cast %add3A_222 : i32 to index
      %swap3A_224 = arith.constant 32 : index
      %swap3A_225 = tpu.vector_load %arg10[%swap3A_223, %swap3A_224] {strides = array<i32>} : memref<128x64xf32, #tpu.memory_space<vmem>>, vector<16xf32>,
      tpu.vector_store %arg10[%swap3A_223, %swap3A_224], %get3A_220 {strides = array<i32>} : memref<128x64xf32, #tpu.memory_space<vmem>>, vector<16xf32>,
      %get3A_226 = arith.index_cast %add3A_202 : i32 to index
      %get3A_227 = arith.constant 48 : index
      %get3A_228 = tpu.vector_load %arg11[%get3A_226, %get3A_227] {strides = array<i32>} : memref<512x64xf32, #tpu.memory_space<vmem>>, vector<16xf32>,
      %add3A_229 = arith.constant 0 : i32
      %add3A_230 = arith.addi %add3A_229, %scan3A_134 : i32
      %swap3A_231 = arith.index_cast %add3A_230 : i32 to index
      %swap3A_232 = arith.constant 48 : index
      %swap3A_233 = tpu.vector_load %arg10[%swap3A_231, %swap3A_232] {strides = array<i32>} : memref<128x64xf32, #tpu.memory_space<vmem>>, vector<16xf32>,
      tpu.vector_store %arg10[%swap3A_231, %swap3A_232], %get3A_228 {strides = array<i32>} : memref<128x64xf32, #tpu.memory_space<vmem>>, vector<16xf32>,
      %scan3A_234 = arith.constant 0 : i32
      scf.yield %scan3A_234 : i32
    }
    %scan3A_108 = arith.constant 64 : i32
    %scan3A_109 = arith.constant 0 : i32
    %scan3A_110 = arith.constant 0 : i32
    %scan3A_111 = arith.constant 64 : i32
    %scan3A_112 = arith.addi %scan3A_110, %scan3A_111 : i32
    %scan3A_113 = arith.constant 1 : i32
    %scan3A_114 = scf.for %scan3A_134 = %scan3A_110 to %scan3A_112 step %scan3A_113 iter_args(%scan3A_135 = %scan3A_109) -> (i32)  : i32 {
      %jit3A = arith.constant 16 : i32
      %div3A = arith.divsi %scan3A_134, %jit3A : i32
      %sign3A = arith.constant 0 : i32
      %sign3A_136 = arith.cmpi sgt, %scan3A_134, %sign3A : i32
      %sign3A_137 = arith.extui %sign3A_136 : i1 to i32
      %sign3A_138 = arith.constant 0 : i32
      %sign3A_139 = arith.cmpi slt, %scan3A_134, %sign3A_138 : i32
      %sign3A_140 = arith.extui %sign3A_139 : i1 to i32
      %sign3A_141 = arith.subi %sign3A_137, %sign3A_140 : i32
      %sign3A_142 = arith.constant 0 : i32
      %sign3A_143 = arith.cmpi sgt, %jit3A, %sign3A_142 : i32
      %sign3A_144 = arith.extui %sign3A_143 : i1 to i32
      %sign3A_145 = arith.constant 0 : i32
      %sign3A_146 = arith.cmpi slt, %jit3A, %sign3A_145 : i32
      %sign3A_147 = arith.extui %sign3A_146 : i1 to i32
      %sign3A_148 = arith.subi %sign3A_144, %sign3A_147 : i32
      %ne3A = arith.cmpi ne, %sign3A_141, %sign3A_148 : i32
      %rem3A = arith.remsi %scan3A_134, %jit3A : i32
      %ne3A_149 = arith.constant 0 : i32
      %ne3A_150 = arith.cmpi ne, %rem3A, %ne3A_149 : i32
      %and3A = arith.andi %ne3A, %ne3A_150 : i1
      %sub3A = arith.constant 1 : i32
      %sub3A_151 = arith.subi %div3A, %sub3A : i32
      %select_n3A = arith.select %and3A, %sub3A_151, %div3A : i32
      %jit3A_152 = arith.constant 16 : i32
      %eq3A = arith.constant 0 : i32
      %eq3A_153 = arith.cmpi eq, %jit3A_152, %eq3A : i32
      %jit3A_154 = arith.constant 1 : i32
      %select_n3A_155 = arith.select %eq3A_153, %jit3A_154, %jit3A_152 : i32
      %rem3A_156 = arith.remsi %scan3A_134, %select_n3A_155 : i32
      %ne3A_157 = arith.constant 0 : i32
      %ne3A_158 = arith.cmpi ne, %rem3A_156, %ne3A_157 : i32
      %lt3A = arith.constant 0 : i32
      %lt3A_159 = arith.cmpi slt, %rem3A_156, %lt3A : i32
      %lt3A_160 = arith.constant 0 : i32
      %lt3A_161 = arith.cmpi slt, %select_n3A_155, %lt3A_160 : i32
      %ne3A_162 = arith.xori %lt3A_159, %lt3A_161 : i1
      %and3A_163 = arith.andi %ne3A_162, %ne3A_158 : i1
      %add3A_164 = arith.addi %rem3A_156, %select_n3A_155 : i32
      %select_n3A_165 = arith.select %and3A_163, %add3A_164, %rem3A_156 : i32
      %mul3A_166 = arith.constant 16 : i32
      %mul3A_167 = arith.muli %select_n3A, %mul3A_166 : i32
      %add3A_168 = arith.constant 64 : i32
      %add3A_169 = arith.addi %add3A_168, %mul3A_167 : i32
      %get3A = arith.constant 0 : i32
      %get3A_170 = arith.index_cast %get3A : i32 to index
      %get3A_171 = arith.index_cast %add3A_169 : i32 to index
      %get3A_172 = tpu.vector_load %arg8[%get3A_170, %get3A_171] {strides = array<i32>} : memref<1x128xi32, #tpu.memory_space<vmem>>, vector<16xi32>,
      %eq3A_173 = vector.broadcast %select_n3A_165 : i32 to vector<16xi32>
      %eq3A_174 = arith.cmpi eq, %iota3A, %eq3A_173 : vector<16xi32>
      %jit3A_175 = arith.constant 0 : i32
      %broadcast_in_dim3A = vector.broadcast %jit3A_175 : i32 to vector<16xi32>
      %select_n3A_176 = arith.select %eq3A_174, %get3A_172, %broadcast_in_dim3A : vector<16xi1>, vector<16xi32>
      %reduce_max3A = arith.constant true
      %reduce_max3A_177 = vector.broadcast %reduce_max3A : i1 to vector<16xi1>
      %reduce_max3A_178 = arith.constant -2147483648 : i32
      %reduce_max3A_179 = vector.broadcast %reduce_max3A_178 : i32 to vector<16xi32>
      %reduce_max3A_180 = arith.xori %select_n3A_176, %reduce_max3A_179 : vector<16xi32>
      %reduce_max3A_181 = tpu.scan <max>, %reduce_max3A_180 masked %reduce_max3A_177 : vector<16xi32>, vector<16xi1> -> vector<16xi32>
      %reduce_max3A_182 = arith.xori %reduce_max3A_181, %reduce_max3A_179 : vector<16xi32>
      %reduce_max3A_183 = vector.extract %reduce_max3A_182[15] : i32 from vector<16xi32>
      %jit3A_184 = arith.constant 8 : i32
      %eq3A_185 = arith.constant 0 : i32
      %eq3A_186 = arith.cmpi eq, %jit3A_184, %eq3A_185 : i32
      %jit3A_187 = arith.constant 1 : i32
      %select_n3A_188 = arith.select %eq3A_186, %jit3A_187, %jit3A_184 : i32
      %rem3A_189 = arith.remsi %reduce_max3A_183, %select_n3A_188 : i32
      %ne3A_190 = arith.constant 0 : i32
      %ne3A_191 = arith.cmpi ne, %rem3A_189, %ne3A_190 : i32
      %lt3A_192 = arith.constant 0 : i32
      %lt3A_193 = arith.cmpi slt, %rem3A_189, %lt3A_192 : i32
      %lt3A_194 = arith.constant 0 : i32
      %lt3A_195 = arith.cmpi slt, %select_n3A_188, %lt3A_194 : i32
      %ne3A_196 = arith.xori %lt3A_193, %lt3A_195 : i1
      %and3A_197 = arith.andi %ne3A_196, %ne3A_191 : i1
      %add3A_198 = arith.addi %rem3A_189, %select_n3A_188 : i32
      %select_n3A_199 = arith.select %and3A_197, %add3A_198, %rem3A_189 : i32
      %sub3A_200 = arith.subi %reduce_max3A_183, %select_n3A_199 : i32
      %multiple_of3A = tpu.assume_multiple %sub3A_200, 8 : i32
      %mul3A_201 = arith.constant 8 : i32
      %mul3A_202 = arith.muli %scan3A_134, %mul3A_201 : i32
      %multiple_of3A_203 = tpu.assume_multiple %mul3A_202, 8 : i32
      %dma_start3A = arith.constant 0 : i32
      %dma_start3A_204 = tpu.memref_slice %arg11[%multiple_of3A_203, %dma_start3A] : memref<512x64xf32, #tpu.memory_space<vmem>> -> memref<8x64xf32, #tpu.memory_space<vmem>>
      %dma_start3A_205 = arith.constant 0 : i32
      %dma_start3A_206 = tpu.memref_slice %arg2[%multiple_of3A, %dma_start3A_205] : memref<1000000x64xf32, #tpu.memory_space<hbm>> -> memref<8x64xf32, #tpu.memory_space<hbm>>
      %dma_start3A_207 = arith.constant 0 : i32
      %dma_start3A_208 = tpu.memref_slice %arg11[%multiple_of3A_203, %dma_start3A_207] : memref<512x64xf32, #tpu.memory_space<vmem>> -> memref<8x64xf32, #tpu.memory_space<vmem>>
      %dma_start3A_209 = arith.constant 0 : i32
      %dma_start3A_210 = tpu.memref_slice %arg2[%multiple_of3A, %dma_start3A_209] : memref<1000000x64xf32, #tpu.memory_space<hbm>> -> memref<8x64xf32, #tpu.memory_space<hbm>>
      tpu.enqueue_dma source(%dma_start3A_210 : memref<8x64xf32, #tpu.memory_space<hbm>>) target(%dma_start3A_208 : memref<8x64xf32, #tpu.memory_space<vmem>>) target_semaphore(%arg12 : memref<!tpu.dma_semaphore, #tpu.memory_space<semaphore_mem>>)
      %scan3A_211 = arith.constant 0 : i32
      scf.yield %scan3A_211 : i32
    }
    %scan3A_115 = arith.constant 64 : i32
    %scan3A_116 = arith.constant 0 : i32
    %scan3A_117 = arith.constant 0 : i32
    %scan3A_118 = arith.constant 64 : i32
    %scan3A_119 = arith.addi %scan3A_117, %scan3A_118 : i32
    %scan3A_120 = arith.constant 1 : i32
    %scan3A_121 = scf.for %scan3A_134 = %scan3A_117 to %scan3A_119 step %scan3A_120 iter_args(%scan3A_135 = %scan3A_116) -> (i32)  : i32 {
      %dma_wait3A = arith.constant 0 : i32
      %dma_wait3A_136 = arith.constant 0 : i32
      %dma_wait3A_137 = tpu.memref_slice %arg11[%dma_wait3A, %dma_wait3A_136] : memref<512x64xf32, #tpu.memory_space<vmem>> -> memref<8x64xf32, #tpu.memory_space<vmem>>
      %dma_wait3A_138 = arith.constant 0 : i32
      %dma_wait3A_139 = arith.constant 0 : i32
      %dma_wait3A_140 = tpu.memref_slice %arg2[%dma_wait3A_138, %dma_wait3A_139] : memref<1000000x64xf32, #tpu.memory_space<hbm>> -> memref<8x64xf32, #tpu.memory_space<hbm>>
      %dma_wait3A_141 = arith.constant 0 : i32
      %dma_wait3A_142 = arith.constant 0 : i32
      %dma_wait3A_143 = tpu.memref_slice %arg11[%dma_wait3A_141, %dma_wait3A_142] : memref<512x64xf32, #tpu.memory_space<vmem>> -> memref<8x64xf32, #tpu.memory_space<vmem>>
      %dma_wait3A_144 = arith.constant 0 : i32
      %dma_wait3A_145 = arith.constant 0 : i32
      %dma_wait3A_146 = tpu.memref_slice %arg2[%dma_wait3A_144, %dma_wait3A_145] : memref<1000000x64xf32, #tpu.memory_space<hbm>> -> memref<8x64xf32, #tpu.memory_space<hbm>>
      tpu.wait_dma2 semaphore(%arg12 : memref<!tpu.dma_semaphore, #tpu.memory_space<semaphore_mem>>) src(%dma_wait3A_146 : memref<8x64xf32, #tpu.memory_space<hbm>>) dst(%dma_wait3A_143 : memref<8x64xf32, #tpu.memory_space<vmem>>)
      %scan3A_147 = arith.constant 0 : i32
      scf.yield %scan3A_147 : i32
    }
    %scan3A_122 = arith.constant 64 : i32
    %scan3A_123 = arith.constant 0 : i32
    %scan3A_124 = arith.constant 0 : i32
    %scan3A_125 = arith.constant 64 : i32
    %scan3A_126 = arith.addi %scan3A_124, %scan3A_125 : i32
    %scan3A_127 = arith.constant 1 : i32
    %scan3A_128 = scf.for %scan3A_134 = %scan3A_124 to %scan3A_126 step %scan3A_127 iter_args(%scan3A_135 = %scan3A_123) -> (i32)  : i32 {
      %jit3A = arith.constant 16 : i32
      %div3A = arith.divsi %scan3A_134, %jit3A : i32
      %sign3A = arith.constant 0 : i32
      %sign3A_136 = arith.cmpi sgt, %scan3A_134, %sign3A : i32
      %sign3A_137 = arith.extui %sign3A_136 : i1 to i32
      %sign3A_138 = arith.constant 0 : i32
      %sign3A_139 = arith.cmpi slt, %scan3A_134, %sign3A_138 : i32
      %sign3A_140 = arith.extui %sign3A_139 : i1 to i32
      %sign3A_141 = arith.subi %sign3A_137, %sign3A_140 : i32
      %sign3A_142 = arith.constant 0 : i32
      %sign3A_143 = arith.cmpi sgt, %jit3A, %sign3A_142 : i32
      %sign3A_144 = arith.extui %sign3A_143 : i1 to i32
      %sign3A_145 = arith.constant 0 : i32
      %sign3A_146 = arith.cmpi slt, %jit3A, %sign3A_145 : i32
      %sign3A_147 = arith.extui %sign3A_146 : i1 to i32
      %sign3A_148 = arith.subi %sign3A_144, %sign3A_147 : i32
      %ne3A = arith.cmpi ne, %sign3A_141, %sign3A_148 : i32
      %rem3A = arith.remsi %scan3A_134, %jit3A : i32
      %ne3A_149 = arith.constant 0 : i32
      %ne3A_150 = arith.cmpi ne, %rem3A, %ne3A_149 : i32
      %and3A = arith.andi %ne3A, %ne3A_150 : i1
      %sub3A = arith.constant 1 : i32
      %sub3A_151 = arith.subi %div3A, %sub3A : i32
      %select_n3A = arith.select %and3A, %sub3A_151, %div3A : i32
      %jit3A_152 = arith.constant 16 : i32
      %eq3A = arith.constant 0 : i32
      %eq3A_153 = arith.cmpi eq, %jit3A_152, %eq3A : i32
      %jit3A_154 = arith.constant 1 : i32
      %select_n3A_155 = arith.select %eq3A_153, %jit3A_154, %jit3A_152 : i32
      %rem3A_156 = arith.remsi %scan3A_134, %select_n3A_155 : i32
      %ne3A_157 = arith.constant 0 : i32
      %ne3A_158 = arith.cmpi ne, %rem3A_156, %ne3A_157 : i32
      %lt3A = arith.constant 0 : i32
      %lt3A_159 = arith.cmpi slt, %rem3A_156, %lt3A : i32
      %lt3A_160 = arith.constant 0 : i32
      %lt3A_161 = arith.cmpi slt, %select_n3A_155, %lt3A_160 : i32
      %ne3A_162 = arith.xori %lt3A_159, %lt3A_161 : i1
      %and3A_163 = arith.andi %ne3A_162, %ne3A_158 : i1
      %add3A_164 = arith.addi %rem3A_156, %select_n3A_155 : i32
      %select_n3A_165 = arith.select %and3A_163, %add3A_164, %rem3A_156 : i32
      %mul3A_166 = arith.constant 16 : i32
      %mul3A_167 = arith.muli %select_n3A, %mul3A_166 : i32
      %add3A_168 = arith.constant 64 : i32
      %add3A_169 = arith.addi %add3A_168, %mul3A_167 : i32
      %get3A = arith.constant 0 : i32
      %get3A_170 = arith.index_cast %get3A : i32 to index
      %get3A_171 = arith.index_cast %add3A_169 : i32 to index
      %get3A_172 = tpu.vector_load %arg8[%get3A_170, %get3A_171] {strides = array<i32>} : memref<1x128xi32, #tpu.memory_space<vmem>>, vector<16xi32>,
      %eq3A_173 = vector.broadcast %select_n3A_165 : i32 to vector<16xi32>
      %eq3A_174 = arith.cmpi eq, %iota3A, %eq3A_173 : vector<16xi32>
      %jit3A_175 = arith.constant 0 : i32
      %broadcast_in_dim3A = vector.broadcast %jit3A_175 : i32 to vector<16xi32>
      %select_n3A_176 = arith.select %eq3A_174, %get3A_172, %broadcast_in_dim3A : vector<16xi1>, vector<16xi32>
      %reduce_max3A = arith.constant true
      %reduce_max3A_177 = vector.broadcast %reduce_max3A : i1 to vector<16xi1>
      %reduce_max3A_178 = arith.constant -2147483648 : i32
      %reduce_max3A_179 = vector.broadcast %reduce_max3A_178 : i32 to vector<16xi32>
      %reduce_max3A_180 = arith.xori %select_n3A_176, %reduce_max3A_179 : vector<16xi32>
      %reduce_max3A_181 = tpu.scan <max>, %reduce_max3A_180 masked %reduce_max3A_177 : vector<16xi32>, vector<16xi1> -> vector<16xi32>
      %reduce_max3A_182 = arith.xori %reduce_max3A_181, %reduce_max3A_179 : vector<16xi32>
      %reduce_max3A_183 = vector.extract %reduce_max3A_182[15] : i32 from vector<16xi32>
      %mul3A_184 = arith.constant 8 : i32
      %mul3A_185 = arith.muli %scan3A_134, %mul3A_184 : i32
      %jit3A_186 = arith.constant 8 : i32
      %eq3A_187 = arith.constant 0 : i32
      %eq3A_188 = arith.cmpi eq, %jit3A_186, %eq3A_187 : i32
      %jit3A_189 = arith.constant 1 : i32
      %select_n3A_190 = arith.select %eq3A_188, %jit3A_189, %jit3A_186 : i32
      %rem3A_191 = arith.remsi %reduce_max3A_183, %select_n3A_190 : i32
      %ne3A_192 = arith.constant 0 : i32
      %ne3A_193 = arith.cmpi ne, %rem3A_191, %ne3A_192 : i32
      %lt3A_194 = arith.constant 0 : i32
      %lt3A_195 = arith.cmpi slt, %rem3A_191, %lt3A_194 : i32
      %lt3A_196 = arith.constant 0 : i32
      %lt3A_197 = arith.cmpi slt, %select_n3A_190, %lt3A_196 : i32
      %ne3A_198 = arith.xori %lt3A_195, %lt3A_197 : i1
      %and3A_199 = arith.andi %ne3A_198, %ne3A_193 : i1
      %add3A_200 = arith.addi %rem3A_191, %select_n3A_190 : i32
      %select_n3A_201 = arith.select %and3A_199, %add3A_200, %rem3A_191 : i32
      %add3A_202 = arith.addi %mul3A_185, %select_n3A_201 : i32
      %get3A_203 = arith.index_cast %add3A_202 : i32 to index
      %get3A_204 = arith.constant 0 : index
      %get3A_205 = tpu.vector_load %arg11[%get3A_203, %get3A_204] {strides = array<i32>} : memref<512x64xf32, #tpu.memory_space<vmem>>, vector<16xf32>,
      %add3A_206 = arith.constant 64 : i32
      %add3A_207 = arith.addi %add3A_206, %scan3A_134 : i32
      %swap3A = arith.index_cast %add3A_207 : i32 to index
      %swap3A_208 = arith.constant 0 : index
      %swap3A_209 = tpu.vector_load %arg10[%swap3A, %swap3A_208] {strides = array<i32>} : memref<128x64xf32, #tpu.memory_space<vmem>>, vector<16xf32>,
      tpu.vector_store %arg10[%swap3A, %swap3A_208], %get3A_205 {strides = array<i32>} : memref<128x64xf32, #tpu.memory_space<vmem>>, vector<16xf32>,
      %get3A_210 = arith.index_cast %add3A_202 : i32 to index
      %get3A_211 = arith.constant 16 : index
      %get3A_212 = tpu.vector_load %arg11[%get3A_210, %get3A_211] {strides = array<i32>} : memref<512x64xf32, #tpu.memory_space<vmem>>, vector<16xf32>,
      %add3A_213 = arith.constant 64 : i32
      %add3A_214 = arith.addi %add3A_213, %scan3A_134 : i32
      %swap3A_215 = arith.index_cast %add3A_214 : i32 to index
      %swap3A_216 = arith.constant 16 : index
      %swap3A_217 = tpu.vector_load %arg10[%swap3A_215, %swap3A_216] {strides = array<i32>} : memref<128x64xf32, #tpu.memory_space<vmem>>, vector<16xf32>,
      tpu.vector_store %arg10[%swap3A_215, %swap3A_216], %get3A_212 {strides = array<i32>} : memref<128x64xf32, #tpu.memory_space<vmem>>, vector<16xf32>,
      %get3A_218 = arith.index_cast %add3A_202 : i32 to index
      %get3A_219 = arith.constant 32 : index
      %get3A_220 = tpu.vector_load %arg11[%get3A_218, %get3A_219] {strides = array<i32>} : memref<512x64xf32, #tpu.memory_space<vmem>>, vector<16xf32>,
      %add3A_221 = arith.constant 64 : i32
      %add3A_222 = arith.addi %add3A_221, %scan3A_134 : i32
      %swap3A_223 = arith.index_cast %add3A_222 : i32 to index
      %swap3A_224 = arith.constant 32 : index
      %swap3A_225 = tpu.vector_load %arg10[%swap3A_223, %swap3A_224] {strides = array<i32>} : memref<128x64xf32, #tpu.memory_space<vmem>>, vector<16xf32>,
      tpu.vector_store %arg10[%swap3A_223, %swap3A_224], %get3A_220 {strides = array<i32>} : memref<128x64xf32, #tpu.memory_space<vmem>>, vector<16xf32>,
      %get3A_226 = arith.index_cast %add3A_202 : i32 to index
      %get3A_227 = arith.constant 48 : index
      %get3A_228 = tpu.vector_load %arg11[%get3A_226, %get3A_227] {strides = array<i32>} : memref<512x64xf32, #tpu.memory_space<vmem>>, vector<16xf32>,
      %add3A_229 = arith.constant 64 : i32
      %add3A_230 = arith.addi %add3A_229, %scan3A_134 : i32
      %swap3A_231 = arith.index_cast %add3A_230 : i32 to index
      %swap3A_232 = arith.constant 48 : index
      %swap3A_233 = tpu.vector_load %arg10[%swap3A_231, %swap3A_232] {strides = array<i32>} : memref<128x64xf32, #tpu.memory_space<vmem>>, vector<16xf32>,
      tpu.vector_store %arg10[%swap3A_231, %swap3A_232], %get3A_228 {strides = array<i32>} : memref<128x64xf32, #tpu.memory_space<vmem>>, vector<16xf32>,
      %scan3A_234 = arith.constant 0 : i32
      scf.yield %scan3A_234 : i32
    }
    %scan3A_129 = arith.constant 64 : i32
    %mul3A_130 = arith.constant 256 : i32
    %mul3A_131 = arith.muli %add3A, %mul3A_130 : i32
    "tpu.region"() ({
      %run_scoped3A = tpu.sem_alloc : memref<!tpu.dma_semaphore, #tpu.memory_space<semaphore_mem>>
      %dma_start3A = arith.constant 0 : i32
      %dma_start3A_134 = tpu.memref_slice %arg5[%mul3A_131, %dma_start3A] : memref<8192x64xf32, #tpu.memory_space<hbm>> -> memref<256x64xf32, #tpu.memory_space<hbm>>
      %dma_start3A_135 = arith.constant 0 : i32
      %dma_start3A_136 = tpu.memref_slice %arg5[%mul3A_131, %dma_start3A_135] : memref<8192x64xf32, #tpu.memory_space<hbm>> -> memref<256x64xf32, #tpu.memory_space<hbm>>
      tpu.enqueue_dma source(%arg9 : memref<256x64xf32, #tpu.memory_space<vmem>>) target(%dma_start3A_136 : memref<256x64xf32, #tpu.memory_space<hbm>>) target_semaphore(%run_scoped3A : memref<!tpu.dma_semaphore, #tpu.memory_space<semaphore_mem>>)
      %dma_wait3A = arith.constant 0 : i32
      %dma_wait3A_137 = tpu.memref_slice %arg5[%mul3A_131, %dma_wait3A] : memref<8192x64xf32, #tpu.memory_space<hbm>> -> memref<256x64xf32, #tpu.memory_space<hbm>>
      %dma_wait3A_138 = arith.constant 0 : i32
      %dma_wait3A_139 = tpu.memref_slice %arg5[%mul3A_131, %dma_wait3A_138] : memref<8192x64xf32, #tpu.memory_space<hbm>> -> memref<256x64xf32, #tpu.memory_space<hbm>>
      tpu.wait_dma2 semaphore(%run_scoped3A : memref<!tpu.dma_semaphore, #tpu.memory_space<semaphore_mem>>) src(%arg9 : memref<256x64xf32, #tpu.memory_space<vmem>>) dst(%dma_wait3A_139 : memref<256x64xf32, #tpu.memory_space<hbm>>)
      tpu.yield
    }) : () -> ()
    %mul3A_132 = arith.constant 128 : i32
    %mul3A_133 = arith.muli %add3A, %mul3A_132 : i32
    "tpu.region"() ({
      %run_scoped3A = tpu.sem_alloc : memref<!tpu.dma_semaphore, #tpu.memory_space<semaphore_mem>>
      %dma_start3A = arith.constant 0 : i32
      %dma_start3A_134 = tpu.memref_slice %arg6[%mul3A_133, %dma_start3A] : memref<4096x64xf32, #tpu.memory_space<hbm>> -> memref<128x64xf32, #tpu.memory_space<hbm>>
      %dma_start3A_135 = arith.constant 0 : i32
      %dma_start3A_136 = tpu.memref_slice %arg6[%mul3A_133, %dma_start3A_135] : memref<4096x64xf32, #tpu.memory_space<hbm>> -> memref<128x64xf32, #tpu.memory_space<hbm>>
      tpu.enqueue_dma source(%arg10 : memref<128x64xf32, #tpu.memory_space<vmem>>) target(%dma_start3A_136 : memref<128x64xf32, #tpu.memory_space<hbm>>) target_semaphore(%run_scoped3A : memref<!tpu.dma_semaphore, #tpu.memory_space<semaphore_mem>>)
      %dma_wait3A = arith.constant 0 : i32
      %dma_wait3A_137 = tpu.memref_slice %arg6[%mul3A_133, %dma_wait3A] : memref<4096x64xf32, #tpu.memory_space<hbm>> -> memref<128x64xf32, #tpu.memory_space<hbm>>
      %dma_wait3A_138 = arith.constant 0 : i32
      %dma_wait3A_139 = tpu.memref_slice %arg6[%mul3A_133, %dma_wait3A_138] : memref<4096x64xf32, #tpu.memory_space<hbm>> -> memref<128x64xf32, #tpu.memory_space<hbm>>
      tpu.wait_dma2 semaphore(%run_scoped3A : memref<!tpu.dma_semaphore, #tpu.memory_space<semaphore_mem>>) src(%arg10 : memref<128x64xf32, #tpu.memory_space<vmem>>) dst(%dma_wait3A_139 : memref<128x64xf32, #tpu.memory_space<hbm>>)
      tpu.yield
    }) : () -> ()
    return
  }
}

module attributes {stable_mosaic.version = 14 : i64} {
  func.func @_loss_body(%arg0: i32, %arg1: memref<512x64xf32, #tpu.memory_space<vmem>>, %arg2: memref<512x64xf32, #tpu.memory_space<vmem>>, %arg3: memref<512x1xf32, #tpu.memory_space<vmem>>, %arg4: memref<512x1xi32, #tpu.memory_space<vmem>>, %arg5: memref<8192x64xf32, #tpu.memory_space<vmem>>, %arg6: memref<1x8192xf32, #tpu.memory_space<vmem>>, %arg7: memref<1x8192xi32, #tpu.memory_space<vmem>>, %arg8: memref<1x1xf32, #tpu.memory_space<smem>>) attributes {dimension_semantics = [#tpu.dimension_semantics<arbitrary>], iteration_bounds = array<i64: 8>, scalar_prefetch = 0 : i64, scratch_operands = 0 : i64, tpu.core_type = #tpu.core_type<tc>, window_params = [{transform_indices = @transform_0, window_bounds = array<i64: 512, 64>}, {transform_indices = @transform_1, window_bounds = array<i64: 512, 64>}, {transform_indices = @transform_2, window_bounds = array<i64: 512, 1>}, {transform_indices = @transform_3, window_bounds = array<i64: 512, 1>}, {pipeline_mode = #tpu.pipeline_mode<synchronous>, transform_indices = @transform_4, window_bounds = array<i64: 8192, 64>}, {pipeline_mode = #tpu.pipeline_mode<synchronous>, transform_indices = @transform_5, window_bounds = array<i64: 1, 8192>}, {pipeline_mode = #tpu.pipeline_mode<synchronous>, transform_indices = @transform_6, window_bounds = array<i64: 1, 8192>}, {transform_indices = @transform_7, window_bounds = array<i64: 1, 1>}]} {
    %get3A = arith.constant 0 : index
    %get3A_0 = arith.constant 0 : index
    %get3A_1 = vector.load %arg1[%get3A, %get3A_0] : memref<512x64xf32, #tpu.memory_space<vmem>>, vector<512x64xf32>
    %get3A_2 = arith.constant 0 : index
    %get3A_3 = arith.constant 0 : index
    %get3A_4 = vector.load %arg2[%get3A_2, %get3A_3] : memref<512x64xf32, #tpu.memory_space<vmem>>, vector<512x64xf32>
    %get3A_5 = arith.constant 0 : index
    %get3A_6 = arith.constant 0 : index
    %get3A_7 = vector.load %arg3[%get3A_5, %get3A_6] : memref<512x1xf32, #tpu.memory_space<vmem>>, vector<512x1xf32>
    %get3A_8 = arith.constant 0 : index
    %get3A_9 = arith.constant 0 : index
    %get3A_10 = vector.load %arg4[%get3A_8, %get3A_9] : memref<512x1xi32, #tpu.memory_space<vmem>>, vector<512x1xi32>
    %get3A_11 = arith.constant 0 : index
    %get3A_12 = arith.constant 0 : index
    %get3A_13 = vector.load %arg5[%get3A_11, %get3A_12] : memref<8192x64xf32, #tpu.memory_space<vmem>>, vector<8192x64xf32>
    %get3A_14 = arith.constant 0 : index
    %get3A_15 = arith.constant 0 : index
    %get3A_16 = vector.load %arg6[%get3A_14, %get3A_15] : memref<1x8192xf32, #tpu.memory_space<vmem>>, vector<1x8192xf32>
    %get3A_17 = arith.constant 0 : index
    %get3A_18 = arith.constant 0 : index
    %get3A_19 = vector.load %arg7[%get3A_17, %get3A_18] : memref<1x8192xi32, #tpu.memory_space<vmem>>, vector<1x8192xi32>
    %convert_element_type3A = arith.sitofp %get3A_10 : vector<512x1xi32> to vector<512x1xf32>
    %add3A = arith.constant 2.000000e+00 : f32
    %add3A_20 = vector.broadcast %add3A : f32 to vector<512x1xf32>
    %add3A_21 = arith.addf %convert_element_type3A, %add3A_20 : vector<512x1xf32>
    %log3A = math.log %add3A_21 : vector<512x1xf32>
    %add3A_22 = arith.constant 1.000000e+00 : f32
    %add3A_23 = vector.broadcast %add3A_22 : f32 to vector<512x1xf32>
    %add3A_24 = arith.addf %convert_element_type3A, %add3A_23 : vector<512x1xf32>
    %log3A_25 = math.log %add3A_24 : vector<512x1xf32>
    %sub3A = arith.subf %log3A, %log3A_25 : vector<512x1xf32>
    %log3A_26 = math.log %sub3A : vector<512x1xf32>
    %add3A_27 = arith.constant 6.38512134 : f32
    %add3A_28 = vector.broadcast %add3A_27 : f32 to vector<512x1xf32>
    %add3A_29 = arith.addf %log3A_26, %add3A_28 : vector<512x1xf32>
    %mul3A = arith.mulf %get3A_1, %get3A_4 : vector<512x64xf32>
    %reduce_sum3A = arith.constant dense<0.000000e+00> : vector<512xf32>
    %reduce_sum3A_30 = vector.multi_reduction <add>, %mul3A, %reduce_sum3A [1] : vector<512x64xf32> to vector<512xf32>
    %broadcast_in_dim3A = vector.shape_cast %reduce_sum3A_30 : vector<512xf32> to vector<512x1xf32>
    %add3A_31 = arith.addf %broadcast_in_dim3A, %get3A_7 : vector<512x1xf32>
    %sub3A_32 = arith.subf %add3A_31, %add3A_29 : vector<512x1xf32>
    %convert_element_type3A_33 = arith.sitofp %get3A_19 : vector<1x8192xi32> to vector<1x8192xf32>
    %add3A_34 = arith.constant 2.000000e+00 : f32
    %add3A_35 = vector.broadcast %add3A_34 : f32 to vector<1x8192xf32>
    %add3A_36 = arith.addf %convert_element_type3A_33, %add3A_35 : vector<1x8192xf32>
    %log3A_37 = math.log %add3A_36 : vector<1x8192xf32>
    %add3A_38 = arith.constant 1.000000e+00 : f32
    %add3A_39 = vector.broadcast %add3A_38 : f32 to vector<1x8192xf32>
    %add3A_40 = arith.addf %convert_element_type3A_33, %add3A_39 : vector<1x8192xf32>
    %log3A_41 = math.log %add3A_40 : vector<1x8192xf32>
    %sub3A_42 = arith.subf %log3A_37, %log3A_41 : vector<1x8192xf32>
    %log3A_43 = math.log %sub3A_42 : vector<1x8192xf32>
    %add3A_44 = arith.constant 6.38512134 : f32
    %add3A_45 = vector.broadcast %add3A_44 : f32 to vector<1x8192xf32>
    %add3A_46 = arith.addf %log3A_43, %add3A_45 : vector<1x8192xf32>
    %dot_general3A = arith.constant dense<0.000000e+00> : vector<512x8192xf32>
    %dot_general3A_47 = tpu.matmul %get3A_1, %get3A_13, %dot_general3A {dimension_numbers = #tpu.dot_dimension_numbers<[1], [1], [0], [0], [0, 0, 1, 0], [], []>, transpose_lhs_hint = false} : vector<512x64xf32>, vector<8192x64xf32>, vector<512x8192xf32> -> vector<512x8192xf32>
    %sub3A_48 = arith.subf %get3A_16, %add3A_46 : vector<1x8192xf32>
    %add3A_49 = vector.broadcast %sub3A_48 : vector<1x8192xf32> to vector<512x8192xf32>
    %add3A_50 = arith.addf %dot_general3A_47, %add3A_49 : vector<512x8192xf32>
    %eq3A = vector.broadcast %get3A_10 : vector<512x1xi32> to vector<512x8192xi32>
    %eq3A_51 = vector.broadcast %get3A_19 : vector<1x8192xi32> to vector<512x8192xi32>
    %eq3A_52 = arith.cmpi eq, %eq3A, %eq3A_51 : vector<512x8192xi32>
    %sub3A_53 = arith.constant 1.000000e+09 : f32
    %sub3A_54 = vector.broadcast %sub3A_53 : f32 to vector<512x8192xf32>
    %sub3A_55 = arith.subf %add3A_50, %sub3A_54 : vector<512x8192xf32>
    %select_n3A = arith.select %eq3A_52, %sub3A_55, %add3A_50 : vector<512x8192xi1>, vector<512x8192xf32>
    %reduce_max3A = arith.constant dense<0xFF800000> : vector<512xf32>
    %reduce_max3A_56 = vector.multi_reduction <maximumf>, %select_n3A, %reduce_max3A [1] : vector<512x8192xf32> to vector<512xf32>
    %broadcast_in_dim3A_57 = vector.shape_cast %reduce_max3A_56 : vector<512xf32> to vector<512x1xf32>
    %max3A = arith.maximumf %broadcast_in_dim3A_57, %sub3A_32 : vector<512x1xf32>
    %sub3A_58 = vector.broadcast %max3A : vector<512x1xf32> to vector<512x8192xf32>
    %sub3A_59 = arith.subf %select_n3A, %sub3A_58 : vector<512x8192xf32>
    %exp3A = math.exp %sub3A_59 : vector<512x8192xf32>
    %reduce_sum3A_60 = arith.constant dense<0.000000e+00> : vector<512xf32>
    %reduce_sum3A_61 = vector.multi_reduction <add>, %exp3A, %reduce_sum3A_60 [1] : vector<512x8192xf32> to vector<512xf32>
    %broadcast_in_dim3A_62 = vector.shape_cast %reduce_sum3A_61 : vector<512xf32> to vector<512x1xf32>
    %sub3A_63 = arith.subf %sub3A_32, %max3A : vector<512x1xf32>
    %exp3A_64 = math.exp %sub3A_63 : vector<512x1xf32>
    %add3A_65 = arith.addf %broadcast_in_dim3A_62, %exp3A_64 : vector<512x1xf32>
    %log3A_66 = math.log %add3A_65 : vector<512x1xf32>
    %add3A_67 = arith.addf %log3A_66, %max3A : vector<512x1xf32>
    %sub3A_68 = arith.subf %add3A_67, %sub3A_32 : vector<512x1xf32>
    %reduce_sum3A_69 = vector.shape_cast %sub3A_68 : vector<512x1xf32> to vector<1x512x1xf32>
    %reduce_sum3A_70 = arith.constant dense<0.000000e+00> : vector<1xf32>
    %reduce_sum3A_71 = vector.multi_reduction <add>, %reduce_sum3A_69, %reduce_sum3A_70 [1, 2] : vector<1x512x1xf32> to vector<1xf32>
    %reduce_sum3A_72 = vector.shape_cast %reduce_sum3A_71 : vector<1xf32> to vector<1x1x1xf32>
    %reduce_sum3A_73 = vector.extract %reduce_sum3A_72[0, 0, 0] : f32 from vector<1x1x1xf32>
    %mul3A_74 = arith.constant 2.44140625E-4 : f32
    %mul3A_75 = arith.mulf %reduce_sum3A_73, %mul3A_74 : f32
    %eq3A_76 = arith.constant 0 : i32
    %eq3A_77 = arith.cmpi eq, %arg0, %eq3A_76 : i32
    %convert_element_type3A_78 = arith.extui %eq3A_77 : i1 to i32
    %cond3A = arith.constant 0 : i32
    %cond3A_79 = arith.cmpi ne, %convert_element_type3A_78, %cond3A : i32
    scf.if %cond3A_79 {
      %swap3A_86 = arith.constant 0.000000e+00 : f32
      %swap3A_87 = arith.constant 0 : index
      %swap3A_88 = arith.constant 0 : index
      %swap3A_89 = memref.load %arg8[%swap3A_87, %swap3A_88] : memref<1x1xf32, #tpu.memory_space<smem>>
      memref.store %swap3A_86, %arg8[%swap3A_87, %swap3A_88] : memref<1x1xf32, #tpu.memory_space<smem>>
    } else {
    }
    %get3A_80 = arith.constant 0 : index
    %get3A_81 = arith.constant 0 : index
    %get3A_82 = memref.load %arg8[%get3A_80, %get3A_81] : memref<1x1xf32, #tpu.memory_space<smem>>
    %add3A_83 = arith.addf %get3A_82, %mul3A_75 : f32
    %swap3A = arith.constant 0 : index
    %swap3A_84 = arith.constant 0 : index
    %swap3A_85 = memref.load %arg8[%swap3A, %swap3A_84] : memref<1x1xf32, #tpu.memory_space<smem>>
    memref.store %add3A_83, %arg8[%swap3A, %swap3A_84] : memref<1x1xf32, #tpu.memory_space<smem>>
    return
  }
  func.func @transform_0(%arg0: i32) -> (i32, i32) {
    %c0_i32 = arith.constant 0 : i32
    %c0_i32_0 = arith.constant 0 : i32
    return %arg0, %c0_i32 : i32, i32
  }
  func.func @transform_1(%arg0: i32) -> (i32, i32) {
    %c0_i32 = arith.constant 0 : i32
    %c0_i32_0 = arith.constant 0 : i32
    return %arg0, %c0_i32 : i32, i32
  }
  func.func @transform_2(%arg0: i32) -> (i32, i32) {
    %c0_i32 = arith.constant 0 : i32
    %c0_i32_0 = arith.constant 0 : i32
    return %arg0, %c0_i32 : i32, i32
  }
  func.func @transform_3(%arg0: i32) -> (i32, i32) {
    %c0_i32 = arith.constant 0 : i32
    %c0_i32_0 = arith.constant 0 : i32
    return %arg0, %c0_i32 : i32, i32
  }
  func.func @transform_4(%arg0: i32) -> (i32, i32) {
    %c0_i32 = arith.constant 0 : i32
    %c0_i32_0 = arith.constant 0 : i32
    %c0_i32_1 = arith.constant 0 : i32
    return %c0_i32, %c0_i32_0 : i32, i32
  }
  func.func @transform_5(%arg0: i32) -> (i32, i32) {
    %c0_i32 = arith.constant 0 : i32
    %c0_i32_0 = arith.constant 0 : i32
    %c0_i32_1 = arith.constant 0 : i32
    return %c0_i32, %c0_i32_0 : i32, i32
  }
  func.func @transform_6(%arg0: i32) -> (i32, i32) {
    %c0_i32 = arith.constant 0 : i32
    %c0_i32_0 = arith.constant 0 : i32
    %c0_i32_1 = arith.constant 0 : i32
    return %c0_i32, %c0_i32_0 : i32, i32
  }
  func.func @transform_7(%arg0: i32) -> (i32, i32) {
    %c0_i32 = arith.constant 0 : i32
    %c0_i32_0 = arith.constant 0 : i32
    %c0_i32_1 = arith.constant 0 : i32
    return %c0_i32, %c0_i32_0 : i32, i32
  }
}

</mosaic_0001>

<sc_bundles>
// kernel: kernel.6.cloned.1.call-start
scs
__scs_entry_jumppad:
0x0: {  	(pc) =	sbr.rel $0x88, $3  }
0x1: {  	(tag) =	ssettag $0x0;
	lr =	simm.s32 $0x1  }
0x2: {  	[smem:$0x3F9C] =	sst lr;
	_ =	strace $0xD0000000  }
0x3: {  	_ = 	snop  }
0x4: {  	_ = 	snop  }
0x5: {  	_ = 	snop  }
0x6: {  	_ = 	snop  }
0x7: {  	_ = 	snop  }
__scs_overlays_trampoline_lowered:
0x8: {  	[smem:$0x3FAB] =	sst s0  }
0x9: {  	[smem:$0x3FAC] =	sst s1  }
0xa: {  	[smem:$0x3FAD] =	sst s2  }
0xb: {  	[smem:$0x3FAE] =	sst s3  }
0xc: {  	[smem:$0x3FAF] =	sst s4  }
0xd: {  	[smem:$0x3FB0] =	sst s5  }
0xe: {  	[smem:$0x3FB1] =	sst s6  }
0xf: {  	[smem:$0x3FB2] =	sst s7  }
0x10: {  	[smem:$0x3FB3] =	sst s8  }
0x11: {  	[smem:$0x3FB4] =	sst s9;
	s0 =	simm.s32 @!p0 $0x0  }
0x12: {  	s1 =	sld [smem:$0x3F9A];
	s0 =	simm.s32 @p0 $0x1  }
0x13: {  	[smem:$0x3FB5] =	sst s0;
	s0 =	simm.s32 @!p1 $0x0  }
0x14: {  	s2 =	sld [smem:$0x3F99];
	s0 =	simm.s32 @p1 $0x1  }
0x15: {  	[smem:$0x3FB6] =	sst s0;
	s0 =	simm.s32 @!p2 $0x0  }
0x16: {  	s3 =	sld [smem:$0x3FDB];
	s0 =	simm.s32 @p2 $0x1  }
0x17: {  	s4 =	simm.s32 $0x1BF5;
	[smem:$0x3FB8] =	sst s0  }
0x18: {  	s0 =	sld [smem:$0x3F9B];
	_ =	swait.ge [sflag:s4], $0x0  }
0x19: {  	s7 =	sld [smem:$0x3F9C]  }
0x1a: {  	s8 =	sadd.s32 $0xFFFFE003, lr  }
0x1b: {  	s9 =	sadd.s32 $0xFFFFFEF7, lr;
	s5 =	simm.s32 $0xFFFFFFFF;
	p2 =	slt.u32 s8, $0xFFFFF086  }
0x1c: {  	p1 =	slt.u32 s9, $0xF7A;
	s5 =	simm.s32 @!p2 $0x0  }
0x1d: {  	s5 =	simm.s32 @p1 $0x1;
	p0 =	seq.s32 s7, s2  }
0x1e: {  	s7 =	smul.u32 @!p0 $0xF7A, s2;
	p2 =	seq.s32 @!p0 s5, $0x0  }
0x1f: {  	s9 =	smul.u32 $0xF7A, s1;
	s8 =	simm.s32 @!p0 $0x1BF5;
	p2 =	por !p2, p0  }
0x20: {  	[sflag:s8] =	ssyncset.s32 @!p0 $0xFFFFF086;
	s6 =	sadd.s32 @!p0 s3, s7;
	s7 =	simm.s32 @!p0 $0x108  }
0x21: {  	s3 =	sadd.s32 s3, s9;
	s6 =	sadd.s32 @!p0 $0x88, s6;
	s7 =	simm.s32 @p2 $0x1082  }
0x22: {  	[simem:s7], [sflag:s8] =	dma.local @!p0 [hbm:s6], $0xF7A  }
0x23: {  	s9 =	sor.u32 $0xD0000000, s2;
	s6 =	simm.s32 $0x108;
	_ =	swait.ge @!p0 [sflag:s8], $0x0  }
0x24: {  	s3 =	sadd.s32 $0x88, s3;
	s6 =	simm.s32 @!p1 $0x1082;
	[sflag:s4] =	ssyncset.s32 $0xFFFFF086  }
0x25: {  	[simem:s6], [sflag:s4] =	dma.local [hbm:s3], $0xF7A  }
0x26: {  	[smem:$0x3F9C] =	sst s1;
	(tag) =	ssettag s2;
	_ =	strace s9  }
0x27: {  	s1 =	sld [smem:$0x3FAC]  }
0x28: {  	s2 =	sld [smem:$0x3FAD]  }
0x29: {  	s4 =	sld [smem:$0x3FAF]  }
0x2a: {  	p0 =	seq.s32 s5, $0x0;
	s5 =	sld [smem:$0x3FB0]  }
0x2b: {  	s6 =	sld [smem:$0x3FB1]  }
0x2c: {  	s7 =	sld [smem:$0x3FB2]  }
0x2d: {  	s3 =	simm.s32 $0x108;
	s8 =	sld [smem:$0x3FB3]  }
0x2e: {  	s3 =	simm.s32 @!p0 $0x1082;
	s9 =	sld [smem:$0x3FB4]  }
0x2f: {  	lr =	sadd.s32 s0, s3;
	s0 =	sld [smem:$0x3FAB]  }
0x30: {  	s3 =	sld [smem:$0x3FAE]  }
0x31: {  	[smem:$0x3FB7] =	sst s10  }
0x32: {  	s10 =	sld [smem:$0x3FB5];
	_ =	sdelay $0x3  }
0x33: {  	p0 =	seq.s32 s10, $0x1;
	s10 =	sld [smem:$0x3FB7];
	_ =	sdelay $0x3  }
0x34: {  	[smem:$0x3FB7] =	sst s10  }
0x35: {  	s10 =	sld [smem:$0x3FB6];
	_ =	sdelay $0x3  }
0x36: {  	p1 =	seq.s32 s10, $0x1;
	s10 =	sld [smem:$0x3FB7];
	_ =	sdelay $0x3  }
0x37: {  	[smem:$0x3FB7] =	sst s10  }
0x38: {  	s10 =	sld [smem:$0x3FB8]  }
0x39: {  	_ = 	snop;
	(pc) =	sbr.ind lr, $3  }
0x3a: {  	_ = 	snop  }
0x3b: {  	_ = 	snop  }
0x3c: {  	p2 =	seq.s32 s10, $0x1;
	s10 =	sld [smem:$0x3FB7]  }
0x3d: {  	_ =	shalt  }
0x3e: {  	_ =	shalt  }
0x3f: {  	_ =	shalt  }
0x40: {  	_ =	shalt  }
0x41: {  	_ =	shalt  }
0x42: {  	_ =	shalt  }
0x43: {  	_ =	shalt  }
0x44: {  	_ =	shalt  }
0x45: {  	_ =	shalt  }
0x46: {  	_ =	shalt  }
0x47: {  	_ =	shalt  }
0x48: {  	_ =	shalt  }
0x49: {  	_ =	shalt  }
0x4a: {  	_ =	shalt  }
0x4b: {  	_ =	shalt  }
0x4c: {  	_ =	shalt  }
0x4d: {  	_ =	shalt  }
0x4e: {  	_ =	shalt  }
0x4f: {  	_ =	shalt  }
0x50: {  	_ =	shalt  }
0x51: {  	_ =	shalt  }
0x52: {  	_ =	shalt  }
0x53: {  	_ =	shalt  }
0x54: {  	_ =	shalt  }
0x55: {  	_ =	shalt  }
0x56: {  	_ =	shalt  }
0x57: {  	_ =	shalt  }
0x58: {  	_ =	shalt  }
0x59: {  	_ =	shalt  }
0x5a: {  	_ =	shalt  }
0x5b: {  	_ =	shalt  }
0x5c: {  	_ =	shalt  }
0x5d: {  	_ =	shalt  }
0x5e: {  	_ =	shalt  }
0x5f: {  	_ =	shalt  }
0x60: {  	_ =	shalt  }
0x61: {  	_ =	shalt  }
0x62: {  	_ =	shalt  }
0x63: {  	_ =	shalt  }
0x64: {  	_ =	shalt  }
0x65: {  	_ =	shalt  }
0x66: {  	_ =	shalt  }
0x67: {  	_ =	shalt  }
0x68: {  	_ =	shalt  }
0x69: {  	_ =	shalt  }
0x6a: {  	_ =	shalt  }
0x6b: {  	_ =	shalt  }
0x6c: {  	_ =	shalt  }
0x6d: {  	_ =	shalt  }
0x6e: {  	_ =	shalt  }
0x6f: {  	_ =	shalt  }
0x70: {  	_ =	shalt  }
0x71: {  	_ =	shalt  }
0x72: {  	_ =	shalt  }
0x73: {  	_ =	shalt  }
0x74: {  	_ =	shalt  }
0x75: {  	_ =	shalt  }
0x76: {  	_ =	shalt  }
0x77: {  	_ =	shalt  }
0x78: {  	_ =	shalt  }
0x79: {  	_ =	shalt  }
0x7a: {  	_ =	shalt  }
0x7b: {  	_ =	shalt  }
0x7c: {  	_ =	shalt  }
0x7d: {  	_ =	shalt  }
0x7e: {  	_ =	shalt  }
0x7f: {  	_ =	shalt  }
0x80: {  	_ =	shalt  }
0x81: {  	_ =	shalt  }
0x82: {  	_ =	shalt  }
0x83: {  	_ =	shalt  }
0x84: {  	_ =	shalt  }
0x85: {  	_ =	shalt  }
0x86: {  	_ =	shalt  }
0x87: {  	_ =	shalt  }
.Lfunc_end0:
.L_simem_size_0:
called_computation_lowered:
.L_overlay_start_0:
0x88: {  	s2 =	sld [smem:$0x3FD9]  }
0x89: {  	s3 =	sld [smem:$0x3FFE];
	_ =	sdelay $0x1  }
0x8a: {  	s1 =	srdreg.scid  }
0x8b: {  	s0 =	sand.u32 $0x1, s1  }
0x8c: {  	s17 =	sshll.u32 s0, $0xA;
	s2 =	sadd.s32 s3, s2  }
0x8d: {  	s2 =	sadd.s32 s2, s17  }
0x8e: {  	[smem:$0x3FC3] =	sst s2  }
0x8f: {  	_ = 	snop  }
0x90: {  	s18 =	sld [smem:$0x3FC8]  }
0x91: {  	s4 =	sld [smem:$0x3FC5];
	(tm) =	ssettm $0x1  }
0x92: {  	s19 =	sld [smem:$0x3FFB];
	_ =	sdelay $0x3  }
0x93: {  	_ =	strace s19  }
0x94: {  	s2 =	sld [smem:$0x3FFC];
	_ =	sdelay $0x3  }
0x95: {  	_ =	strace s2  }
0x96: {  	s2 =	sld [smem:$0x3FFD];
	_ =	sdelay $0x3  }
0x97: {  	_ =	strace s2  }
0x98: {  	_ =	strace $0x8FFFFFFF  }
0x99: {  	s20 =	sld [smem:$0x3FDB];
	_ =	sdelay $0x1  }
0x9a: {  	s5 =	simm.s32 $_scs_section_size  }
0x9b: {  	s6 =	simm.s32 $_size__tile_overlayer_lowered;
	s7 =	simm.s32 $_tile_overlayer_lowered  }
0x9c: {  	s8 =	simm.s32 $0x1BFF;
	s21 =	sshll.u32 s7, $0x1;
	s5 =	sadd.s32 s5, s20  }
0x9d: {  	s22 =	simm.s32 $0x0;
	s6 =	sshll.u32 s6, $0x1;
	s7 =	sadd.s32 s21, s5  }
0x9e: {  	[timem:s22], [sflag:s8] =	dma.local [hbm:s7], s6  }
0x9f: {  	_ =	swait.ge [sflag:s8], s6  }
0xa0: {  	s6 =	ssub.s32 $0x0, s6;
	[sflag:s8] =	ssyncset.done $0x0  }
0xa1: {  	[sflag:s8] =	ssyncadd.s32 s6;
	_ =	sdelay $0x1  }
0xa2: {  	s23 =	simm.s32 $0x1B8B  }
0xa3: {  	_ =	swait.ge [sflag:s23], $0x1  }
0xa4: {  	[sflag:s23] =	ssyncset.done $0x0  }
0xa5: {  	[sflag:s23] =	ssyncadd.s32 $0xFFFFFFFF  }
0xa6: {  	s6 =	sld [smem:$0x0]  }
0xa7: {  	s7 =	sand.u32 $0xFFFFFFFE, s1  }
0xa8: {  	p0 =	sne.s32 s1, s7  }
0xa9: {  	s7 =	sshll.u32 @p0 s7, $0xE  }
0xaa: {  	s7 =	sadd.s32 @p0 $0x11B8D, s7;
	s8 =	sshll.u32 @p0 s6, $0x11  }
0xab: {  	s7 =	sor.u32 @p0 s8, s7  }
0xac: {  	[sflag:s7] =	ssyncadd.remote.s32 @p0 $0x1;
	_ =	sdelay $0x1  }
0xad: {  	s7 =	simm.s32 @p0 $0x1B8D  }
0xae: {  	_ =	swait.eq @p0 [sflag:s7], $0x1  }
0xaf: {  	[sflag:s7] =	ssyncadd.s32 @p0 $0xFFFFFFFF  }
0xb0: {  	s8 =	sshll.u32 @!p0 s1, $0xE  }
0xb1: {  	s8 =	sor.u32 @!p0 $0x4000, s8;
	s7 =	simm.s32 @!p0 $0x1B8D  }
0xb2: {  	s6 =	sshll.u32 @!p0 s6, $0x11;
	s8 =	sadd.s32 @!p0 $0x11B8D, s8;
	_ =	swait.eq @!p0 [sflag:s7], $0x1  }
0xb3: {  	s6 =	sor.u32 @!p0 s6, s8;
	[sflag:s7] =	ssyncadd.s32 @!p0 $0xFFFFFFFF  }
0xb4: {  	s25 =	simm.s32 $0x1B8E;
	s24 =	sld [smem:$0x3FFE];
	[sflag:s6] =	ssyncadd.remote.s32 @!p0 $0x1  }
0xb5: {  	s26 =	simm.s32 $execute0_lowered;
	[smem:$0x3FD2] =	sst s25  }
0xb6: {  	s7 =	sshll.u32 s26, $0x1;
	_ =	strace $0x80000049;
	[dreg:$0x1] =	wrdreg $0xFFFFFFFF  }
0xb7: {  	s28 =	simm.s32 $_size_execute0_lowered;
	s5 =	sadd.s32 s5, s7;
	[dreg:$0x0] =	wrdreg $0x0  }
0xb8: {  	s7 =	sshll.u32 s28, $0x1;
	[dreg:$0x2] =	wrdreg s5  }
0xb9: {  	[dreg:$0x3] =	wrdreg s7  }
0xba: {  	[dreg:$0x4] =	wrdreg $0xC0  }
0xbb: {  	_ =	task [dreg:s22], $0x5FFFF  }
0xbc: {  	[dreg:$0x1] =	wrdreg $0xFFFFFFFF  }
0xbd: {  	[dreg:$0x0] =	wrdreg $0x60  }
0xbe: {  	[dreg:$0x2] =	wrdreg s24  }
0xbf: {  	[dreg:$0x3] =	wrdreg s4  }
0xc0: {  	[dreg:$0x4] =	wrdreg s18  }
0xc1: {  	[dreg:$0x5] =	wrdreg $0x9  }
0xc2: {  	_ =	task.clear_ibuf [dreg:s22], $0x6FFFF;
	_ =	strace $0x90000049  }
0xc3: {  	s29 =	simm.s32 $0x9;
	_ =	strace $0x8000004B  }
0xc4: {  	_ =	swait.ge [sflag:s29], $0x1  }
0xc5: {  	[sflag:s29] =	ssyncadd.s32 $0xFFFFFFFF  }
0xc6: {  	_ =	strace $0x9000004B  }
0xc7: {  	_ =	sfence  }
0xc8: {  	s30 =	sld [smem:$0x0];
	_ =	sdelay $0x2  }
0xc9: {  	s31 =	sshll.u32 s1, $0xD;
	s1 =	sshrl.u32 s1, $0x2  }
0xca: {  	s4 =	sand.u32 $0x4000, s31;
	s1 =	sadd.s32 s1, s30  }
0xcb: {  	s0 =	sor.u32 s4, s0;
	s1 =	sshll.u32 s1, $0x11  }
0xcc: {  	s0 =	sor.u32 s1, s0  }
0xcd: {  	s0 =	sadd.s32 $0x8F2B, s0  }
0xce: {  	[sflag:s0] =	ssyncadd.remote.s32 $0x1  }
0xcf: {  	_ =	sfence.sel $0xFFFF  }
0xd0: {  	[dreg:$0x0] =	wrdreg $0xFFFFFFFF;
	(pc) =	sbr.abs _section_cstart, $3  }
0xd1: {  	[dreg:$0x1] =	wrdreg $0xFFFFFFFF  }
0xd2: {  	_ =	task.clear_ibuf [dreg:s22], $0x2FFFF;
	_ =	strace $0x9FFFFFFF  }
0xd3: {  	(tm) =	ssettm $0x7FFFFFFF  }
tec
execute0_lowered:
.L_overlay_start_1:
0x0: {  	(tag) =	ssettag $0x1  }
0x1: {  	s4 =	rddreg [dreg:$0x0]  }
0x2: {  	s5 =	rddreg [dreg:$0x1]  }
0x3: {  	s6 =	rddreg [dreg:$0x2]  }
0x4: {  	s0 =	rddreg [dreg:$0x3];
	s2 =	simm.s32 $0x0;
	s3 =	srdreg.scid  }
0x5: {  	s1 =	stileid.u32;
	s13 =	simm.s32 $0x8180;
	s14 =	simm.s32 $0x0  }
0x6: {  	[smem:$0x7FF] =	sst s2;
	s7 =	sand.u32 $0x1, s3;
	s30 =	sshll.u32 s1, $0x1  }
0x7: {  	s3 =	sadd.s32 $0x2200, s4;
	_ =	strace $0x8000004A;
	s8 =	sor.u32 s7, s30  }
0x8: {  	s31 =	ssub.s32 $0x2, s7;
	s9 =	sshll.u32 s8, $0xC;
	s10 =	sshll.u32 s8, $0xB  }
0x9: {  	s7 =	sshrl.u32 s31, $0x1;
	s11 =	sshll.u32 s8, $0x5;
	s8 =	sshll.u32 s8, $0x4  }
0xa: {  	s9 =	sadd.s32 s9, s4;
	s10 =	sadd.s32 s10, s4;
	s12 =	ssub.s32 s31, s7  }
0xb: {  	s4 =	sadd.s32 s5, s11;
	s5 =	sadd.s32 s6, s8;
	s11 =	simm.s32 $0x1  }
0xc: {  	s6 =	sadd.s32 $0xF44600, s9;
	s7 =	sadd.s32 $0xF64600, s10;
	s8 =	smax.u32 s12, $0x1  }
0xd: {  	v0 =	vlaneseq.u32;
	s9 =	simm.s32 $0x2;
	s10 =	simm.s32 $0x100;
	s12 =	simm.s32 $0x180  }
.LBB2_1:
0xe: {  	[tilespmem:s2], [sflag:$0x2] =	stream.linear.gather [hbm4b:s4+s2], $0x100, $0x38;
	[tilespmem:$0x1C180] =	vst v63  }
0xf: {  	_ =	swait.ge [sflag:s9], $0x100  }
0x10: {  	[sflag:s9] =	ssyncset.done $0x0  }
0x11: {  	[sflag:s9] =	ssyncadd.s32 $0xFFFFFF00  }
0x12: {  	[tilespmem:s10], [sflag:$0x2] =	stream.linear.gather [hbm4b:s5+s2], $0x80, $0x38;
	[tilespmem:$0x1C180] =	vst v63  }
0x13: {  	_ =	swait.ge [sflag:s9], $0x80  }
0x14: {  	s15 =	sand.u32 $0xC0, s2;
	[sflag:s9] =	ssyncset.done $0x0  }
0x15: {  	s15 =	sshrl.u32 s15, $0x2;
	[sflag:s9] =	ssyncadd.s32 $0xFFFFFF80  }
0x16: {  	v1 =	vld [tilespmem:s15+$0x0];
	_ =	sdelay $0x2  }
0x17: {  	s30 =	sand.u32 $0xF, s2  }
0x18: {  	v2 =	vmov s30  }
0x19: {  	vm0 =	veq.s32 v2, v0;
	v1 =	vxor.u32 $0x80000000, v1  }
0x1a: {  	v1 =	vnsel vm0, $0x80000000, v1  }
0x1b: {  	(xrf0) =	vmax.scan.msk.u32 $0xffff, v1;
	_ =	sdelay $0x5  }
0x1c: {  	v1, _, _ =	vpop (xrf0)  }
0x1d: {  	(v2sf) =	vpush v1, $0xF;
	_ =	sdelay $0xe  }
0x1e: {  	s31 =	spop (v2sf)  }
0x1f: {  	s16 =	simm.s32 $0x4;
	s15 =	sshll.u32 s31, $0x4  }
0x20: {  	s18 =	sand.u32 $0xC0, s16;
	s17 =	sand.u32 $0xFFFFF80, s15  }
0x21: {  	s18 =	sshrl.u32 s18, $0x2;
	s15 =	simm.s32 $0xC180;
	s17 =	sadd.s32 s3, s17  }
0x22: {  	[tilespmem:s15], [sflag:$0x1] =	stream.linear.gather [hbm4b:s17+s2], $0x400, $0x38;
	[tilespmem:$0x1C180] =	vst v63  }
0x23: {  	s17 =	simm.s32 $0x1;
	v1 =	vld [tilespmem:s18+$0x0];
	s18 =	simm.s32 $0x2  }
.LBB2_2:
0x24: {  	p0 =	sne.s32 s18, $0x3F;
	_ =	sdelay $0x1  }
0x25: {  	s19 =	sand.u32 $0xF, s17;
	s17 =	smov.u32 s18  }
0x26: {  	v2 =	vmov s19  }
0x27: {  	vm0 =	veq.s32 v2, v0;
	v1 =	vxor.u32 $0x80000000, v1  }
0x28: {  	v1 =	vnsel vm0, $0x80000000, v1  }
0x29: {  	(xrf0) =	vmax.scan.msk.u32 $0xffff, v1;
	_ =	sdelay $0x5  }
0x2a: {  	v1, _, _ =	vpop (xrf0)  }
0x2b: {  	(v2sf) =	vpush v1, $0xF;
	_ =	sdelay $0xe  }
0x2c: {  	s19 =	spop (v2sf)  }
.Ltmp0:
0x2d: {  	s16 =	sadd.s32 $0x4, s16;
	s19 =	sshll.u32 s19, $0x4;
	(pc) =	sbr.rel @p0 .LBB2_2-.Ltmp0, $4  }
0x2e: {  	s20 =	sand.u32 $0xC0, s16;
	s19 =	sand.u32 $0xFFFFF80, s19  }
0x2f: {  	s15 =	sadd.s32 $0x400, s15;
	s20 =	sshrl.u32 s20, $0x2;
	s19 =	sadd.s32 s3, s19  }
0x30: {  	[tilespmem:s15], [sflag:$0x1] =	stream.linear.gather [hbm4b:s19+s2], $0x400, $0x38;
	[tilespmem:$0x1C180] =	vst v63  }
0x31: {  	s18 =	sadd.s32 $0x1, s18;
	v1 =	vld [tilespmem:s20+$0x0]  }
0x32: {  	_ =	sdelay $0x1  }
0x33: {  	s16 =	sand.u32 $0xF, s17  }
0x34: {  	v2 =	vmov s16  }
0x35: {  	vm0 =	veq.s32 v2, v0;
	v1 =	vxor.u32 $0x80000000, v1  }
0x36: {  	v1 =	vnsel vm0, $0x80000000, v1  }
0x37: {  	(xrf0) =	vmax.scan.msk.u32 $0xffff, v1;
	_ =	sdelay $0x5  }
0x38: {  	v1, _, _ =	vpop (xrf0)  }
0x39: {  	(v2sf) =	vpush v1, $0xF;
	_ =	sdelay $0xe  }
0x3a: {  	s31 =	spop (v2sf)  }
0x3b: {  	s16 =	sshll.u32 s31, $0x4  }
0x3c: {  	s16 =	sand.u32 $0xFFFFF80, s16  }
0x3d: {  	s15 =	sadd.s32 $0x400, s15;
	s16 =	sadd.s32 s3, s16  }
0x3e: {  	[tilespmem:s15], [sflag:$0x1] =	stream.linear.gather [hbm4b:s16+s2], $0x400, $0x38;
	[tilespmem:$0x1C180] =	vst v63  }
0x3f: {  	s15 =	simm.s32 $0x40  }
.LBB2_4:
0x40: {  	p0 =	sne.s32 s15, $0x1  }
.Ltmp1:
0x41: {  	_ = 	snop;
	(pc) =	sbr.rel @p0 .LBB2_4-.Ltmp1, $4  }
0x42: {  	_ = 	snop  }
0x43: {  	_ =	swait.ge [sflag:s11], $0x400  }
0x44: {  	[sflag:s11] =	ssyncset.done $0x0  }
0x45: {  	s15 =	sadd.s32 $0xFFFFFFFF, s15;
	[sflag:s11] =	ssyncadd.s32 $0xFFFFFC00  }
0x46: {  	s15 =	simm.s32 $0x0  }
0x47: {  	s16 =	sand.u32 $0xC0, s15  }
0x48: {  	s17 =	sshrl.u32 s16, $0x2  }
0x49: {  	v1 =	vld [tilespmem:s17+$0x0];
	_ =	sdelay $0x2  }
0x4a: {  	s15 =	sand.u32 $0xF, s15  }
0x4b: {  	v2 =	vmov s15  }
0x4c: {  	vm0 =	veq.s32 v2, v0;
	v1 =	vxor.u32 $0x80000000, v1  }
0x4d: {  	v1 =	vnsel vm0, $0x80000000, v1  }
0x4e: {  	(xrf0) =	vmax.scan.msk.u32 $0xffff, v1;
	_ =	sdelay $0x5  }
0x4f: {  	v1, _, _ =	vpop (xrf0)  }
0x50: {  	(v2sf) =	vpush v1, $0xF;
	_ =	sdelay $0xe  }
0x51: {  	s31 =	spop (v2sf)  }
0x52: {  	s15 =	sand.u32 $0x7, s31  }
0x53: {  	s15 =	sshll.u32 s15, $0x7  }
0x54: {  	s19 =	sadd.s32 $0xC180, s15  }
0x55: {  	v1 =	vld [tilespmem:s19+$0x0];
	_ =	sdelay $0x3  }
0x56: {  	s18 =	simm.s32 $0x1A0  }
0x57: {  	[tilespmem:s18+$0xFFFFFFE0] =	vst v1  }
0x58: {  	v1 =	vld [tilespmem:s19+$0x10];
	_ =	sdelay $0x4  }
0x59: {  	[tilespmem:s18+$0xFFFFFFF0] =	vst v1  }
0x5a: {  	v1 =	vld [tilespmem:s19+$0x20];
	_ =	sdelay $0x4  }
0x5b: {  	[tilespmem:s18+$0x0] =	vst v1  }
0x5c: {  	v1 =	vld [tilespmem:s19+$0x30];
	_ =	sdelay $0x1  }
0x5d: {  	s20 =	simm.s32 $0x4  }
0x5e: {  	s22 =	simm.s32 $0x2;
	s21 =	simm.s32 $0x1;
	s23 =	sand.u32 $0xC0, s20  }
0x5f: {  	s16 =	simm.s32 $0x1;
	s15 =	simm.s32 $0xC180;
	s19 =	simm.s32 $0xC180  }
.LBB2_6:
0x60: {  	p0 =	sne.s32 s22, $0x3F;
	s23 =	sshrl.u32 s23, $0x2;
	[tilespmem:s18+$0x10] =	vst v1  }
0x61: {  	v1 =	vld [tilespmem:s23+$0x0];
	_ =	sdelay $0x2  }
0x62: {  	s23 =	sand.u32 $0xF, s21;
	s21 =	smov.u32 s22  }
0x63: {  	v2 =	vmov s23  }
0x64: {  	vm1 =	veq.s32 v2, v0;
	v1 =	vxor.u32 $0x80000000, v1  }
0x65: {  	v1 =	vnsel vm1, $0x80000000, v1  }
0x66: {  	(xrf0) =	vmax.scan.msk.u32 $0xffff, v1;
	_ =	sdelay $0x5  }
0x67: {  	v1, _, _ =	vpop (xrf0)  }
0x68: {  	(v2sf) =	vpush v1, $0xF;
	_ =	sdelay $0xe  }
0x69: {  	s23 =	spop (v2sf)  }
0x6a: {  	s23 =	sand.u32 $0x7, s23  }
0x6b: {  	s19 =	sadd.s32 $0x400, s19;
	s23 =	sshll.u32 s23, $0x7  }
0x6c: {  	s23 =	sadd.s32 s23, s19  }
0x6d: {  	v1 =	vld [tilespmem:s23+$0x0];
	_ =	sdelay $0x3  }
0x6e: {  	s18 =	sadd.s32 $0x80, s18  }
0x6f: {  	[tilespmem:s18+$0xFFFFFFE0] =	vst v1  }
0x70: {  	v1 =	vld [tilespmem:s23+$0x10];
	_ =	sdelay $0x4  }
0x71: {  	[tilespmem:s18+$0xFFFFFFF0] =	vst v1  }
0x72: {  	v1 =	vld [tilespmem:s23+$0x20];
	_ =	sdelay $0x4  }
0x73: {  	[tilespmem:s18+$0x0] =	vst v1  }
.Ltmp2:
0x74: {  	v1 =	vld [tilespmem:s23+$0x30];
	(pc) =	sbr.rel @p0 .LBB2_6-.Ltmp2, $3  }
0x75: {  	_ =	sdelay $0x1  }
0x76: {  	s20 =	sadd.s32 $0x4, s20  }
0x77: {  	s22 =	sadd.s32 $0x1, s22;
	s23 =	sand.u32 $0xC0, s20  }
0x78: {  	s20 =	sshrl.u32 s23, $0x2;
	[tilespmem:s18+$0x10] =	vst v1  }
0x79: {  	v1 =	vld [tilespmem:s20+$0x0];
	_ =	sdelay $0x2  }
0x7a: {  	s24 =	sand.u32 $0xF, s21  }
0x7b: {  	v2 =	vmov s24  }
0x7c: {  	vm1 =	veq.s32 v2, v0;
	v1 =	vxor.u32 $0x80000000, v1  }
0x7d: {  	v1 =	vnsel vm1, $0x80000000, v1  }
0x7e: {  	(xrf0) =	vmax.scan.msk.u32 $0xffff, v1;
	_ =	sdelay $0x5  }
0x7f: {  	v1, _, _ =	vpop (xrf0)  }
0x80: {  	(v2sf) =	vpush v1, $0xF;
	_ =	sdelay $0xe  }
0x81: {  	s25 =	spop (v2sf)  }
0x82: {  	s20 =	sand.u32 $0x7, s25  }
0x83: {  	s19 =	sadd.s32 $0x400, s19;
	s20 =	sshll.u32 s20, $0x7  }
0x84: {  	s19 =	sadd.s32 s20, s19  }
0x85: {  	v1 =	vld [tilespmem:s19+$0x0];
	_ =	sdelay $0x3  }
0x86: {  	s26 =	sadd.s32 $0x80, s18  }
0x87: {  	[tilespmem:s26+$0xFFFFFFE0] =	vst v1  }
0x88: {  	v1 =	vld [tilespmem:s19+$0x10];
	_ =	sdelay $0x4  }
0x89: {  	[tilespmem:s26+$0xFFFFFFF0] =	vst v1  }
0x8a: {  	v1 =	vld [tilespmem:s19+$0x20];
	_ =	sdelay $0x4  }
0x8b: {  	[tilespmem:s26+$0x0] =	vst v1  }
0x8c: {  	v1 =	vld [tilespmem:s19+$0x30];
	_ =	sdelay $0x4  }
0x8d: {  	[tilespmem:s26+$0x10] =	vst v1  }
0x8e: {  	v1 =	vld [tilespmem:s17+$0x40];
	_ =	sdelay $0x4  }
0x8f: {  	v1 =	vxor.u32 $0x80000000, v1  }
0x90: {  	v1 =	vnsel vm0, $0x80000000, v1  }
0x91: {  	(xrf0) =	vmax.scan.msk.u32 $0xffff, v1;
	_ =	sdelay $0x5  }
0x92: {  	v1, _, _ =	vpop (xrf0)  }
0x93: {  	(v2sf) =	vpush v1, $0xF;
	_ =	sdelay $0xe  }
0x94: {  	s28 =	spop (v2sf)  }
0x95: {  	s17 =	simm.s32 $0x4;
	s29 =	sshll.u32 s28, $0x4  }
0x96: {  	s30 =	sand.u32 $0xC0, s17;
	s18 =	sand.u32 $0xFFFFF80, s29  }
0x97: {  	s31 =	sshrl.u32 s30, $0x2;
	s18 =	sadd.s32 s3, s18  }
0x98: {  	[tilespmem:s15], [sflag:$0x1] =	stream.linear.gather [hbm4b:s18+s2], $0x400, $0x38;
	[tilespmem:$0x1C180] =	vst v63  }
0x99: {  	s18 =	simm.s32 $0x2;
	v1 =	vld [tilespmem:s31+$0x40]  }
.LBB2_8:
0x9a: {  	p0 =	sne.s32 s18, $0x3F;
	_ =	sdelay $0x1  }
0x9b: {  	s19 =	sand.u32 $0xF, s16;
	s16 =	smov.u32 s18  }
0x9c: {  	v2 =	vmov s19  }
0x9d: {  	vm0 =	veq.s32 v2, v0;
	v1 =	vxor.u32 $0x80000000, v1  }
0x9e: {  	v1 =	vnsel vm0, $0x80000000, v1  }
0x9f: {  	(xrf0) =	vmax.scan.msk.u32 $0xffff, v1;
	_ =	sdelay $0x5  }
0xa0: {  	v1, _, _ =	vpop (xrf0)  }
0xa1: {  	(v2sf) =	vpush v1, $0xF;
	_ =	sdelay $0xe  }
0xa2: {  	s19 =	spop (v2sf)  }
.Ltmp3:
0xa3: {  	s17 =	sadd.s32 $0x4, s17;
	s19 =	sshll.u32 s19, $0x4;
	(pc) =	sbr.rel @p0 .LBB2_8-.Ltmp3, $4  }
0xa4: {  	s20 =	sand.u32 $0xC0, s17;
	s19 =	sand.u32 $0xFFFFF80, s19  }
0xa5: {  	s15 =	sadd.s32 $0x400, s15;
	s20 =	sshrl.u32 s20, $0x2;
	s19 =	sadd.s32 s3, s19  }
0xa6: {  	[tilespmem:s15], [sflag:$0x1] =	stream.linear.gather [hbm4b:s19+s2], $0x400, $0x38;
	[tilespmem:$0x1C180] =	vst v63  }
0xa7: {  	s18 =	sadd.s32 $0x1, s18;
	v1 =	vld [tilespmem:s20+$0x40]  }
0xa8: {  	_ =	sdelay $0x1  }
0xa9: {  	s16 =	sand.u32 $0xF, s16  }
0xaa: {  	v2 =	vmov s16  }
0xab: {  	vm0 =	veq.s32 v2, v0;
	v1 =	vxor.u32 $0x80000000, v1  }
0xac: {  	v1 =	vnsel vm0, $0x80000000, v1  }
0xad: {  	(xrf0) =	vmax.scan.msk.u32 $0xffff, v1;
	_ =	sdelay $0x5  }
0xae: {  	v1, _, _ =	vpop (xrf0)  }
0xaf: {  	(v2sf) =	vpush v1, $0xF;
	_ =	sdelay $0xe  }
0xb0: {  	s31 =	spop (v2sf)  }
0xb1: {  	s16 =	sshll.u32 s31, $0x4  }
0xb2: {  	s16 =	sand.u32 $0xFFFFF80, s16  }
0xb3: {  	s15 =	sadd.s32 $0x400, s15;
	s16 =	sadd.s32 s3, s16  }
0xb4: {  	[tilespmem:s15], [sflag:$0x1] =	stream.linear.gather [hbm4b:s16+s2], $0x400, $0x38;
	[tilespmem:$0x1C180] =	vst v63  }
0xb5: {  	s15 =	simm.s32 $0x40  }
.LBB2_10:
0xb6: {  	p0 =	sne.s32 s15, $0x1  }
.Ltmp4:
0xb7: {  	_ = 	snop;
	(pc) =	sbr.rel @p0 .LBB2_10-.Ltmp4, $4  }
0xb8: {  	_ = 	snop  }
0xb9: {  	_ =	swait.ge [sflag:s11], $0x400  }
0xba: {  	[sflag:s11] =	ssyncset.done $0x0  }
0xbb: {  	s15 =	sadd.s32 $0xFFFFFFFF, s15;
	[sflag:s11] =	ssyncadd.s32 $0xFFFFFC00  }
0xbc: {  	s17 =	simm.s32 $0x0  }
0xbd: {  	s15 =	sand.u32 $0xC0, s17  }
0xbe: {  	s15 =	sshrl.u32 s15, $0x2  }
0xbf: {  	v1 =	vld [tilespmem:s15+$0x40];
	_ =	sdelay $0x2  }
0xc0: {  	s30 =	sand.u32 $0xF, s17  }
0xc1: {  	v2 =	vmov s30  }
0xc2: {  	vm0 =	veq.s32 v2, v0;
	v1 =	vxor.u32 $0x80000000, v1  }
0xc3: {  	v1 =	vnsel vm0, $0x80000000, v1  }
0xc4: {  	(xrf0) =	vmax.scan.msk.u32 $0xffff, v1;
	_ =	sdelay $0x5  }
0xc5: {  	v1, _, _ =	vpop (xrf0)  }
0xc6: {  	(v2sf) =	vpush v1, $0xF;
	_ =	sdelay $0xe  }
0xc7: {  	s31 =	spop (v2sf)  }
0xc8: {  	s15 =	sand.u32 $0x7, s31  }
0xc9: {  	s15 =	sshll.u32 s15, $0x7  }
0xca: {  	s19 =	sadd.s32 $0xC180, s15  }
0xcb: {  	v1 =	vld [tilespmem:s19+$0x0];
	_ =	sdelay $0x3  }
0xcc: {  	s18 =	simm.s32 $0x21B0  }
0xcd: {  	[tilespmem:s18+$0xFFFFFFD0] =	vst v1  }
0xce: {  	v1 =	vld [tilespmem:s19+$0x10];
	_ =	sdelay $0x4  }
0xcf: {  	[tilespmem:s18+$0xFFFFFFE0] =	vst v1  }
0xd0: {  	v1 =	vld [tilespmem:s19+$0x20];
	_ =	sdelay $0x4  }
0xd1: {  	[tilespmem:s18+$0xFFFFFFF0] =	vst v1  }
0xd2: {  	v1 =	vld [tilespmem:s19+$0x30];
	_ =	sdelay $0x1  }
0xd3: {  	s20 =	simm.s32 $0x4  }
0xd4: {  	s16 =	simm.s32 $0x1;
	s22 =	simm.s32 $0x2;
	s21 =	simm.s32 $0x1  }
0xd5: {  	s23 =	sand.u32 $0xC0, s20;
	s15 =	simm.s32 $0xC180;
	s19 =	simm.s32 $0xC180  }
.LBB2_12:
0xd6: {  	p0 =	sne.s32 s22, $0x3F;
	s23 =	sshrl.u32 s23, $0x2;
	[tilespmem:s18+$0x0] =	vst v1  }
0xd7: {  	v1 =	vld [tilespmem:s23+$0x40];
	_ =	sdelay $0x2  }
0xd8: {  	s23 =	sand.u32 $0xF, s21;
	s21 =	smov.u32 s22  }
0xd9: {  	v2 =	vmov s23  }
0xda: {  	vm1 =	veq.s32 v2, v0;
	v1 =	vxor.u32 $0x80000000, v1  }
0xdb: {  	v1 =	vnsel vm1, $0x80000000, v1  }
0xdc: {  	(xrf0) =	vmax.scan.msk.u32 $0xffff, v1;
	_ =	sdelay $0x5  }
0xdd: {  	v1, _, _ =	vpop (xrf0)  }
0xde: {  	(v2sf) =	vpush v1, $0xF;
	_ =	sdelay $0xe  }
0xdf: {  	s23 =	spop (v2sf)  }
0xe0: {  	s23 =	sand.u32 $0x7, s23  }
0xe1: {  	s19 =	sadd.s32 $0x400, s19;
	s23 =	sshll.u32 s23, $0x7  }
0xe2: {  	s23 =	sadd.s32 s23, s19  }
0xe3: {  	v1 =	vld [tilespmem:s23+$0x0];
	_ =	sdelay $0x3  }
0xe4: {  	s18 =	sadd.s32 $0x80, s18  }
0xe5: {  	[tilespmem:s18+$0xFFFFFFD0] =	vst v1  }
0xe6: {  	v1 =	vld [tilespmem:s23+$0x10];
	_ =	sdelay $0x4  }
0xe7: {  	[tilespmem:s18+$0xFFFFFFE0] =	vst v1  }
0xe8: {  	v1 =	vld [tilespmem:s23+$0x20];
	_ =	sdelay $0x4  }
0xe9: {  	[tilespmem:s18+$0xFFFFFFF0] =	vst v1  }
.Ltmp5:
0xea: {  	v1 =	vld [tilespmem:s23+$0x30];
	(pc) =	sbr.rel @p0 .LBB2_12-.Ltmp5, $3  }
0xeb: {  	_ =	sdelay $0x1  }
0xec: {  	s20 =	sadd.s32 $0x4, s20  }
0xed: {  	s22 =	sadd.s32 $0x1, s22;
	s23 =	sand.u32 $0xC0, s20  }
0xee: {  	s20 =	sshrl.u32 s23, $0x2;
	[tilespmem:s18+$0x0] =	vst v1  }
0xef: {  	v1 =	vld [tilespmem:s20+$0x40];
	_ =	sdelay $0x2  }
0xf0: {  	s26 =	sand.u32 $0xF, s21  }
0xf1: {  	v2 =	vmov s26  }
0xf2: {  	vm1 =	veq.s32 v2, v0;
	v1 =	vxor.u32 $0x80000000, v1  }
0xf3: {  	v1 =	vnsel vm1, $0x80000000, v1  }
0xf4: {  	(xrf0) =	vmax.scan.msk.u32 $0xffff, v1;
	_ =	sdelay $0x5  }
0xf5: {  	v1, _, _ =	vpop (xrf0)  }
0xf6: {  	(v2sf) =	vpush v1, $0xF;
	_ =	sdelay $0xe  }
0xf7: {  	s28 =	spop (v2sf)  }
0xf8: {  	s20 =	sand.u32 $0x7, s28  }
0xf9: {  	s19 =	sadd.s32 $0x400, s19;
	s20 =	sshll.u32 s20, $0x7  }
0xfa: {  	s19 =	sadd.s32 s20, s19  }
0xfb: {  	v1 =	vld [tilespmem:s19+$0x0];
	_ =	sdelay $0x3  }
0xfc: {  	s29 =	sadd.s32 $0x80, s18  }
0xfd: {  	[tilespmem:s29+$0xFFFFFFD0] =	vst v1  }
0xfe: {  	v1 =	vld [tilespmem:s19+$0x10];
	_ =	sdelay $0x4  }
0xff: {  	[tilespmem:s29+$0xFFFFFFE0] =	vst v1  }
0x100: {  	v1 =	vld [tilespmem:s19+$0x20];
	_ =	sdelay $0x4  }
0x101: {  	[tilespmem:s29+$0xFFFFFFF0] =	vst v1  }
0x102: {  	v1 =	vld [tilespmem:s19+$0x30];
	_ =	sdelay $0x4  }
0x103: {  	s17 =	sand.u32 $0x30, s17;
	[tilespmem:s29+$0x0] =	vst v1  }
0x104: {  	v1 =	vld [tilespmem:s17+$0x80];
	_ =	sdelay $0x4  }
0x105: {  	v1 =	vxor.u32 $0x80000000, v1  }
0x106: {  	v1 =	vnsel vm0, $0x80000000, v1  }
0x107: {  	(xrf0) =	vmax.scan.msk.u32 $0xffff, v1;
	_ =	sdelay $0x5  }
0x108: {  	v1, _, _ =	vpop (xrf0)  }
0x109: {  	(v2sf) =	vpush v1, $0xF;
	_ =	sdelay $0xe  }
0x10a: {  	s30 =	spop (v2sf)  }
0x10b: {  	s17 =	sshll.u32 s30, $0x4  }
0x10c: {  	s17 =	sand.u32 $0xFFFFF80, s17  }
0x10d: {  	s31 =	sand.u32 $0x30, s16;
	s17 =	sadd.s32 s3, s17  }
0x10e: {  	[tilespmem:s15], [sflag:$0x1] =	stream.linear.gather [hbm4b:s17+s2], $0x400, $0x38;
	[tilespmem:$0x1C180] =	vst v63  }
0x10f: {  	s17 =	simm.s32 $0x2;
	v1 =	vld [tilespmem:s31+$0x80]  }
.LBB2_14:
0x110: {  	p0 =	sne.s32 s17, $0x3F;
	_ =	sdelay $0x1  }
0x111: {  	s18 =	sand.u32 $0xF, s16;
	s16 =	smov.u32 s17  }
0x112: {  	v2 =	vmov s18  }
0x113: {  	vm0 =	veq.s32 v2, v0;
	v1 =	vxor.u32 $0x80000000, v1  }
0x114: {  	v1 =	vnsel vm0, $0x80000000, v1  }
0x115: {  	(xrf0) =	vmax.scan.msk.u32 $0xffff, v1;
	_ =	sdelay $0x5  }
0x116: {  	v1, _, _ =	vpop (xrf0)  }
0x117: {  	(v2sf) =	vpush v1, $0xF;
	_ =	sdelay $0xe  }
0x118: {  	s18 =	spop (v2sf)  }
.Ltmp6:
0x119: {  	s18 =	sshll.u32 s18, $0x4;
	(pc) =	sbr.rel @p0 .LBB2_14-.Ltmp6, $4  }
0x11a: {  	s18 =	sand.u32 $0xFFFFF80, s18  }
0x11b: {  	s19 =	sand.u32 $0x30, s17;
	s15 =	sadd.s32 $0x400, s15;
	s18 =	sadd.s32 s3, s18  }
0x11c: {  	[tilespmem:s15], [sflag:$0x1] =	stream.linear.gather [hbm4b:s18+s2], $0x400, $0x38;
	[tilespmem:$0x1C180] =	vst v63  }
0x11d: {  	s17 =	sadd.s32 $0x1, s17;
	v1 =	vld [tilespmem:s19+$0x80]  }
0x11e: {  	_ =	sdelay $0x1  }
0x11f: {  	s16 =	sand.u32 $0xF, s16  }
0x120: {  	v2 =	vmov s16  }
0x121: {  	vm0 =	veq.s32 v2, v0;
	v1 =	vxor.u32 $0x80000000, v1  }
0x122: {  	v1 =	vnsel vm0, $0x80000000, v1  }
0x123: {  	(xrf0) =	vmax.scan.msk.u32 $0xffff, v1;
	_ =	sdelay $0x5  }
0x124: {  	v1, _, _ =	vpop (xrf0)  }
0x125: {  	(v2sf) =	vpush v1, $0xF;
	_ =	sdelay $0xe  }
0x126: {  	s31 =	spop (v2sf)  }
0x127: {  	s16 =	sshll.u32 s31, $0x4  }
0x128: {  	s16 =	sand.u32 $0xFFFFF80, s16  }
0x129: {  	s15 =	sadd.s32 $0x400, s15;
	s16 =	sadd.s32 s3, s16  }
0x12a: {  	[tilespmem:s15], [sflag:$0x1] =	stream.linear.gather [hbm4b:s16+s2], $0x400, $0x38;
	[tilespmem:$0x1C180] =	vst v63  }
0x12b: {  	_ =	swait.ge [sflag:s11], $0x400  }
0x12c: {  	s17 =	simm.s32 $0x3F;
	[sflag:s11] =	ssyncset.done $0x0  }
.LBB2_16:
0x12d: {  	p0 =	sne.s32 s17, $0x1;
	s17 =	sadd.s32 $0xFFFFFFFF, s17;
	[sflag:s11] =	ssyncadd.s32 $0xFFFFFC00  }
.Ltmp7:
0x12e: {  	(pc) =	sbr.rel @p0 .LBB2_16-.Ltmp7, $3  }
0x12f: {  	_ =	sdelay $0x1  }
0x130: {  	_ =	swait.ge [sflag:s11], $0x400  }
0x131: {  	s16 =	simm.s32 $0x0;
	s15 =	simm.s32 $0xC180;
	[sflag:s11] =	ssyncset.done $0x0  }
0x132: {  	[sflag:s11] =	ssyncadd.s32 $0xFFFFFC00;
	s17 =	sand.u32 $0x30, s16  }
0x133: {  	v1 =	vld [tilespmem:s17+$0x80];
	_ =	sdelay $0x2  }
0x134: {  	s18 =	sand.u32 $0xF, s16  }
0x135: {  	v2 =	vmov s18  }
0x136: {  	vm0 =	veq.s32 v2, v0;
	v1 =	vxor.u32 $0x80000000, v1  }
0x137: {  	v1 =	vnsel vm0, $0x80000000, v1  }
0x138: {  	(xrf0) =	vmax.scan.msk.u32 $0xffff, v1;
	_ =	sdelay $0x5  }
0x139: {  	v1, _, _ =	vpop (xrf0)  }
0x13a: {  	(v2sf) =	vpush v1, $0xF;
	_ =	sdelay $0xe  }
0x13b: {  	s31 =	spop (v2sf)  }
0x13c: {  	s18 =	sand.u32 $0x7, s31  }
0x13d: {  	s18 =	sshll.u32 s18, $0x7  }
0x13e: {  	s18 =	sadd.s32 $0xC180, s18  }
0x13f: {  	v1 =	vld [tilespmem:s18+$0x0];
	_ =	sdelay $0x3  }
0x140: {  	s19 =	simm.s32 $0x0  }
0x141: {  	[tilespmem:s19+$0x4180] =	vst v1  }
0x142: {  	v1 =	vld [tilespmem:s18+$0x10];
	_ =	sdelay $0x4  }
0x143: {  	[tilespmem:s19+$0x4190] =	vst v1  }
0x144: {  	v1 =	vld [tilespmem:s18+$0x20];
	_ =	sdelay $0x4  }
0x145: {  	[tilespmem:s19+$0x41A0] =	vst v1  }
0x146: {  	v1 =	vld [tilespmem:s18+$0x30];
	_ =	sdelay $0x3  }
0x147: {  	s20 =	simm.s32 $0x1;
	s21 =	simm.s32 $0x400  }
0x148: {  	s22 =	sand.u32 $0x30, s20;
	s18 =	simm.s32 $0x200;
	[tilespmem:s19+$0x41B0] =	vst v1;
	s19 =	simm.s32 $0xC180  }
.LBB2_18:
0x149: {  	p0 =	sne.s32 s21, $0x7E00;
	v1 =	vld [tilespmem:s22+$0x80];
	_ =	sdelay $0x2  }
0x14a: {  	s22 =	sand.u32 $0xF, s20  }
0x14b: {  	v2 =	vmov s22  }
0x14c: {  	vm0 =	veq.s32 v2, v0;
	v1 =	vxor.u32 $0x80000000, v1  }
0x14d: {  	v1 =	vnsel vm0, $0x80000000, v1  }
0x14e: {  	(xrf0) =	vmax.scan.msk.u32 $0xffff, v1;
	_ =	sdelay $0x5  }
0x14f: {  	v1, _, _ =	vpop (xrf0)  }
0x150: {  	(v2sf) =	vpush v1, $0xF;
	_ =	sdelay $0xe  }
0x151: {  	s22 =	spop (v2sf)  }
0x152: {  	s22 =	sand.u32 $0x7, s22  }
0x153: {  	s19 =	sadd.s32 $0x400, s19;
	s22 =	sshll.u32 s22, $0x7  }
0x154: {  	s22 =	sadd.s32 s22, s19  }
0x155: {  	v1 =	vld [tilespmem:s22+$0x0];
	_ =	sdelay $0x3  }
0x156: {  	s23 =	sshra.s32 s18, $0x2;
	s18 =	smov.u32 s21  }
0x157: {  	[tilespmem:s23+$0x4180] =	vst v1  }
0x158: {  	v1 =	vld [tilespmem:s22+$0x10];
	_ =	sdelay $0x4  }
0x159: {  	[tilespmem:s23+$0x4190] =	vst v1  }
0x15a: {  	v1 =	vld [tilespmem:s22+$0x20];
	_ =	sdelay $0x4  }
0x15b: {  	[tilespmem:s23+$0x41A0] =	vst v1  }
0x15c: {  	v1 =	vld [tilespmem:s22+$0x30]  }
.Ltmp8:
0x15d: {  	(pc) =	sbr.rel @p0 .LBB2_18-.Ltmp8, $3  }
0x15e: {  	_ =	sdelay $0x1  }
0x15f: {  	s20 =	sadd.s32 $0x1, s20  }
0x160: {  	s21 =	sadd.s32 $0x200, s21;
	s22 =	sand.u32 $0x30, s20;
	[tilespmem:s23+$0x41B0] =	vst v1  }
0x161: {  	v1 =	vld [tilespmem:s22+$0x80];
	_ =	sdelay $0x2  }
0x162: {  	s20 =	sand.u32 $0xF, s20  }
0x163: {  	v2 =	vmov s20  }
0x164: {  	vm0 =	veq.s32 v2, v0;
	v1 =	vxor.u32 $0x80000000, v1  }
0x165: {  	v1 =	vnsel vm0, $0x80000000, v1  }
0x166: {  	(xrf0) =	vmax.scan.msk.u32 $0xffff, v1;
	_ =	sdelay $0x5  }
0x167: {  	v1, _, _ =	vpop (xrf0)  }
0x168: {  	(v2sf) =	vpush v1, $0xF;
	_ =	sdelay $0xe  }
0x169: {  	s28 =	spop (v2sf)  }
0x16a: {  	s20 =	sand.u32 $0x7, s28  }
0x16b: {  	s19 =	sadd.s32 $0x400, s19;
	s20 =	sshll.u32 s20, $0x7  }
0x16c: {  	s19 =	sadd.s32 s20, s19  }
0x16d: {  	v1 =	vld [tilespmem:s19+$0x0];
	_ =	sdelay $0x3  }
0x16e: {  	s18 =	sshra.s32 s18, $0x2  }
0x16f: {  	[tilespmem:s18+$0x4180] =	vst v1  }
0x170: {  	v1 =	vld [tilespmem:s19+$0x10];
	_ =	sdelay $0x4  }
0x171: {  	[tilespmem:s18+$0x4190] =	vst v1  }
0x172: {  	v1 =	vld [tilespmem:s19+$0x20];
	_ =	sdelay $0x4  }
0x173: {  	[tilespmem:s18+$0x41A0] =	vst v1  }
0x174: {  	v1 =	vld [tilespmem:s19+$0x30];
	_ =	sdelay $0x4  }
0x175: {  	[tilespmem:s18+$0x41B0] =	vst v1  }
0x176: {  	v1 =	vld [tilespmem:s17+$0xC0];
	_ =	sdelay $0x2  }
0x177: {  	s16 =	sand.u32 $0xF, s16  }
0x178: {  	v2 =	vmov s16  }
0x179: {  	vm15 =	veq.s32 v2, v0;
	v1 =	vxor.u32 $0x80000000, v1  }
0x17a: {  	v1 =	vnsel vm15, $0x80000000, v1  }
0x17b: {  	(xrf0) =	vmax.scan.msk.u32 $0xffff, v1;
	_ =	sdelay $0x5  }
0x17c: {  	v1, _, _ =	vpop (xrf0)  }
0x17d: {  	(v2sf) =	vpush v1, $0xF;
	_ =	sdelay $0xe  }
0x17e: {  	s29 =	spop (v2sf)  }
0x17f: {  	s16 =	sshll.u32 s29, $0x4  }
0x180: {  	s30 =	sand.u32 $0xFFFFF80, s16;
	s16 =	simm.s32 $0x1  }
0x181: {  	s17 =	sadd.s32 s3, s30;
	s31 =	sand.u32 $0x30, s16  }
0x182: {  	[tilespmem:s15], [sflag:$0x1] =	stream.linear.gather [hbm4b:s17+s2], $0x400, $0x38;
	[tilespmem:$0x1C180] =	vst v63  }
0x183: {  	s17 =	simm.s32 $0x2;
	v1 =	vld [tilespmem:s31+$0xC0]  }
.LBB2_20:
0x184: {  	p0 =	sne.s32 s17, $0x3F;
	_ =	sdelay $0x1  }
0x185: {  	s18 =	sand.u32 $0xF, s16;
	s16 =	smov.u32 s17  }
0x186: {  	v2 =	vmov s18  }
0x187: {  	vm0 =	veq.s32 v2, v0;
	v1 =	vxor.u32 $0x80000000, v1  }
0x188: {  	v1 =	vnsel vm0, $0x80000000, v1  }
0x189: {  	(xrf0) =	vmax.scan.msk.u32 $0xffff, v1;
	_ =	sdelay $0x5  }
0x18a: {  	v1, _, _ =	vpop (xrf0)  }
0x18b: {  	(v2sf) =	vpush v1, $0xF;
	_ =	sdelay $0xe  }
0x18c: {  	s18 =	spop (v2sf)  }
.Ltmp9:
0x18d: {  	s18 =	sshll.u32 s18, $0x4;
	(pc) =	sbr.rel @p0 .LBB2_20-.Ltmp9, $4  }
0x18e: {  	s18 =	sand.u32 $0xFFFFF80, s18  }
0x18f: {  	s19 =	sand.u32 $0x30, s17;
	s15 =	sadd.s32 $0x400, s15;
	s18 =	sadd.s32 s3, s18  }
0x190: {  	[tilespmem:s15], [sflag:$0x1] =	stream.linear.gather [hbm4b:s18+s2], $0x400, $0x38;
	[tilespmem:$0x1C180] =	vst v63  }
0x191: {  	s17 =	sadd.s32 $0x1, s17;
	v1 =	vld [tilespmem:s19+$0xC0]  }
0x192: {  	_ =	sdelay $0x1  }
0x193: {  	s16 =	sand.u32 $0xF, s16  }
0x194: {  	v2 =	vmov s16  }
0x195: {  	vm0 =	veq.s32 v2, v0;
	v1 =	vxor.u32 $0x80000000, v1  }
0x196: {  	v1 =	vnsel vm0, $0x80000000, v1  }
0x197: {  	(xrf0) =	vmax.scan.msk.u32 $0xffff, v1;
	_ =	sdelay $0x5  }
0x198: {  	v1, _, _ =	vpop (xrf0)  }
0x199: {  	(v2sf) =	vpush v1, $0xF;
	_ =	sdelay $0xe  }
0x19a: {  	s31 =	spop (v2sf)  }
0x19b: {  	s16 =	sshll.u32 s31, $0x4  }
0x19c: {  	s16 =	sand.u32 $0xFFFFF80, s16  }
0x19d: {  	s15 =	sadd.s32 $0x400, s15;
	s16 =	sadd.s32 s3, s16  }
0x19e: {  	[tilespmem:s15], [sflag:$0x1] =	stream.linear.gather [hbm4b:s16+s2], $0x400, $0x38;
	[tilespmem:$0x1C180] =	vst v63  }
0x19f: {  	_ =	swait.ge [sflag:s11], $0x400  }
0x1a0: {  	s17 =	simm.s32 $0x3F;
	[sflag:s11] =	ssyncset.done $0x0  }
.LBB2_22:
0x1a1: {  	p0 =	sne.s32 s17, $0x1;
	s17 =	sadd.s32 $0xFFFFFFFF, s17;
	[sflag:s11] =	ssyncadd.s32 $0xFFFFFC00  }
.Ltmp10:
0x1a2: {  	(pc) =	sbr.rel @p0 .LBB2_22-.Ltmp10, $3  }
0x1a3: {  	_ =	sdelay $0x1  }
0x1a4: {  	_ =	swait.ge [sflag:s11], $0x400  }
0x1a5: {  	s16 =	simm.s32 $0x0;
	s15 =	simm.s32 $0xC180;
	[sflag:s11] =	ssyncset.done $0x0  }
0x1a6: {  	[sflag:s11] =	ssyncadd.s32 $0xFFFFFC00;
	s17 =	sand.u32 $0x30, s16  }
0x1a7: {  	v1 =	vld [tilespmem:s17+$0xC0];
	_ =	sdelay $0x2  }
0x1a8: {  	s30 =	sand.u32 $0xF, s16  }
0x1a9: {  	v2 =	vmov s30  }
0x1aa: {  	vm0 =	veq.s32 v2, v0;
	v1 =	vxor.u32 $0x80000000, v1  }
0x1ab: {  	v1 =	vnsel vm0, $0x80000000, v1  }
0x1ac: {  	(xrf0) =	vmax.scan.msk.u32 $0xffff, v1;
	_ =	sdelay $0x5  }
0x1ad: {  	v1, _, _ =	vpop (xrf0)  }
0x1ae: {  	(v2sf) =	vpush v1, $0xF;
	_ =	sdelay $0xe  }
0x1af: {  	s31 =	spop (v2sf)  }
0x1b0: {  	s17 =	sand.u32 $0x7, s31  }
0x1b1: {  	s17 =	sshll.u32 s17, $0x7  }
0x1b2: {  	s17 =	sadd.s32 $0xC180, s17  }
0x1b3: {  	v1 =	vld [tilespmem:s17+$0x0];
	_ =	sdelay $0x3  }
0x1b4: {  	s18 =	simm.s32 $0x0  }
0x1b5: {  	[tilespmem:s18+$0x6180] =	vst v1  }
0x1b6: {  	v1 =	vld [tilespmem:s17+$0x10];
	_ =	sdelay $0x4  }
0x1b7: {  	[tilespmem:s18+$0x6190] =	vst v1  }
0x1b8: {  	v1 =	vld [tilespmem:s17+$0x20];
	_ =	sdelay $0x4  }
0x1b9: {  	[tilespmem:s18+$0x61A0] =	vst v1  }
0x1ba: {  	v1 =	vld [tilespmem:s17+$0x30];
	_ =	sdelay $0x3  }
0x1bb: {  	s19 =	simm.s32 $0x1;
	s20 =	simm.s32 $0x400  }
0x1bc: {  	s21 =	sand.u32 $0x30, s19;
	s17 =	simm.s32 $0x200;
	[tilespmem:s18+$0x61B0] =	vst v1;
	s18 =	simm.s32 $0xC180  }
.LBB2_24:
0x1bd: {  	p0 =	sne.s32 s20, $0x7E00;
	v1 =	vld [tilespmem:s21+$0xC0];
	_ =	sdelay $0x2  }
0x1be: {  	s21 =	sand.u32 $0xF, s19  }
0x1bf: {  	v2 =	vmov s21  }
0x1c0: {  	vm0 =	veq.s32 v2, v0;
	v1 =	vxor.u32 $0x80000000, v1  }
0x1c1: {  	v1 =	vnsel vm0, $0x80000000, v1  }
0x1c2: {  	(xrf0) =	vmax.scan.msk.u32 $0xffff, v1;
	_ =	sdelay $0x5  }
0x1c3: {  	v1, _, _ =	vpop (xrf0)  }
0x1c4: {  	(v2sf) =	vpush v1, $0xF;
	_ =	sdelay $0xe  }
0x1c5: {  	s21 =	spop (v2sf)  }
0x1c6: {  	s21 =	sand.u32 $0x7, s21  }
0x1c7: {  	s18 =	sadd.s32 $0x400, s18;
	s21 =	sshll.u32 s21, $0x7  }
0x1c8: {  	s21 =	sadd.s32 s21, s18  }
0x1c9: {  	v1 =	vld [tilespmem:s21+$0x0];
	_ =	sdelay $0x3  }
0x1ca: {  	s22 =	sshra.s32 s17, $0x2;
	s17 =	smov.u32 s20  }
0x1cb: {  	[tilespmem:s22+$0x6180] =	vst v1  }
0x1cc: {  	v1 =	vld [tilespmem:s21+$0x10];
	_ =	sdelay $0x4  }
0x1cd: {  	[tilespmem:s22+$0x6190] =	vst v1  }
0x1ce: {  	v1 =	vld [tilespmem:s21+$0x20];
	_ =	sdelay $0x4  }
0x1cf: {  	[tilespmem:s22+$0x61A0] =	vst v1  }
0x1d0: {  	v1 =	vld [tilespmem:s21+$0x30]  }
.Ltmp11:
0x1d1: {  	(pc) =	sbr.rel @p0 .LBB2_24-.Ltmp11, $3  }
0x1d2: {  	_ =	sdelay $0x1  }
0x1d3: {  	s19 =	sadd.s32 $0x1, s19  }
0x1d4: {  	s20 =	sadd.s32 $0x200, s20;
	s21 =	sand.u32 $0x30, s19;
	[tilespmem:s22+$0x61B0] =	vst v1  }
0x1d5: {  	v1 =	vld [tilespmem:s21+$0xC0];
	_ =	sdelay $0x2  }
0x1d6: {  	s19 =	sand.u32 $0xF, s19  }
0x1d7: {  	v2 =	vmov s19  }
0x1d8: {  	vm0 =	veq.s32 v2, v0;
	v1 =	vxor.u32 $0x80000000, v1  }
0x1d9: {  	v1 =	vnsel vm0, $0x80000000, v1  }
0x1da: {  	(xrf0) =	vmax.scan.msk.u32 $0xffff, v1;
	_ =	sdelay $0x5  }
0x1db: {  	v1, _, _ =	vpop (xrf0)  }
0x1dc: {  	(v2sf) =	vpush v1, $0xF;
	_ =	sdelay $0xe  }
0x1dd: {  	s24 =	spop (v2sf)  }
0x1de: {  	s19 =	sand.u32 $0x7, s24  }
0x1df: {  	s18 =	sadd.s32 $0x400, s18;
	s19 =	sshll.u32 s19, $0x7  }
0x1e0: {  	s18 =	sadd.s32 s19, s18  }
0x1e1: {  	v1 =	vld [tilespmem:s18+$0x0];
	_ =	sdelay $0x3  }
0x1e2: {  	s17 =	sshra.s32 s17, $0x2  }
0x1e3: {  	[tilespmem:s17+$0x6180] =	vst v1  }
0x1e4: {  	v1 =	vld [tilespmem:s18+$0x10];
	_ =	sdelay $0x4  }
0x1e5: {  	[tilespmem:s17+$0x6190] =	vst v1  }
0x1e6: {  	v1 =	vld [tilespmem:s18+$0x20];
	_ =	sdelay $0x4  }
0x1e7: {  	[tilespmem:s17+$0x61A0] =	vst v1  }
0x1e8: {  	v1 =	vld [tilespmem:s18+$0x30];
	_ =	sdelay $0x3  }
0x1e9: {  	s25 =	sand.u32 $0xC0, s16  }
0x1ea: {  	s26 =	sshrl.u32 s25, $0x2;
	[tilespmem:s17+$0x61B0] =	vst v1  }
0x1eb: {  	v1 =	vld [tilespmem:s26+$0x100];
	_ =	sdelay $0x2  }
0x1ec: {  	s28 =	sand.u32 $0xF, s16  }
0x1ed: {  	v2 =	vmov s28  }
0x1ee: {  	vm15 =	veq.s32 v2, v0;
	v1 =	vxor.u32 $0x80000000, v1  }
0x1ef: {  	v1 =	vnsel vm15, $0x80000000, v1  }
0x1f0: {  	(xrf0) =	vmax.scan.msk.u32 $0xffff, v1;
	_ =	sdelay $0x5  }
0x1f1: {  	v1, _, _ =	vpop (xrf0)  }
0x1f2: {  	(v2sf) =	vpush v1, $0xF;
	_ =	sdelay $0xe  }
0x1f3: {  	s29 =	spop (v2sf)  }
0x1f4: {  	s16 =	simm.s32 $0x4;
	s30 =	sshll.u32 s29, $0x4  }
0x1f5: {  	s31 =	sand.u32 $0xC0, s16;
	s17 =	sand.u32 $0xFFFFF80, s30  }
0x1f6: {  	s18 =	sshrl.u32 s31, $0x2;
	s17 =	sadd.s32 s3, s17  }
0x1f7: {  	[tilespmem:s15], [sflag:$0x1] =	stream.linear.gather [hbm4b:s17+s2], $0x400, $0x38;
	[tilespmem:$0x1C180] =	vst v63  }
0x1f8: {  	s17 =	simm.s32 $0x1;
	v1 =	vld [tilespmem:s18+$0x100];
	s18 =	simm.s32 $0x2  }
.LBB2_26:
0x1f9: {  	p0 =	sne.s32 s18, $0x3F;
	_ =	sdelay $0x1  }
0x1fa: {  	s19 =	sand.u32 $0xF, s17;
	s17 =	smov.u32 s18  }
0x1fb: {  	v2 =	vmov s19  }
0x1fc: {  	vm0 =	veq.s32 v2, v0;
	v1 =	vxor.u32 $0x80000000, v1  }
0x1fd: {  	v1 =	vnsel vm0, $0x80000000, v1  }
0x1fe: {  	(xrf0) =	vmax.scan.msk.u32 $0xffff, v1;
	_ =	sdelay $0x5  }
0x1ff: {  	v1, _, _ =	vpop (xrf0)  }
0x200: {  	(v2sf) =	vpush v1, $0xF;
	_ =	sdelay $0xe  }
0x201: {  	s19 =	spop (v2sf)  }
.Ltmp12:
0x202: {  	s16 =	sadd.s32 $0x4, s16;
	s19 =	sshll.u32 s19, $0x4;
	(pc) =	sbr.rel @p0 .LBB2_26-.Ltmp12, $4  }
0x203: {  	s20 =	sand.u32 $0xC0, s16;
	s19 =	sand.u32 $0xFFFFF80, s19  }
0x204: {  	s15 =	sadd.s32 $0x400, s15;
	s20 =	sshrl.u32 s20, $0x2;
	s19 =	sadd.s32 s3, s19  }
0x205: {  	[tilespmem:s15], [sflag:$0x1] =	stream.linear.gather [hbm4b:s19+s2], $0x400, $0x38;
	[tilespmem:$0x1C180] =	vst v63  }
0x206: {  	s18 =	sadd.s32 $0x1, s18;
	v1 =	vld [tilespmem:s20+$0x100]  }
0x207: {  	_ =	sdelay $0x1  }
0x208: {  	s16 =	sand.u32 $0xF, s17  }
0x209: {  	v2 =	vmov s16  }
0x20a: {  	vm0 =	veq.s32 v2, v0;
	v1 =	vxor.u32 $0x80000000, v1  }
0x20b: {  	v1 =	vnsel vm0, $0x80000000, v1  }
0x20c: {  	(xrf0) =	vmax.scan.msk.u32 $0xffff, v1;
	_ =	sdelay $0x5  }
0x20d: {  	v1, _, _ =	vpop (xrf0)  }
0x20e: {  	(v2sf) =	vpush v1, $0xF;
	_ =	sdelay $0xe  }
0x20f: {  	s31 =	spop (v2sf)  }
0x210: {  	s16 =	sshll.u32 s31, $0x4  }
0x211: {  	s16 =	sand.u32 $0xFFFFF80, s16  }
0x212: {  	s15 =	sadd.s32 $0x400, s15;
	s16 =	sadd.s32 s3, s16  }
0x213: {  	[tilespmem:s15], [sflag:$0x1] =	stream.linear.gather [hbm4b:s16+s2], $0x400, $0x38;
	[tilespmem:$0x1C180] =	vst v63  }
0x214: {  	s15 =	simm.s32 $0x40  }
.LBB2_28:
0x215: {  	p0 =	sne.s32 s15, $0x1  }
.Ltmp13:
0x216: {  	_ = 	snop;
	(pc) =	sbr.rel @p0 .LBB2_28-.Ltmp13, $4  }
0x217: {  	_ = 	snop  }
0x218: {  	_ =	swait.ge [sflag:s11], $0x400  }
0x219: {  	[sflag:s11] =	ssyncset.done $0x0  }
0x21a: {  	s15 =	sadd.s32 $0xFFFFFFFF, s15;
	[sflag:s11] =	ssyncadd.s32 $0xFFFFFC00  }
0x21b: {  	s15 =	simm.s32 $0x0  }
0x21c: {  	s16 =	sand.u32 $0xC0, s15  }
0x21d: {  	s17 =	sshrl.u32 s16, $0x2  }
0x21e: {  	v1 =	vld [tilespmem:s17+$0x100];
	_ =	sdelay $0x2  }
0x21f: {  	s15 =	sand.u32 $0xF, s15  }
0x220: {  	v2 =	vmov s15  }
0x221: {  	vm0 =	veq.s32 v2, v0;
	v1 =	vxor.u32 $0x80000000, v1  }
0x222: {  	v1 =	vnsel vm0, $0x80000000, v1  }
0x223: {  	(xrf0) =	vmax.scan.msk.u32 $0xffff, v1;
	_ =	sdelay $0x5  }
0x224: {  	v1, _, _ =	vpop (xrf0)  }
0x225: {  	(v2sf) =	vpush v1, $0xF;
	_ =	sdelay $0xe  }
0x226: {  	s31 =	spop (v2sf)  }
0x227: {  	s15 =	sand.u32 $0x7, s31  }
0x228: {  	s15 =	sshll.u32 s15, $0x7  }
0x229: {  	s19 =	sadd.s32 $0xC180, s15  }
0x22a: {  	v1 =	vld [tilespmem:s19+$0x0];
	_ =	sdelay $0x3  }
0x22b: {  	s18 =	simm.s32 $0x81A0  }
0x22c: {  	[tilespmem:s18+$0xFFFFFFE0] =	vst v1  }
0x22d: {  	v1 =	vld [tilespmem:s19+$0x10];
	_ =	sdelay $0x4  }
0x22e: {  	[tilespmem:s18+$0xFFFFFFF0] =	vst v1  }
0x22f: {  	v1 =	vld [tilespmem:s19+$0x20];
	_ =	sdelay $0x4  }
0x230: {  	[tilespmem:s18+$0x0] =	vst v1  }
0x231: {  	v1 =	vld [tilespmem:s19+$0x30];
	_ =	sdelay $0x1  }
0x232: {  	s20 =	simm.s32 $0x4  }
0x233: {  	s22 =	simm.s32 $0x2;
	s21 =	simm.s32 $0x1;
	s23 =	sand.u32 $0xC0, s20  }
0x234: {  	s16 =	simm.s32 $0x1;
	s15 =	simm.s32 $0xC180;
	s19 =	simm.s32 $0xC180  }
.LBB2_30:
0x235: {  	p0 =	sne.s32 s22, $0x3F;
	s23 =	sshrl.u32 s23, $0x2;
	[tilespmem:s18+$0x10] =	vst v1  }
0x236: {  	v1 =	vld [tilespmem:s23+$0x100];
	_ =	sdelay $0x2  }
0x237: {  	s23 =	sand.u32 $0xF, s21;
	s21 =	smov.u32 s22  }
0x238: {  	v2 =	vmov s23  }
0x239: {  	vm1 =	veq.s32 v2, v0;
	v1 =	vxor.u32 $0x80000000, v1  }
0x23a: {  	v1 =	vnsel vm1, $0x80000000, v1  }
0x23b: {  	(xrf0) =	vmax.scan.msk.u32 $0xffff, v1;
	_ =	sdelay $0x5  }
0x23c: {  	v1, _, _ =	vpop (xrf0)  }
0x23d: {  	(v2sf) =	vpush v1, $0xF;
	_ =	sdelay $0xe  }
0x23e: {  	s23 =	spop (v2sf)  }
0x23f: {  	s23 =	sand.u32 $0x7, s23  }
0x240: {  	s19 =	sadd.s32 $0x400, s19;
	s23 =	sshll.u32 s23, $0x7  }
0x241: {  	s23 =	sadd.s32 s23, s19  }
0x242: {  	v1 =	vld [tilespmem:s23+$0x0];
	_ =	sdelay $0x3  }
0x243: {  	s18 =	sadd.s32 $0x80, s18  }
0x244: {  	[tilespmem:s18+$0xFFFFFFE0] =	vst v1  }
0x245: {  	v1 =	vld [tilespmem:s23+$0x10];
	_ =	sdelay $0x4  }
0x246: {  	[tilespmem:s18+$0xFFFFFFF0] =	vst v1  }
0x247: {  	v1 =	vld [tilespmem:s23+$0x20];
	_ =	sdelay $0x4  }
0x248: {  	[tilespmem:s18+$0x0] =	vst v1  }
.Ltmp14:
0x249: {  	v1 =	vld [tilespmem:s23+$0x30];
	(pc) =	sbr.rel @p0 .LBB2_30-.Ltmp14, $3  }
0x24a: {  	_ =	sdelay $0x1  }
0x24b: {  	s20 =	sadd.s32 $0x4, s20  }
0x24c: {  	s22 =	sadd.s32 $0x1, s22;
	s23 =	sand.u32 $0xC0, s20  }
0x24d: {  	s20 =	sshrl.u32 s23, $0x2;
	[tilespmem:s18+$0x10] =	vst v1  }
0x24e: {  	v1 =	vld [tilespmem:s20+$0x100];
	_ =	sdelay $0x2  }
0x24f: {  	s24 =	sand.u32 $0xF, s21  }
0x250: {  	v2 =	vmov s24  }
0x251: {  	vm1 =	veq.s32 v2, v0;
	v1 =	vxor.u32 $0x80000000, v1  }
0x252: {  	v1 =	vnsel vm1, $0x80000000, v1  }
0x253: {  	(xrf0) =	vmax.scan.msk.u32 $0xffff, v1;
	_ =	sdelay $0x5  }
0x254: {  	v1, _, _ =	vpop (xrf0)  }
0x255: {  	(v2sf) =	vpush v1, $0xF;
	_ =	sdelay $0xe  }
0x256: {  	s25 =	spop (v2sf)  }
0x257: {  	s20 =	sand.u32 $0x7, s25  }
0x258: {  	s19 =	sadd.s32 $0x400, s19;
	s20 =	sshll.u32 s20, $0x7  }
0x259: {  	s19 =	sadd.s32 s20, s19  }
0x25a: {  	v1 =	vld [tilespmem:s19+$0x0];
	_ =	sdelay $0x3  }
0x25b: {  	s26 =	sadd.s32 $0x80, s18  }
0x25c: {  	[tilespmem:s26+$0xFFFFFFE0] =	vst v1  }
0x25d: {  	v1 =	vld [tilespmem:s19+$0x10];
	_ =	sdelay $0x4  }
0x25e: {  	[tilespmem:s26+$0xFFFFFFF0] =	vst v1  }
0x25f: {  	v1 =	vld [tilespmem:s19+$0x20];
	_ =	sdelay $0x4  }
0x260: {  	[tilespmem:s26+$0x0] =	vst v1  }
0x261: {  	v1 =	vld [tilespmem:s19+$0x30];
	_ =	sdelay $0x4  }
0x262: {  	[tilespmem:s26+$0x10] =	vst v1  }
0x263: {  	v1 =	vld [tilespmem:s17+$0x140];
	_ =	sdelay $0x4  }
0x264: {  	v1 =	vxor.u32 $0x80000000, v1  }
0x265: {  	v1 =	vnsel vm0, $0x80000000, v1  }
0x266: {  	(xrf0) =	vmax.scan.msk.u32 $0xffff, v1;
	_ =	sdelay $0x5  }
0x267: {  	v1, _, _ =	vpop (xrf0)  }
0x268: {  	(v2sf) =	vpush v1, $0xF;
	_ =	sdelay $0xe  }
0x269: {  	s28 =	spop (v2sf)  }
0x26a: {  	s17 =	simm.s32 $0x4;
	s29 =	sshll.u32 s28, $0x4  }
0x26b: {  	s30 =	sand.u32 $0xC0, s17;
	s18 =	sand.u32 $0xFFFFF80, s29  }
0x26c: {  	s31 =	sshrl.u32 s30, $0x2;
	s18 =	sadd.s32 s3, s18  }
0x26d: {  	[tilespmem:s15], [sflag:$0x1] =	stream.linear.gather [hbm4b:s18+s2], $0x400, $0x38;
	[tilespmem:$0x1C180] =	vst v63  }
0x26e: {  	s18 =	simm.s32 $0x2;
	v1 =	vld [tilespmem:s31+$0x140]  }
.LBB2_32:
0x26f: {  	p0 =	sne.s32 s18, $0x3F;
	_ =	sdelay $0x1  }
0x270: {  	s19 =	sand.u32 $0xF, s16;
	s16 =	smov.u32 s18  }
0x271: {  	v2 =	vmov s19  }
0x272: {  	vm0 =	veq.s32 v2, v0;
	v1 =	vxor.u32 $0x80000000, v1  }
0x273: {  	v1 =	vnsel vm0, $0x80000000, v1  }
0x274: {  	(xrf0) =	vmax.scan.msk.u32 $0xffff, v1;
	_ =	sdelay $0x5  }
0x275: {  	v1, _, _ =	vpop (xrf0)  }
0x276: {  	(v2sf) =	vpush v1, $0xF;
	_ =	sdelay $0xe  }
0x277: {  	s19 =	spop (v2sf)  }
.Ltmp15:
0x278: {  	s17 =	sadd.s32 $0x4, s17;
	s19 =	sshll.u32 s19, $0x4;
	(pc) =	sbr.rel @p0 .LBB2_32-.Ltmp15, $4  }
0x279: {  	s20 =	sand.u32 $0xC0, s17;
	s19 =	sand.u32 $0xFFFFF80, s19  }
0x27a: {  	s15 =	sadd.s32 $0x400, s15;
	s20 =	sshrl.u32 s20, $0x2;
	s19 =	sadd.s32 s3, s19  }
0x27b: {  	[tilespmem:s15], [sflag:$0x1] =	stream.linear.gather [hbm4b:s19+s2], $0x400, $0x38;
	[tilespmem:$0x1C180] =	vst v63  }
0x27c: {  	s18 =	sadd.s32 $0x1, s18;
	v1 =	vld [tilespmem:s20+$0x140]  }
0x27d: {  	_ =	sdelay $0x1  }
0x27e: {  	s16 =	sand.u32 $0xF, s16  }
0x27f: {  	v2 =	vmov s16  }
0x280: {  	vm0 =	veq.s32 v2, v0;
	v1 =	vxor.u32 $0x80000000, v1  }
0x281: {  	v1 =	vnsel vm0, $0x80000000, v1  }
0x282: {  	(xrf0) =	vmax.scan.msk.u32 $0xffff, v1;
	_ =	sdelay $0x5  }
0x283: {  	v1, _, _ =	vpop (xrf0)  }
0x284: {  	(v2sf) =	vpush v1, $0xF;
	_ =	sdelay $0xe  }
0x285: {  	s31 =	spop (v2sf)  }
0x286: {  	s16 =	sshll.u32 s31, $0x4  }
0x287: {  	s16 =	sand.u32 $0xFFFFF80, s16  }
0x288: {  	s15 =	sadd.s32 $0x400, s15;
	s16 =	sadd.s32 s3, s16  }
0x289: {  	[tilespmem:s15], [sflag:$0x1] =	stream.linear.gather [hbm4b:s16+s2], $0x400, $0x38;
	[tilespmem:$0x1C180] =	vst v63  }
0x28a: {  	s15 =	simm.s32 $0x40  }
.LBB2_34:
0x28b: {  	p0 =	sne.s32 s15, $0x1  }
.Ltmp16:
0x28c: {  	_ = 	snop;
	(pc) =	sbr.rel @p0 .LBB2_34-.Ltmp16, $4  }
0x28d: {  	_ = 	snop  }
0x28e: {  	_ =	swait.ge [sflag:s11], $0x400  }
0x28f: {  	[sflag:s11] =	ssyncset.done $0x0  }
0x290: {  	s15 =	sadd.s32 $0xFFFFFFFF, s15;
	[sflag:s11] =	ssyncadd.s32 $0xFFFFFC00  }
0x291: {  	s15 =	simm.s32 $0x0  }
0x292: {  	s16 =	sand.u32 $0xC0, s15  }
0x293: {  	s16 =	sshrl.u32 s16, $0x2  }
0x294: {  	v1 =	vld [tilespmem:s16+$0x140];
	_ =	sdelay $0x2  }
0x295: {  	s15 =	sand.u32 $0xF, s15  }
0x296: {  	v2 =	vmov s15  }
0x297: {  	vm0 =	veq.s32 v2, v0;
	v1 =	vxor.u32 $0x80000000, v1  }
0x298: {  	v1 =	vnsel vm0, $0x80000000, v1  }
0x299: {  	(xrf0) =	vmax.scan.msk.u32 $0xffff, v1;
	_ =	sdelay $0x5  }
0x29a: {  	v1, _, _ =	vpop (xrf0)  }
0x29b: {  	(v2sf) =	vpush v1, $0xF;
	_ =	sdelay $0xe  }
0x29c: {  	s31 =	spop (v2sf)  }
0x29d: {  	s15 =	sand.u32 $0x7, s31  }
0x29e: {  	s15 =	sshll.u32 s15, $0x7  }
0x29f: {  	s19 =	sadd.s32 $0xC180, s15  }
0x2a0: {  	v1 =	vld [tilespmem:s19+$0x0];
	_ =	sdelay $0x3  }
0x2a1: {  	s15 =	simm.s32 $0xA1B0  }
0x2a2: {  	[tilespmem:s15+$0xFFFFFFD0] =	vst v1  }
0x2a3: {  	v1 =	vld [tilespmem:s19+$0x10];
	_ =	sdelay $0x4  }
0x2a4: {  	[tilespmem:s15+$0xFFFFFFE0] =	vst v1  }
0x2a5: {  	v1 =	vld [tilespmem:s19+$0x20];
	_ =	sdelay $0x4  }
0x2a6: {  	[tilespmem:s15+$0xFFFFFFF0] =	vst v1  }
0x2a7: {  	v1 =	vld [tilespmem:s19+$0x30];
	_ =	sdelay $0x2  }
0x2a8: {  	s18 =	simm.s32 $0x4;
	s17 =	simm.s32 $0x1  }
0x2a9: {  	s20 =	sand.u32 $0xC0, s18;
	s16 =	simm.s32 $0xC180;
	s19 =	simm.s32 $0x2  }
.LBB2_36:
0x2aa: {  	p0 =	sne.s32 s19, $0x3F;
	s20 =	sshrl.u32 s20, $0x2;
	[tilespmem:s15+$0x0] =	vst v1  }
0x2ab: {  	v1 =	vld [tilespmem:s20+$0x140];
	_ =	sdelay $0x2  }
0x2ac: {  	s20 =	sand.u32 $0xF, s17;
	s17 =	smov.u32 s19  }
0x2ad: {  	v2 =	vmov s20  }
0x2ae: {  	vm0 =	veq.s32 v2, v0;
	v1 =	vxor.u32 $0x80000000, v1  }
0x2af: {  	v1 =	vnsel vm0, $0x80000000, v1  }
0x2b0: {  	(xrf0) =	vmax.scan.msk.u32 $0xffff, v1;
	_ =	sdelay $0x5  }
0x2b1: {  	v1, _, _ =	vpop (xrf0)  }
0x2b2: {  	(v2sf) =	vpush v1, $0xF;
	_ =	sdelay $0xe  }
0x2b3: {  	s20 =	spop (v2sf)  }
0x2b4: {  	s20 =	sand.u32 $0x7, s20  }
0x2b5: {  	s16 =	sadd.s32 $0x400, s16;
	s20 =	sshll.u32 s20, $0x7  }
0x2b6: {  	s20 =	sadd.s32 s20, s16  }
0x2b7: {  	v1 =	vld [tilespmem:s20+$0x0];
	_ =	sdelay $0x3  }
0x2b8: {  	s15 =	sadd.s32 $0x80, s15  }
0x2b9: {  	[tilespmem:s15+$0xFFFFFFD0] =	vst v1  }
0x2ba: {  	v1 =	vld [tilespmem:s20+$0x10];
	_ =	sdelay $0x4  }
0x2bb: {  	[tilespmem:s15+$0xFFFFFFE0] =	vst v1  }
0x2bc: {  	v1 =	vld [tilespmem:s20+$0x20];
	_ =	sdelay $0x4  }
0x2bd: {  	[tilespmem:s15+$0xFFFFFFF0] =	vst v1  }
.Ltmp17:
0x2be: {  	v1 =	vld [tilespmem:s20+$0x30];
	(pc) =	sbr.rel @p0 .LBB2_36-.Ltmp17, $3  }
0x2bf: {  	_ =	sdelay $0x1  }
0x2c0: {  	s18 =	sadd.s32 $0x4, s18  }
0x2c1: {  	s19 =	sadd.s32 $0x1, s19;
	s20 =	sand.u32 $0xC0, s18  }
0x2c2: {  	s18 =	sshrl.u32 s20, $0x2;
	[tilespmem:s15+$0x0] =	vst v1  }
0x2c3: {  	v1 =	vld [tilespmem:s18+$0x140];
	_ =	sdelay $0x2  }
0x2c4: {  	s17 =	sand.u32 $0xF, s17  }
0x2c5: {  	v2 =	vmov s17  }
0x2c6: {  	vm0 =	veq.s32 v2, v0;
	v1 =	vxor.u32 $0x80000000, v1  }
0x2c7: {  	v1 =	vnsel vm0, $0x80000000, v1  }
0x2c8: {  	(xrf0) =	vmax.scan.msk.u32 $0xffff, v1;
	_ =	sdelay $0x5  }
0x2c9: {  	v1, _, _ =	vpop (xrf0)  }
0x2ca: {  	(v2sf) =	vpush v1, $0xF;
	_ =	sdelay $0xe  }
0x2cb: {  	s30 =	spop (v2sf)  }
0x2cc: {  	s17 =	sand.u32 $0x7, s30  }
0x2cd: {  	s16 =	sadd.s32 $0x400, s16;
	s17 =	sshll.u32 s17, $0x7  }
0x2ce: {  	s16 =	sadd.s32 s17, s16  }
0x2cf: {  	v1 =	vld [tilespmem:s16+$0x0];
	_ =	sdelay $0x3  }
0x2d0: {  	s31 =	sadd.s32 $0x80, s15  }
0x2d1: {  	[tilespmem:s31+$0xFFFFFFD0] =	vst v1  }
0x2d2: {  	v1 =	vld [tilespmem:s16+$0x10];
	_ =	sdelay $0x4  }
0x2d3: {  	[tilespmem:s31+$0xFFFFFFE0] =	vst v1  }
0x2d4: {  	v1 =	vld [tilespmem:s16+$0x20];
	_ =	sdelay $0x4  }
0x2d5: {  	[tilespmem:s31+$0xFFFFFFF0] =	vst v1  }
0x2d6: {  	v1 =	vld [tilespmem:s16+$0x30];
	_ =	sdelay $0x4  }
0x2d7: {  	[tilespmem:s31+$0x0] =	vst v1  }
0x2d8: {  	[hbm4b:s6+s2] =	stream.linear.scatter [tilespmem:s12], [sflag:$0x2], $0x8000, $0x38;
	[tilespmem:$0x1C180] =	vst v63  }
0x2d9: {  	s14 =	sadd.s32 $0x1, s14;
	_ =	swait.ge [sflag:s9], $0x8000  }
0x2da: {  	p0 =	sne.s32 s14, s8;
	[sflag:s9] =	ssyncset.done $0x0  }
.Ltmp18:
0x2db: {  	[sflag:s9] =	ssyncadd.s32 $0xFFFF8000;
	(pc) =	sbr.rel @p0 .LBB2_1-.Ltmp18, $4  }
0x2dc: {  	[hbm4b:s7+s2] =	stream.linear.scatter [tilespmem:s13], [sflag:$0x2], $0x4000, $0x38;
	[tilespmem:$0x1C180] =	vst v63  }
0x2dd: {  	_ =	swait.ge [sflag:s9], $0x4000  }
0x2de: {  	[sflag:s9] =	ssyncset.done $0x0  }
0x2df: {  	[sflag:s9] =	ssyncadd.s32 $0xFFFFC000  }
0x2e0: {  	_ =	sfence.sel $0x180000  }
0x2e1: {  	[bflag:$0x0] =	sbarrier.arrive $0xFFFF  }
0x2e2: {  	p0 =	sne.s32 s1, $0x0;
	_ =	strace $0x9000004A  }
0x2e3: {  	s0 =	sadd.s32 @!p0 $0x100000, s0;
	[bflag:$0x2] =	sbarrier.arrive $0xFFFF  }
0x2e4: {  	[sflag:s0] =	ssyncadd.tile.s32 @!p0 $0x1;
	_ =	shalt  }
.Lfunc_end2:
_tile_overlayer_lowered:
.L_overlay_start_2:
0x2e5: {  	(tag) =	ssettag $0x2  }
0x2e6: {  	s0 =	rddreg [dreg:$0x0];
	s2 =	stileid.u32  }
0x2e7: {  	s1 =	rddreg [dreg:$0x1];
	p0 =	sne.s32 s2, $0x0  }
0x2e8: {  	s3 =	rddreg [dreg:$0x2];
	[bflag:$0x3] =	sbarrier.arrive $0xFFFF;
	s2 =	simm.s32 @!p0 $0x1C02  }
0x2e9: {  	[timem:s3], [sflag:s2] =	dma.local @!p0 [hbm:s0], s1  }
0x2ea: {  	s0 =	simm.s32 @!p0 $0x2  }
0x2eb: {  	_ =	swait.ge @!p0 [sflag:s0], s1  }
0x2ec: {  	s1 =	ssub.s32 @!p0 $0x0, s1;
	[sflag:s0] =	ssyncset.done @!p0 $0x0  }
0x2ed: {  	[sflag:s0] =	ssyncadd.s32 @!p0 s1  }
0x2ee: {  	[bflag:$0x3] =	sbarrier.arrive $0xFFFF  }
0x2ef: {  	_ =	shalt  }

// kernel: kernel.9.cloned.1.call-start
scs
__scs_entry_jumppad:
0x0: {  	(pc) =	sbr.rel $0x88, $3  }
0x1: {  	(tag) =	ssettag $0x0;
	lr =	simm.s32 $0x1  }
0x2: {  	[smem:$0x3F9C] =	sst lr;
	_ =	strace $0xD0000000  }
0x3: {  	_ = 	snop  }
0x4: {  	_ = 	snop  }
0x5: {  	_ = 	snop  }
0x6: {  	_ = 	snop  }
0x7: {  	_ = 	snop  }
__scs_overlays_trampoline_lowered:
0x8: {  	[smem:$0x3FAB] =	sst s0  }
0x9: {  	[smem:$0x3FAC] =	sst s1  }
0xa: {  	[smem:$0x3FAD] =	sst s2  }
0xb: {  	[smem:$0x3FAE] =	sst s3  }
0xc: {  	[smem:$0x3FAF] =	sst s4  }
0xd: {  	[smem:$0x3FB0] =	sst s5  }
0xe: {  	[smem:$0x3FB1] =	sst s6  }
0xf: {  	[smem:$0x3FB2] =	sst s7  }
0x10: {  	[smem:$0x3FB3] =	sst s8  }
0x11: {  	[smem:$0x3FB4] =	sst s9;
	s0 =	simm.s32 @!p0 $0x0  }
0x12: {  	s1 =	sld [smem:$0x3F9A];
	s0 =	simm.s32 @p0 $0x1  }
0x13: {  	[smem:$0x3FB5] =	sst s0;
	s0 =	simm.s32 @!p1 $0x0  }
0x14: {  	s2 =	sld [smem:$0x3F99];
	s0 =	simm.s32 @p1 $0x1  }
0x15: {  	[smem:$0x3FB6] =	sst s0;
	s0 =	simm.s32 @!p2 $0x0  }
0x16: {  	s3 =	sld [smem:$0x3FDB];
	s0 =	simm.s32 @p2 $0x1  }
0x17: {  	s4 =	simm.s32 $0x1BF5;
	[smem:$0x3FB8] =	sst s0  }
0x18: {  	s0 =	sld [smem:$0x3F9B];
	_ =	swait.ge [sflag:s4], $0x0  }
0x19: {  	s7 =	sld [smem:$0x3F9C]  }
0x1a: {  	s8 =	sadd.s32 $0xFFFFE003, lr  }
0x1b: {  	s9 =	sadd.s32 $0xFFFFFEF7, lr;
	s5 =	simm.s32 $0xFFFFFFFF;
	p2 =	slt.u32 s8, $0xFFFFF086  }
0x1c: {  	p1 =	slt.u32 s9, $0xF7A;
	s5 =	simm.s32 @!p2 $0x0  }
0x1d: {  	s5 =	simm.s32 @p1 $0x1;
	p0 =	seq.s32 s7, s2  }
0x1e: {  	s7 =	smul.u32 @!p0 $0xF7A, s2;
	p2 =	seq.s32 @!p0 s5, $0x0  }
0x1f: {  	s9 =	smul.u32 $0xF7A, s1;
	s8 =	simm.s32 @!p0 $0x1BF5;
	p2 =	por !p2, p0  }
0x20: {  	[sflag:s8] =	ssyncset.s32 @!p0 $0xFFFFF086;
	s6 =	sadd.s32 @!p0 s3, s7;
	s7 =	simm.s32 @!p0 $0x108  }
0x21: {  	s3 =	sadd.s32 s3, s9;
	s6 =	sadd.s32 @!p0 $0x88, s6;
	s7 =	simm.s32 @p2 $0x1082  }
0x22: {  	[simem:s7], [sflag:s8] =	dma.local @!p0 [hbm:s6], $0xF7A  }
0x23: {  	s9 =	sor.u32 $0xD0000000, s2;
	s6 =	simm.s32 $0x108;
	_ =	swait.ge @!p0 [sflag:s8], $0x0  }
0x24: {  	s3 =	sadd.s32 $0x88, s3;
	s6 =	simm.s32 @!p1 $0x1082;
	[sflag:s4] =	ssyncset.s32 $0xFFFFF086  }
0x25: {  	[simem:s6], [sflag:s4] =	dma.local [hbm:s3], $0xF7A  }
0x26: {  	[smem:$0x3F9C] =	sst s1;
	(tag) =	ssettag s2;
	_ =	strace s9  }
0x27: {  	s1 =	sld [smem:$0x3FAC]  }
0x28: {  	s2 =	sld [smem:$0x3FAD]  }
0x29: {  	s4 =	sld [smem:$0x3FAF]  }
0x2a: {  	p0 =	seq.s32 s5, $0x0;
	s5 =	sld [smem:$0x3FB0]  }
0x2b: {  	s6 =	sld [smem:$0x3FB1]  }
0x2c: {  	s7 =	sld [smem:$0x3FB2]  }
0x2d: {  	s3 =	simm.s32 $0x108;
	s8 =	sld [smem:$0x3FB3]  }
0x2e: {  	s3 =	simm.s32 @!p0 $0x1082;
	s9 =	sld [smem:$0x3FB4]  }
0x2f: {  	lr =	sadd.s32 s0, s3;
	s0 =	sld [smem:$0x3FAB]  }
0x30: {  	s3 =	sld [smem:$0x3FAE]  }
0x31: {  	[smem:$0x3FB7] =	sst s10  }
0x32: {  	s10 =	sld [smem:$0x3FB5];
	_ =	sdelay $0x3  }
0x33: {  	p0 =	seq.s32 s10, $0x1;
	s10 =	sld [smem:$0x3FB7];
	_ =	sdelay $0x3  }
0x34: {  	[smem:$0x3FB7] =	sst s10  }
0x35: {  	s10 =	sld [smem:$0x3FB6];
	_ =	sdelay $0x3  }
0x36: {  	p1 =	seq.s32 s10, $0x1;
	s10 =	sld [smem:$0x3FB7];
	_ =	sdelay $0x3  }
0x37: {  	[smem:$0x3FB7] =	sst s10  }
0x38: {  	s10 =	sld [smem:$0x3FB8]  }
0x39: {  	_ = 	snop;
	(pc) =	sbr.ind lr, $3  }
0x3a: {  	_ = 	snop  }
0x3b: {  	_ = 	snop  }
0x3c: {  	p2 =	seq.s32 s10, $0x1;
	s10 =	sld [smem:$0x3FB7]  }
0x3d: {  	_ =	shalt  }
0x3e: {  	_ =	shalt  }
0x3f: {  	_ =	shalt  }
0x40: {  	_ =	shalt  }
0x41: {  	_ =	shalt  }
0x42: {  	_ =	shalt  }
0x43: {  	_ =	shalt  }
0x44: {  	_ =	shalt  }
0x45: {  	_ =	shalt  }
0x46: {  	_ =	shalt  }
0x47: {  	_ =	shalt  }
0x48: {  	_ =	shalt  }
0x49: {  	_ =	shalt  }
0x4a: {  	_ =	shalt  }
0x4b: {  	_ =	shalt  }
0x4c: {  	_ =	shalt  }
0x4d: {  	_ =	shalt  }
0x4e: {  	_ =	shalt  }
0x4f: {  	_ =	shalt  }
0x50: {  	_ =	shalt  }
0x51: {  	_ =	shalt  }
0x52: {  	_ =	shalt  }
0x53: {  	_ =	shalt  }
0x54: {  	_ =	shalt  }
0x55: {  	_ =	shalt  }
0x56: {  	_ =	shalt  }
0x57: {  	_ =	shalt  }
0x58: {  	_ =	shalt  }
0x59: {  	_ =	shalt  }
0x5a: {  	_ =	shalt  }
0x5b: {  	_ =	shalt  }
0x5c: {  	_ =	shalt  }
0x5d: {  	_ =	shalt  }
0x5e: {  	_ =	shalt  }
0x5f: {  	_ =	shalt  }
0x60: {  	_ =	shalt  }
0x61: {  	_ =	shalt  }
0x62: {  	_ =	shalt  }
0x63: {  	_ =	shalt  }
0x64: {  	_ =	shalt  }
0x65: {  	_ =	shalt  }
0x66: {  	_ =	shalt  }
0x67: {  	_ =	shalt  }
0x68: {  	_ =	shalt  }
0x69: {  	_ =	shalt  }
0x6a: {  	_ =	shalt  }
0x6b: {  	_ =	shalt  }
0x6c: {  	_ =	shalt  }
0x6d: {  	_ =	shalt  }
0x6e: {  	_ =	shalt  }
0x6f: {  	_ =	shalt  }
0x70: {  	_ =	shalt  }
0x71: {  	_ =	shalt  }
0x72: {  	_ =	shalt  }
0x73: {  	_ =	shalt  }
0x74: {  	_ =	shalt  }
0x75: {  	_ =	shalt  }
0x76: {  	_ =	shalt  }
0x77: {  	_ =	shalt  }
0x78: {  	_ =	shalt  }
0x79: {  	_ =	shalt  }
0x7a: {  	_ =	shalt  }
0x7b: {  	_ =	shalt  }
0x7c: {  	_ =	shalt  }
0x7d: {  	_ =	shalt  }
0x7e: {  	_ =	shalt  }
0x7f: {  	_ =	shalt  }
0x80: {  	_ =	shalt  }
0x81: {  	_ =	shalt  }
0x82: {  	_ =	shalt  }
0x83: {  	_ =	shalt  }
0x84: {  	_ =	shalt  }
0x85: {  	_ =	shalt  }
0x86: {  	_ =	shalt  }
0x87: {  	_ =	shalt  }
.Lfunc_end0:
.L_simem_size_0:
called_computation.1_lowered:
.L_overlay_start_0:
0x88: {  	s2 =	sld [smem:$0x3FD9]  }
0x89: {  	s3 =	sld [smem:$0x3FFE];
	_ =	sdelay $0x1  }
0x8a: {  	s1 =	srdreg.scid  }
0x8b: {  	s0 =	sand.u32 $0x1, s1  }
0x8c: {  	s17 =	sshll.u32 s0, $0xA;
	s2 =	sadd.s32 s3, s2  }
0x8d: {  	s2 =	sadd.s32 s2, s17  }
0x8e: {  	[smem:$0x3FC3] =	sst s2  }
0x8f: {  	_ = 	snop  }
0x90: {  	s2 =	sld [smem:$0x3FC8]  }
0x91: {  	s18 =	sld [smem:$0x3FC6]  }
0x92: {  	s4 =	sld [smem:$0x3FC5];
	(tm) =	ssettm $0x1  }
0x93: {  	s5 =	sld [smem:$0x3FFB];
	_ =	sdelay $0x3  }
0x94: {  	_ =	strace s5  }
0x95: {  	s5 =	sld [smem:$0x3FFC];
	_ =	sdelay $0x3  }
0x96: {  	_ =	strace s5  }
0x97: {  	s5 =	sld [smem:$0x3FFD];
	_ =	sdelay $0x3  }
0x98: {  	_ =	strace s5  }
0x99: {  	_ =	strace $0x8FFFFFFF  }
0x9a: {  	s19 =	sld [smem:$0x3FDB];
	_ =	sdelay $0x1  }
0x9b: {  	s6 =	simm.s32 $_scs_section_size  }
0x9c: {  	s7 =	simm.s32 $_size__tile_overlayer_lowered;
	s8 =	simm.s32 $_tile_overlayer_lowered  }
0x9d: {  	s22 =	simm.s32 $0x1BFF;
	s21 =	sshll.u32 s8, $0x1;
	s5 =	sadd.s32 s6, s19  }
0x9e: {  	s9 =	simm.s32 $0x0;
	s20 =	sshll.u32 s7, $0x1;
	s7 =	sadd.s32 s21, s5  }
0x9f: {  	[timem:s9], [sflag:s22] =	dma.local [hbm:s7], s20  }
0xa0: {  	_ =	swait.ge [sflag:s22], s20  }
0xa1: {  	s6 =	ssub.s32 $0x0, s20;
	[sflag:s22] =	ssyncset.done $0x0  }
0xa2: {  	[sflag:s22] =	ssyncadd.s32 s6;
	_ =	sdelay $0x1  }
0xa3: {  	s23 =	simm.s32 $0x1B8B  }
0xa4: {  	_ =	swait.ge [sflag:s23], $0x1  }
0xa5: {  	[sflag:s23] =	ssyncset.done $0x0  }
0xa6: {  	s25 =	simm.s32 $0x1B8E;
	s24 =	sld [smem:$0x3FFE];
	[sflag:s23] =	ssyncadd.s32 $0xFFFFFFFF  }
0xa7: {  	s26 =	simm.s32 $execute0_lowered;
	[smem:$0x3FD2] =	sst s25  }
0xa8: {  	s7 =	sshll.u32 s26, $0x1;
	_ =	strace $0x80000046;
	[dreg:$0x1] =	wrdreg $0xFFFFFFFF  }
0xa9: {  	s28 =	simm.s32 $_size_execute0_lowered;
	s5 =	sadd.s32 s5, s7;
	[dreg:$0x0] =	wrdreg $0x0  }
0xaa: {  	s7 =	sshll.u32 s28, $0x1;
	[dreg:$0x2] =	wrdreg s5  }
0xab: {  	[dreg:$0x3] =	wrdreg s7  }
0xac: {  	[dreg:$0x4] =	wrdreg $0xC0  }
0xad: {  	_ =	task [dreg:s9], $0x5FFFF  }
0xae: {  	[dreg:$0x1] =	wrdreg $0xFFFFFFFF  }
0xaf: {  	[dreg:$0x0] =	wrdreg $0x60  }
0xb0: {  	[dreg:$0x2] =	wrdreg s18  }
0xb1: {  	[dreg:$0x3] =	wrdreg s4  }
0xb2: {  	[dreg:$0x4] =	wrdreg s2  }
0xb3: {  	[dreg:$0x5] =	wrdreg s24  }
0xb4: {  	[dreg:$0x6] =	wrdreg $0xA  }
0xb5: {  	_ =	task.clear_ibuf [dreg:s9], $0x7FFFF;
	_ =	strace $0x90000046  }
0xb6: {  	s29 =	simm.s32 $0xA;
	_ =	strace $0x80000048  }
0xb7: {  	_ =	swait.ge [sflag:s29], $0x1  }
0xb8: {  	[sflag:s29] =	ssyncadd.s32 $0xFFFFFFFF  }
0xb9: {  	_ =	strace $0x90000048  }
0xba: {  	_ =	sfence  }
0xbb: {  	s30 =	sld [smem:$0x0];
	_ =	sdelay $0x2  }
0xbc: {  	s31 =	sshll.u32 s1, $0xD;
	s1 =	sshrl.u32 s1, $0x2  }
0xbd: {  	s3 =	sand.u32 $0x4000, s31;
	s1 =	sadd.s32 s1, s30  }
0xbe: {  	s0 =	sor.u32 s3, s0;
	s1 =	sshll.u32 s1, $0x11  }
0xbf: {  	s0 =	sor.u32 s1, s0  }
0xc0: {  	s0 =	sadd.s32 $0x8F2B, s0  }
0xc1: {  	[sflag:s0] =	ssyncadd.remote.s32 $0x1  }
0xc2: {  	_ =	sfence.sel $0xFFFF  }
0xc3: {  	[dreg:$0x0] =	wrdreg $0xFFFFFFFF;
	(pc) =	sbr.abs _section_cstart, $3  }
0xc4: {  	[dreg:$0x1] =	wrdreg $0xFFFFFFFF  }
0xc5: {  	_ =	task.clear_ibuf [dreg:s9], $0x2FFFF;
	_ =	strace $0x9FFFFFFF  }
0xc6: {  	(tm) =	ssettm $0x7FFFFFFF  }
0xc7: {  	_ =	shalt  }
tec
execute0_lowered:
.L_overlay_start_1:
0x0: {  	(tag) =	ssettag $0x1  }
0x1: {  	s1 =	rddreg [dreg:$0x0]  }
0x2: {  	s4 =	rddreg [dreg:$0x1]  }
0x3: {  	s6 =	rddreg [dreg:$0x2]  }
0x4: {  	s2 =	srdreg.scid;
	s0 =	stileid.u32  }
0x5: {  	s14 =	rddreg [dreg:$0x3];
	s13 =	sand.u32 $0x1, s2;
	s5 =	sshll.u32 s0, $0x1  }
0x6: {  	s3 =	simm.s32 $0x0;
	s2 =	rddreg [dreg:$0x4];
	s7 =	sor.u32 s13, s5  }
0x7: {  	[smem:$0x7FF] =	sst s3;
	s15 =	sshll.u32 s7, $0x5  }
0x8: {  	_ =	strace $0x80000047;
	s5 =	sadd.s32 s4, s15;
	s4 =	simm.s32 $0x2  }
0x9: {  	[tilespmem:s3], [sflag:$0x2] =	stream.linear.gather [hbm4b:s5+s3], $0x100, $0x38;
	[tilespmem:$0x300] =	vst v63  }
0xa: {  	_ =	swait.ge [sflag:s4], $0x100  }
0xb: {  	s16 =	sshll.u32 s7, $0x4;
	[sflag:s4] =	ssyncset.done $0x0  }
0xc: {  	s7 =	simm.s32 $0x100;
	s6 =	sadd.s32 s6, s16;
	[sflag:s4] =	ssyncadd.s32 $0xFFFFFF00  }
0xd: {  	[tilespmem:s7], [sflag:$0x2] =	stream.linear.gather [hbm4b:s6+s3], $0x80, $0x38;
	[tilespmem:$0x300] =	vst v63  }
0xe: {  	_ =	swait.ge [sflag:s4], $0x80  }
0xf: {  	[sflag:s4] =	ssyncset.done $0x0  }
0x10: {  	s8 =	simm.s32 $0x80;
	s9 =	simm.s32 $0x180;
	[sflag:s4] =	ssyncadd.s32 $0xFFFFFF80  }
0x11: {  	[tilespmem:s9], [sflag:$0x1] =	stream.indirect.gather [hbm4b:s1+s8], $0x1, s3, s8, $0xb8;
	[tilespmem:$0x300] =	vst v63  }
0x12: {  	s10 =	simm.s32 $0x200  }
0x13: {  	[tilespmem:s10], [sflag:$0x1] =	stream.indirect.gather [hbm4b:s1+s8], $0x1, s8, s8, $0xb8;
	[tilespmem:$0x300] =	vst v63  }
0x14: {  	s11 =	simm.s32 $0x280;
	s12 =	simm.s32 $0x1  }
0x15: {  	[tilespmem:s11], [sflag:$0x1] =	stream.indirect.gather [hbm4b:s1+s8], $0x1, s7, s8, $0xb8;
	[tilespmem:$0x300] =	vst v63  }
0x16: {  	_ =	swait.ge [sflag:s12], $0x80  }
0x17: {  	[sflag:s12] =	ssyncset.done $0x0  }
0x18: {  	[sflag:s12] =	ssyncadd.s32 $0xFFFFFF80  }
0x19: {  	_ =	swait.ge [sflag:s12], $0x80  }
0x1a: {  	[sflag:s12] =	ssyncset.done $0x0  }
0x1b: {  	s17 =	ssub.s32 $0x2, s13;
	[sflag:s12] =	ssyncadd.s32 $0xFFFFFF80  }
0x1c: {  	s31 =	sshrl.u32 s17, $0x1;
	s15 =	sadd.s32 s15, s14;
	_ =	swait.ge [sflag:s12], $0x80  }
0x1d: {  	s13 =	sadd.s32 $0x1E00, s15;
	s15 =	ssub.s32 s17, s31;
	[sflag:s12] =	ssyncset.done $0x0  }
0x1e: {  	s15 =	smax.u32 s15, $0x1;
	[sflag:s12] =	ssyncadd.s32 $0xFFFFFF80  }
0x1f: {  	[hbm4b:s13+s3] =	stream.linear.scatter [tilespmem:s9], [sflag:$0x2], $0x100, $0x38;
	[tilespmem:$0x300] =	vst v63  }
0x20: {  	p0 =	sne.s32 s15, $0x1;
	_ =	swait.ge [sflag:s4], $0x100  }
.Ltmp0:
0x21: {  	s14 =	sadd.s32 s16, s14;
	[sflag:s4] =	ssyncset.done $0x0;
	(pc) =	sbr.rel @!p0 .LBB2_2-.Ltmp0, $4  }
0x22: {  	s14 =	sadd.s32 $0x1C00, s14;
	[sflag:s4] =	ssyncadd.s32 $0xFFFFFF00  }
0x23: {  	[hbm4b:s14+s3] =	stream.linear.scatter [tilespmem:s11], [sflag:$0x2], $0x80, $0x38;
	[tilespmem:$0x300] =	vst v63  }
0x24: {  	_ =	swait.ge [sflag:s4], $0x80  }
0x25: {  	s15 =	sadd.s32 $0xFFFFFFFF, s15;
	[sflag:s4] =	ssyncset.done $0x0  }
.LBB2_1:
0x26: {  	p0 =	sne.s32 s15, $0x1;
	s15 =	sadd.s32 $0xFFFFFFFF, s15;
	[sflag:s4] =	ssyncadd.s32 $0xFFFFFF80  }
0x27: {  	[tilespmem:s3], [sflag:$0x2] =	stream.linear.gather [hbm4b:s5+s3], $0x100, $0x38;
	[tilespmem:$0x300] =	vst v63  }
0x28: {  	_ =	swait.ge [sflag:s4], $0x100  }
0x29: {  	[sflag:s4] =	ssyncset.done $0x0  }
0x2a: {  	[sflag:s4] =	ssyncadd.s32 $0xFFFFFF00  }
0x2b: {  	[tilespmem:s7], [sflag:$0x2] =	stream.linear.gather [hbm4b:s6+s3], $0x80, $0x38;
	[tilespmem:$0x300] =	vst v63  }
0x2c: {  	_ =	swait.ge [sflag:s4], $0x80  }
0x2d: {  	[sflag:s4] =	ssyncset.done $0x0  }
0x2e: {  	[sflag:s4] =	ssyncadd.s32 $0xFFFFFF80  }
0x2f: {  	[tilespmem:s9], [sflag:$0x1] =	stream.indirect.gather [hbm4b:s1+s8], $0x1, s3, s8, $0xb8;
	[tilespmem:$0x300] =	vst v63  }
0x30: {  	_ = 	snop  }
0x31: {  	[tilespmem:s10], [sflag:$0x1] =	stream.indirect.gather [hbm4b:s1+s8], $0x1, s8, s8, $0xb8;
	[tilespmem:$0x300] =	vst v63  }
0x32: {  	_ = 	snop  }
0x33: {  	[tilespmem:s11], [sflag:$0x1] =	stream.indirect.gather [hbm4b:s1+s8], $0x1, s7, s8, $0xb8;
	[tilespmem:$0x300] =	vst v63  }
0x34: {  	_ =	swait.ge [sflag:s12], $0x80  }
0x35: {  	[sflag:s12] =	ssyncset.done $0x0  }
0x36: {  	[sflag:s12] =	ssyncadd.s32 $0xFFFFFF80  }
0x37: {  	_ =	swait.ge [sflag:s12], $0x80  }
0x38: {  	[sflag:s12] =	ssyncset.done $0x0  }
0x39: {  	[sflag:s12] =	ssyncadd.s32 $0xFFFFFF80  }
0x3a: {  	_ =	swait.ge [sflag:s12], $0x80  }
0x3b: {  	[sflag:s12] =	ssyncset.done $0x0  }
0x3c: {  	[sflag:s12] =	ssyncadd.s32 $0xFFFFFF80  }
0x3d: {  	[hbm4b:s13+s3] =	stream.linear.scatter [tilespmem:s9], [sflag:$0x2], $0x100, $0x38;
	[tilespmem:$0x300] =	vst v63  }
0x3e: {  	_ =	swait.ge [sflag:s4], $0x100  }
.Ltmp1:
0x3f: {  	[sflag:s4] =	ssyncset.done $0x0;
	(pc) =	sbr.rel @p0 .LBB2_1-.Ltmp1, $4  }
0x40: {  	[sflag:s4] =	ssyncadd.s32 $0xFFFFFF00  }
0x41: {  	[hbm4b:s14+s3] =	stream.linear.scatter [tilespmem:s11], [sflag:$0x2], $0x80, $0x38;
	[tilespmem:$0x300] =	vst v63  }
0x42: {  	_ =	swait.ge [sflag:s4], $0x80  }
0x43: {  	[sflag:s4] =	ssyncset.done $0x0  }
.LBB2_2:
0x44: {  	[sflag:s4] =	ssyncadd.s32 $0xFFFFFF80  }
0x45: {  	_ =	sfence.sel $0x180000  }
0x46: {  	[bflag:$0x0] =	sbarrier.arrive $0xFFFF  }
0x47: {  	p0 =	sne.s32 s0, $0x0;
	_ =	strace $0x90000047  }
0x48: {  	s0 =	sadd.s32 @!p0 $0x100000, s2;
	[bflag:$0x2] =	sbarrier.arrive $0xFFFF  }
0x49: {  	[sflag:s0] =	ssyncadd.tile.s32 @!p0 $0x1;
	_ =	shalt  }
.Lfunc_end2:
_tile_overlayer_lowered:
.L_overlay_start_2:
0x4a: {  	(tag) =	ssettag $0x2  }
0x4b: {  	s0 =	rddreg [dreg:$0x0];
	s2 =	stileid.u32  }
0x4c: {  	s1 =	rddreg [dreg:$0x1];
	p0 =	sne.s32 s2, $0x0  }
0x4d: {  	s3 =	rddreg [dreg:$0x2];
	[bflag:$0x3] =	sbarrier.arrive $0xFFFF;
	s2 =	simm.s32 @!p0 $0x1C02  }
0x4e: {  	[timem:s3], [sflag:s2] =	dma.local @!p0 [hbm:s0], s1  }
0x4f: {  	s0 =	simm.s32 @!p0 $0x2  }
0x50: {  	_ =	swait.ge @!p0 [sflag:s0], s1  }
0x51: {  	s1 =	ssub.s32 @!p0 $0x0, s1;
	[sflag:s0] =	ssyncset.done @!p0 $0x0  }
0x52: {  	[sflag:s0] =	ssyncadd.s32 @!p0 s1  }
0x53: {  	[bflag:$0x3] =	sbarrier.arrive $0xFFFF  }
0x54: {  	_ =	shalt  }

</sc_bundles>
